<compile_context>
chip_gen: v7x
topology: tpu7x:2x2x1
jax: 0.10.2.dev20260603
libtpu: 0.0.44.dev20260713+nightly
codegen_flags: <defaults>
</compile_context>

<pallas_src>
import functools

import jax
import jax.numpy as jnp
from jax import lax
from jax.experimental import pallas as pl
from jax.experimental.pallas import tpu as pltpu
from jax.experimental.pallas import tpu_sc as plsc

N = 10000
E = 320000
D = 128

NC = 2
NS = 16
L = 16
NW = NC * NS
EPT = E // NW
CH = 40
NCHUNK = EPT // CH
K = 5
IB = 50
NBLK = NCHUNK // IB
NG = IB // K
RA = 624
TAIL = N - NS * RA
ZR = 16

BR = 1000

_mesh = plsc.VectorSubcoreMesh(core_axis_name="c", subcore_axis_name="s")


def _make_sc_agg(with_deg):
    out_type = [jax.ShapeDtypeStruct((NC, N, D), jnp.float32)]
    scratch = [
        pltpu.VMEM((IB, CH), jnp.int32),
        pltpu.VMEM((IB, CH), jnp.int32),
        pltpu.VMEM((ZR, D), jnp.float32),
        pltpu.VMEM_SHARED((N, D), jnp.float32),
    ]
    if with_deg:
        out_type.append(jax.ShapeDtypeStruct((NC, N, D), jnp.float32))
        scratch.append(pltpu.VMEM((CH, D), jnp.float32))
    scratch += ([pltpu.SemaphoreType.DMA for _ in range(K)]
                + [pltpu.SemaphoreType.DMA for _ in range(K)]
                + [pltpu.VMEM((CH, D), jnp.float32) for _ in range(K)])

    @functools.partial(
        pl.kernel,
        mesh=_mesh,
        out_type=tuple(out_type) if with_deg else out_type[0],
        scratch_types=scratch,
    )
    def k(feat_hbm, src_hbm, dst_hbm, *refs):
        if with_deg:
            agg_out, deg_out, sidx, didx, zbuf, acc_sh, ones = refs[:7]
            rest = refs[7:]
        else:
            agg_out, sidx, didx, zbuf, acc_sh = refs[:5]
            deg_out = ones = None
            rest = refs[5:]
        gsem = rest[:K]
        ssem = rest[K:2 * K]
        rows = rest[2 * K:]
        cid = lax.axis_index("c")
        sid = lax.axis_index("s")
        wid = cid * NS + sid
        rbase = sid * RA
        is_last = sid == NS - 1

        @pl.loop(0, ZR)
        def _(r):
            @pl.loop(0, D, step=L)
            def _(c0):
                zbuf[r, pl.ds(c0, L)] = jnp.zeros((L,), jnp.float32)

        def zero_acc():
            @pl.loop(0, RA, step=ZR)
            def _(r0):
                pltpu.sync_copy(zbuf, acc_sh.at[pl.ds(rbase + r0, ZR)])

            @pl.when(is_last)
            def _():
                pltpu.sync_copy(zbuf.at[pl.ds(0, TAIL)],
                                acc_sh.at[pl.ds(NS * RA, TAIL)])

        def write_out(out):
            pltpu.sync_copy(acc_sh.at[pl.ds(rbase, RA)],
                            out.at[cid, pl.ds(rbase, RA)])

            @pl.when(is_last)
            def _():
                pltpu.sync_copy(acc_sh.at[pl.ds(NS * RA, TAIL)],
                                out.at[cid, pl.ds(NS * RA, TAIL)])

        zero_acc()

        if with_deg:
            @pl.loop(0, CH)
            def _(r):
                @pl.loop(0, D, step=L)
                def _(c0):
                    ones[r, pl.ds(c0, L)] = jnp.ones((L,), jnp.float32)

            plsc.subcore_barrier()

            @pl.loop(0, NBLK)
            def _(blk):
                pltpu.sync_copy(dst_hbm.at[wid, blk], didx)

                @pl.loop(0, NG)
                def _(g):
                    for b in range(K):
                        pltpu.async_copy(ones,
                                         acc_sh.at[didx.at[g * K + b]],
                                         ssem[b], add=True)

                for b in range(K):
                    @pl.loop(0, NG)
                    def _(g):
                        pltpu.make_async_copy(ones, acc_sh.at[didx.at[0]],
                                              ssem[b]).wait()

            plsc.subcore_barrier()
            write_out(deg_out)
            zero_acc()

        plsc.subcore_barrier()

        @pl.loop(0, NBLK)
        def _(blk):
            pltpu.sync_copy(src_hbm.at[wid, blk], sidx)
            pltpu.sync_copy(dst_hbm.at[wid, blk], didx)

            for b in range(K):
                pltpu.async_copy(feat_hbm.at[sidx.at[b]], rows[b], gsem[b])

            @pl.loop(0, NG)
            def _(g):
                sca = []
                for b in range(K):
                    pltpu.make_async_copy(feat_hbm.at[sidx.at[g * K + b]],
                                          rows[b], gsem[b]).wait()
                    sca.append(
                        pltpu.async_copy(rows[b],
                                         acc_sh.at[didx.at[g * K + b]],
                                         ssem[b], add=True))

                @pl.when(g < NG - 1)
                def _():
                    for b in range(K):
                        sca[b].wait()
                        pltpu.async_copy(
                            feat_hbm.at[sidx.at[(g + 1) * K + b]],
                            rows[b], gsem[b])

            for b in range(K):
                pltpu.make_async_copy(rows[b],
                                      acc_sh.at[didx.at[(NG - 1) * K + b]],
                                      ssem[b]).wait()

        plsc.subcore_barrier()
        write_out(agg_out)

    return k


_sc_agg_deg = _make_sc_agg(True)
_sc_agg = _make_sc_agg(False)


def _make_tc_combine(relu):
    def body(pagg_ref, pdeg_ref, x_ref, wl_ref, wr_ref, b_ref, o_ref):
        s = pagg_ref[0] + pagg_ref[1]
        dcol = pdeg_ref[0, :, 0:1] + pdeg_ref[1, :, 0:1]
        recip = 1.0 / jnp.maximum(dcol, 1.0)
        acc = (
            jnp.dot(s * recip, wl_ref[...], preferred_element_type=jnp.float32)
            + jnp.dot(x_ref[...], wr_ref[...],
                      preferred_element_type=jnp.float32)
            + b_ref[...]
        )
        if relu:
            acc = jnp.maximum(acc, 0.0)
        o_ref[...] = acc

    def run(pagg, pdeg, x, wl, wr, b):
        return pl.pallas_call(
            body,
            grid=(N // BR,),
            in_specs=[
                pl.BlockSpec((NC, BR, D), lambda i: (0, i, 0)),
                pl.BlockSpec((NC, BR, D), lambda i: (0, i, 0)),
                pl.BlockSpec((BR, D), lambda i: (i, 0)),
                pl.BlockSpec((D, D), lambda i: (0, 0)),
                pl.BlockSpec((D, D), lambda i: (0, 0)),
                pl.BlockSpec((1, D), lambda i: (0, 0)),
            ],
            out_specs=pl.BlockSpec((BR, D), lambda i: (i, 0)),
            out_shape=jax.ShapeDtypeStruct((N, D), jnp.float32),
        )(pagg, pdeg, x, wl, wr, b)

    return run


_tc_combine_relu = _make_tc_combine(True)
_tc_combine_plain = _make_tc_combine(False)


def kernel(x, edge_index, W1_l, W1_r, b1, W2_l, W2_r, b2):
    src = edge_index[0].astype(jnp.int32).reshape(NW, NBLK, IB, CH)
    dst = edge_index[1].astype(jnp.int32).reshape(NW, NBLK, IB, CH)

    agg1, deg = _sc_agg_deg(x, src, dst)
    h = _tc_combine_relu(agg1, deg, x, W1_l.T, W1_r.T, b1.reshape(1, D))

    agg2 = _sc_agg(h, src, dst)
    out = _tc_combine_plain(agg2, deg, h, W2_l.T, W2_r.T, b2.reshape(1, D))
    return out

# --- scband reference (transcript-rebuilt; emitter-appended) ---
"""Pipeline reference for scband-graph-sage-33432025432295 (READ-ONLY COPY).

The authoritative reference and input builder live on the scoring server;
editing this copy changes nothing except your own understanding.
"""

import jax, jax.numpy as jnp
import numpy as np

N_NODES = 10000
N_EDGES = 320000
D = 128


def setup_inputs(seed: int = 0) -> dict:
    key = jax.random.key(seed)
    ks = [jax.random.fold_in(key, i) for i in range(8)]
    x = jax.random.normal(ks[0], (N_NODES, D), dtype=jnp.float32)
    edge_index = jax.random.randint(ks[1], (2, N_EDGES), 0, N_NODES, dtype=jnp.int64)
    s = 1.0 / np.sqrt(D)
    W1_l = jax.random.uniform(ks[2], (D, D), jnp.float32, -s, s)
    W1_r = jax.random.uniform(ks[3], (D, D), jnp.float32, -s, s)
    b1 = jnp.zeros((D,), jnp.float32)
    W2_l = jax.random.uniform(ks[4], (D, D), jnp.float32, -s, s)
    W2_r = jax.random.uniform(ks[5], (D, D), jnp.float32, -s, s)
    b2 = jnp.zeros((D,), jnp.float32)
    return {"x": x, "edge_index": edge_index, "W1_l": W1_l, "W1_r": W1_r, "b1": b1, "W2_l": W2_l, "W2_r": W2_r, "b2": b2}


def _sage_conv(x, edge_index, W_l, W_r, b):
    # PyG SAGEConv (mean aggr): out = lin_l(mean_{j in N(i)} x_j) + lin_r(x_i)
    src = edge_index[0]
    dst = edge_index[1]
    msgs = jnp.take(x, src, axis=0)
    agg = jax.ops.segment_sum(msgs, dst, num_segments=N_NODES)
    deg = jax.ops.segment_sum(jnp.ones((msgs.shape[0],), jnp.float32), dst, num_segments=N_NODES)
    mean = agg / jnp.clip(deg, 1.0, None)[:, None]
    return mean @ W_l.T + b + x @ W_r.T


def reference(x, edge_index, W1_l, W1_r, b1, W2_l, W2_r, b2):
    h = _sage_conv(x, edge_index, W1_l, W1_r, b1)
    h = jax.nn.relu(h)
    out = _sage_conv(h, edge_index, W2_l, W2_r, b2)
    return out

if __name__ == "__main__":
    import jax
    _d = setup_inputs()
    print(jax.jit(kernel)(*tuple(_d.values())))

</pallas_src>

<mosaic_0001>
#map = affine_map<(d0, d1) -> (0, 0)>
#map1 = affine_map<(d0, d1) -> (0, 0, 0, 0)>
#map2 = affine_map<(d0, d1) -> (0, 0, 0)>
module attributes {stable_mosaic.version = 14 : i64} {
  func.func @k(%arg0: i32, %arg1: i32, %arg2: memref<10000x128xf32, #tpu.memory_space<hbm>>, %arg3: memref<32x5x50x40xi32, #tpu.memory_space<hbm>>, %arg4: memref<32x5x50x40xi32, #tpu.memory_space<hbm>>, %arg5: memref<2x10000x128xf32, #tpu.memory_space<hbm>>, %arg6: memref<2x10000x128xf32, #tpu.memory_space<hbm>>, %arg7: memref<50x40xi32, #tpu.memory_space<vmem>>, %arg8: memref<50x40xi32, #tpu.memory_space<vmem>>, %arg9: memref<16x128xf32, #tpu.memory_space<vmem>>, %arg10: memref<10000x128xf32, #tpu.memory_space<vmem_shared>>, %arg11: memref<40x128xf32, #tpu.memory_space<vmem>>, %arg12: memref<!tpu.dma_semaphore, #tpu.memory_space<semaphore_mem>>, %arg13: memref<!tpu.dma_semaphore, #tpu.memory_space<semaphore_mem>>, %arg14: memref<!tpu.dma_semaphore, #tpu.memory_space<semaphore_mem>>, %arg15: memref<!tpu.dma_semaphore, #tpu.memory_space<semaphore_mem>>, %arg16: memref<!tpu.dma_semaphore, #tpu.memory_space<semaphore_mem>>, %arg17: memref<!tpu.dma_semaphore, #tpu.memory_space<semaphore_mem>>, %arg18: memref<!tpu.dma_semaphore, #tpu.memory_space<semaphore_mem>>, %arg19: memref<!tpu.dma_semaphore, #tpu.memory_space<semaphore_mem>>, %arg20: memref<!tpu.dma_semaphore, #tpu.memory_space<semaphore_mem>>, %arg21: memref<!tpu.dma_semaphore, #tpu.memory_space<semaphore_mem>>, %arg22: memref<40x128xf32, #tpu.memory_space<vmem>>, %arg23: memref<40x128xf32, #tpu.memory_space<vmem>>, %arg24: memref<40x128xf32, #tpu.memory_space<vmem>>, %arg25: memref<40x128xf32, #tpu.memory_space<vmem>>, %arg26: memref<40x128xf32, #tpu.memory_space<vmem>>) attributes {dimension_semantics = [#tpu.dimension_semantics<core_parallel>, #tpu.dimension_semantics<subcore_parallel>], iteration_bounds = array<i64: 2, 16>, scalar_prefetch = 0 : i64, scratch_operands = 20 : i64, tpu.core_type = #tpu.core_type<sc_vector_subcore>, window_params = [{transform_indices = #map}, {transform_indices = #map1}, {transform_indices = #map1}, {transform_indices = #map2}, {transform_indices = #map2}]} {
    %mul3A = arith.constant 16 : i32
    %mul3A_0 = arith.muli %arg0, %mul3A : i32
    %add3A = arith.addi %mul3A_0, %arg1 : i32
    %mul3A_1 = arith.constant 624 : i32
    %mul3A_2 = arith.muli %arg1, %mul3A_1 : i32
    %eq3A = arith.constant 15 : i32
    %eq3A_3 = arith.cmpi eq, %arg1, %eq3A : i32
    %scan3A = arith.constant 0 : i32
    %scan3A_4 = arith.constant 16 : i32
    %scan3A_5 = arith.addi %scan3A, %scan3A_4 : i32
    %scan3A_6 = arith.constant 1 : i32
    scf.for %scan3A_46 = %scan3A to %scan3A_5 step %scan3A_6  : i32 {
      %mul3A_47 = arith.constant 1 : i32
      %mul3A_48 = arith.muli %scan3A_46, %mul3A_47 : i32
      %add3A_49 = arith.constant 0 : i32
      %add3A_50 = arith.addi %add3A_49, %mul3A_48 : i32
      %scan3A_51 = arith.constant 0 : i32
      %scan3A_52 = arith.constant 8 : i32
      %scan3A_53 = arith.addi %scan3A_51, %scan3A_52 : i32
      %scan3A_54 = arith.constant 1 : i32
      scf.for %scan3A_56 = %scan3A_51 to %scan3A_53 step %scan3A_54  : i32 {
        %mul3A_57 = arith.constant 16 : i32
        %mul3A_58 = arith.muli %scan3A_56, %mul3A_57 : i32
        %add3A_59 = arith.constant 0 : i32
        %add3A_60 = arith.addi %add3A_59, %mul3A_58 : i32
        %broadcast_in_dim3A = arith.constant 0.000000e+00 : f32
        %broadcast_in_dim3A_61 = vector.broadcast %broadcast_in_dim3A : f32 to vector<16xf32>
        %swap3A = arith.index_cast %add3A_50 : i32 to index
        %swap3A_62 = arith.index_cast %add3A_60 : i32 to index
        %swap3A_63 = tpu.vector_load %arg9[%swap3A, %swap3A_62] {strides = array<i32>} : memref<16x128xf32, #tpu.memory_space<vmem>>, vector<1x16xf32>,
        %swap3A_64 = vector.shape_cast %swap3A_63 : vector<1x16xf32> to vector<16xf32>
        %swap3A_65 = vector.shape_cast %broadcast_in_dim3A_61 : vector<16xf32> to vector<1x16xf32>
        tpu.vector_store %arg9[%swap3A, %swap3A_62], %swap3A_65 {strides = array<i32>} : memref<16x128xf32, #tpu.memory_space<vmem>>, vector<1x16xf32>,
      }
      %scan3A_55 = arith.constant 8 : i32
    }
    %scan3A_7 = arith.constant 16 : i32
    %scan3A_8 = arith.constant 0 : i32
    %scan3A_9 = arith.constant 39 : i32
    %scan3A_10 = arith.addi %scan3A_8, %scan3A_9 : i32
    %scan3A_11 = arith.constant 1 : i32
    scf.for %scan3A_46 = %scan3A_8 to %scan3A_10 step %scan3A_11  : i32 {
      %mul3A_47 = arith.constant 16 : i32
      %mul3A_48 = arith.muli %scan3A_46, %mul3A_47 : i32
      %add3A_49 = arith.constant 0 : i32
      %add3A_50 = arith.addi %add3A_49, %mul3A_48 : i32
      %add3A_51 = arith.addi %mul3A_2, %add3A_50 : i32
      "tpu.region"() ({
        %run_scoped3A = tpu.sem_alloc : memref<!tpu.dma_semaphore, #tpu.memory_space<semaphore_mem>>
        %dma_start3A = arith.constant 0 : i32
        %dma_start3A_52 = tpu.memref_slice %arg10[%add3A_51, %dma_start3A] : memref<10000x128xf32, #tpu.memory_space<vmem_shared>> -> memref<16x128xf32, #tpu.memory_space<vmem_shared>>
        %dma_start3A_53 = arith.constant 0 : i32
        %dma_start3A_54 = tpu.memref_slice %arg10[%add3A_51, %dma_start3A_53] : memref<10000x128xf32, #tpu.memory_space<vmem_shared>> -> memref<16x128xf32, #tpu.memory_space<vmem_shared>>
        tpu.enqueue_dma source(%arg9 : memref<16x128xf32, #tpu.memory_space<vmem>>) target(%dma_start3A_54 : memref<16x128xf32, #tpu.memory_space<vmem_shared>>) target_semaphore(%run_scoped3A : memref<!tpu.dma_semaphore, #tpu.memory_space<semaphore_mem>>)
        %dma_wait3A = arith.constant 0 : i32
        %dma_wait3A_55 = tpu.memref_slice %arg10[%add3A_51, %dma_wait3A] : memref<10000x128xf32, #tpu.memory_space<vmem_shared>> -> memref<16x128xf32, #tpu.memory_space<vmem_shared>>
        %dma_wait3A_56 = arith.constant 0 : i32
        %dma_wait3A_57 = tpu.memref_slice %arg10[%add3A_51, %dma_wait3A_56] : memref<10000x128xf32, #tpu.memory_space<vmem_shared>> -> memref<16x128xf32, #tpu.memory_space<vmem_shared>>
        tpu.wait_dma2 semaphore(%run_scoped3A : memref<!tpu.dma_semaphore, #tpu.memory_space<semaphore_mem>>) src(%arg9 : memref<16x128xf32, #tpu.memory_space<vmem>>) dst(%dma_wait3A_57 : memref<16x128xf32, #tpu.memory_space<vmem_shared>>)
        tpu.yield
      }) : () -> ()
    }
    %scan3A_12 = arith.constant 39 : i32
    %convert_element_type3A = arith.extui %eq3A_3 : i1 to i32
    %cond3A = arith.constant 0 : i32
    %cond3A_13 = arith.cmpi ne, %convert_element_type3A, %cond3A : i32
    scf.if %cond3A_13 {
      "tpu.region"() ({
        %run_scoped3A = tpu.sem_alloc : memref<!tpu.dma_semaphore, #tpu.memory_space<semaphore_mem>>
        %dma_start3A = arith.constant 0 : i32
        %dma_start3A_46 = arith.constant 0 : i32
        %dma_start3A_47 = tpu.memref_slice %arg9[%dma_start3A, %dma_start3A_46] : memref<16x128xf32, #tpu.memory_space<vmem>> -> memref<16x128xf32, #tpu.memory_space<vmem>>
        %dma_start3A_48 = arith.constant 9984 : i32
        %dma_start3A_49 = arith.constant 0 : i32
        %dma_start3A_50 = tpu.memref_slice %arg10[%dma_start3A_48, %dma_start3A_49] : memref<10000x128xf32, #tpu.memory_space<vmem_shared>> -> memref<16x128xf32, #tpu.memory_space<vmem_shared>>
        %dma_start3A_51 = arith.constant 9984 : i32
        %dma_start3A_52 = arith.constant 0 : i32
        %dma_start3A_53 = tpu.memref_slice %arg10[%dma_start3A_51, %dma_start3A_52] : memref<10000x128xf32, #tpu.memory_space<vmem_shared>> -> memref<16x128xf32, #tpu.memory_space<vmem_shared>>
        %dma_start3A_54 = arith.constant 0 : i32
        %dma_start3A_55 = arith.constant 0 : i32
        %dma_start3A_56 = tpu.memref_slice %arg9[%dma_start3A_54, %dma_start3A_55] : memref<16x128xf32, #tpu.memory_space<vmem>> -> memref<16x128xf32, #tpu.memory_space<vmem>>
        tpu.enqueue_dma source(%dma_start3A_56 : memref<16x128xf32, #tpu.memory_space<vmem>>) target(%dma_start3A_53 : memref<16x128xf32, #tpu.memory_space<vmem_shared>>) target_semaphore(%run_scoped3A : memref<!tpu.dma_semaphore, #tpu.memory_space<semaphore_mem>>)
        %dma_wait3A = arith.constant 0 : i32
        %dma_wait3A_57 = arith.constant 0 : i32
        %dma_wait3A_58 = tpu.memref_slice %arg9[%dma_wait3A, %dma_wait3A_57] : memref<16x128xf32, #tpu.memory_space<vmem>> -> memref<16x128xf32, #tpu.memory_space<vmem>>
        %dma_wait3A_59 = arith.constant 9984 : i32
        %dma_wait3A_60 = arith.constant 0 : i32
        %dma_wait3A_61 = tpu.memref_slice %arg10[%dma_wait3A_59, %dma_wait3A_60] : memref<10000x128xf32, #tpu.memory_space<vmem_shared>> -> memref<16x128xf32, #tpu.memory_space<vmem_shared>>
        %dma_wait3A_62 = arith.constant 9984 : i32
        %dma_wait3A_63 = arith.constant 0 : i32
        %dma_wait3A_64 = tpu.memref_slice %arg10[%dma_wait3A_62, %dma_wait3A_63] : memref<10000x128xf32, #tpu.memory_space<vmem_shared>> -> memref<16x128xf32, #tpu.memory_space<vmem_shared>>
        %dma_wait3A_65 = arith.constant 0 : i32
        %dma_wait3A_66 = arith.constant 0 : i32
        %dma_wait3A_67 = tpu.memref_slice %arg9[%dma_wait3A_65, %dma_wait3A_66] : memref<16x128xf32, #tpu.memory_space<vmem>> -> memref<16x128xf32, #tpu.memory_space<vmem>>
        tpu.wait_dma2 semaphore(%run_scoped3A : memref<!tpu.dma_semaphore, #tpu.memory_space<semaphore_mem>>) src(%dma_wait3A_67 : memref<16x128xf32, #tpu.memory_space<vmem>>) dst(%dma_wait3A_64 : memref<16x128xf32, #tpu.memory_space<vmem_shared>>)
        tpu.yield
      }) : () -> ()
    } else {
    }
    %scan3A_14 = arith.constant 0 : i32
    %scan3A_15 = arith.constant 40 : i32
    %scan3A_16 = arith.addi %scan3A_14, %scan3A_15 : i32
    %scan3A_17 = arith.constant 1 : i32
    scf.for %scan3A_46 = %scan3A_14 to %scan3A_16 step %scan3A_17  : i32 {
      %mul3A_47 = arith.constant 1 : i32
      %mul3A_48 = arith.muli %scan3A_46, %mul3A_47 : i32
      %add3A_49 = arith.constant 0 : i32
      %add3A_50 = arith.addi %add3A_49, %mul3A_48 : i32
      %scan3A_51 = arith.constant 0 : i32
      %scan3A_52 = arith.constant 8 : i32
      %scan3A_53 = arith.addi %scan3A_51, %scan3A_52 : i32
      %scan3A_54 = arith.constant 1 : i32
      scf.for %scan3A_56 = %scan3A_51 to %scan3A_53 step %scan3A_54  : i32 {
        %mul3A_57 = arith.constant 16 : i32
        %mul3A_58 = arith.muli %scan3A_56, %mul3A_57 : i32
        %add3A_59 = arith.constant 0 : i32
        %add3A_60 = arith.addi %add3A_59, %mul3A_58 : i32
        %broadcast_in_dim3A = arith.constant 1.000000e+00 : f32
        %broadcast_in_dim3A_61 = vector.broadcast %broadcast_in_dim3A : f32 to vector<16xf32>
        %swap3A = arith.index_cast %add3A_50 : i32 to index
        %swap3A_62 = arith.index_cast %add3A_60 : i32 to index
        %swap3A_63 = tpu.vector_load %arg11[%swap3A, %swap3A_62] {strides = array<i32>} : memref<40x128xf32, #tpu.memory_space<vmem>>, vector<1x16xf32>,
        %swap3A_64 = vector.shape_cast %swap3A_63 : vector<1x16xf32> to vector<16xf32>
        %swap3A_65 = vector.shape_cast %broadcast_in_dim3A_61 : vector<16xf32> to vector<1x16xf32>
        tpu.vector_store %arg11[%swap3A, %swap3A_62], %swap3A_65 {strides = array<i32>} : memref<40x128xf32, #tpu.memory_space<vmem>>, vector<1x16xf32>,
      }
      %scan3A_55 = arith.constant 8 : i32
    }
    %scan3A_18 = arith.constant 40 : i32
    %barrier3A = arith.constant 0 : index
    tpu.barrier barrier_id(%barrier3A)
    %scan3A_19 = arith.constant 0 : i32
    %scan3A_20 = arith.constant 5 : i32
    %scan3A_21 = arith.addi %scan3A_19, %scan3A_20 : i32
    %scan3A_22 = arith.constant 1 : i32
    scf.for %scan3A_46 = %scan3A_19 to %scan3A_21 step %scan3A_22  : i32 {
      %mul3A_47 = arith.constant 1 : i32
      %mul3A_48 = arith.muli %scan3A_46, %mul3A_47 : i32
      %add3A_49 = arith.constant 0 : i32
      %add3A_50 = arith.addi %add3A_49, %mul3A_48 : i32
      "tpu.region"() ({
        %run_scoped3A = tpu.sem_alloc : memref<!tpu.dma_semaphore, #tpu.memory_space<semaphore_mem>>
        %dma_start3A = arith.constant 0 : i32
        %dma_start3A_81 = arith.constant 0 : i32
        %dma_start3A_82 = tpu.memref_slice %arg4[%add3A, %add3A_50, %dma_start3A, %dma_start3A_81] : memref<32x5x50x40xi32, #tpu.memory_space<hbm>> -> memref<1x1x50x40xi32, #tpu.memory_space<hbm>>
        %dma_start3A_83 = tpu.memref_squeeze %dma_start3A_82 : memref<1x1x50x40xi32, #tpu.memory_space<hbm>> -> memref<50x40xi32, #tpu.memory_space<hbm>>
        %dma_start3A_84 = arith.constant 0 : i32
        %dma_start3A_85 = arith.constant 0 : i32
        %dma_start3A_86 = tpu.memref_slice %arg4[%add3A, %add3A_50, %dma_start3A_84, %dma_start3A_85] : memref<32x5x50x40xi32, #tpu.memory_space<hbm>> -> memref<1x1x50x40xi32, #tpu.memory_space<hbm>>
        %dma_start3A_87 = tpu.memref_squeeze %dma_start3A_86 : memref<1x1x50x40xi32, #tpu.memory_space<hbm>> -> memref<50x40xi32, #tpu.memory_space<hbm>>
        tpu.enqueue_dma source(%dma_start3A_87 : memref<50x40xi32, #tpu.memory_space<hbm>>) target(%arg8 : memref<50x40xi32, #tpu.memory_space<vmem>>) target_semaphore(%run_scoped3A : memref<!tpu.dma_semaphore, #tpu.memory_space<semaphore_mem>>)
        %dma_wait3A = arith.constant 0 : i32
        %dma_wait3A_88 = arith.constant 0 : i32
        %dma_wait3A_89 = tpu.memref_slice %arg4[%add3A, %add3A_50, %dma_wait3A, %dma_wait3A_88] : memref<32x5x50x40xi32, #tpu.memory_space<hbm>> -> memref<1x1x50x40xi32, #tpu.memory_space<hbm>>
        %dma_wait3A_90 = tpu.memref_squeeze %dma_wait3A_89 : memref<1x1x50x40xi32, #tpu.memory_space<hbm>> -> memref<50x40xi32, #tpu.memory_space<hbm>>
        %dma_wait3A_91 = arith.constant 0 : i32
        %dma_wait3A_92 = arith.constant 0 : i32
        %dma_wait3A_93 = tpu.memref_slice %arg4[%add3A, %add3A_50, %dma_wait3A_91, %dma_wait3A_92] : memref<32x5x50x40xi32, #tpu.memory_space<hbm>> -> memref<1x1x50x40xi32, #tpu.memory_space<hbm>>
        %dma_wait3A_94 = tpu.memref_squeeze %dma_wait3A_93 : memref<1x1x50x40xi32, #tpu.memory_space<hbm>> -> memref<50x40xi32, #tpu.memory_space<hbm>>
        tpu.wait_dma2 semaphore(%run_scoped3A : memref<!tpu.dma_semaphore, #tpu.memory_space<semaphore_mem>>) src(%dma_wait3A_94 : memref<50x40xi32, #tpu.memory_space<hbm>>) dst(%arg8 : memref<50x40xi32, #tpu.memory_space<vmem>>)
        tpu.yield
      }) : () -> ()
      %scan3A_51 = arith.constant 0 : i32
      %scan3A_52 = arith.constant 10 : i32
      %scan3A_53 = arith.addi %scan3A_51, %scan3A_52 : i32
      %scan3A_54 = arith.constant 1 : i32
      scf.for %scan3A_81 = %scan3A_51 to %scan3A_53 step %scan3A_54  : i32 {
        %mul3A_82 = arith.constant 1 : i32
        %mul3A_83 = arith.muli %scan3A_81, %mul3A_82 : i32
        %add3A_84 = arith.constant 0 : i32
        %add3A_85 = arith.addi %add3A_84, %mul3A_83 : i32
        %mul3A_86 = arith.constant 5 : i32
        %mul3A_87 = arith.muli %add3A_85, %mul3A_86 : i32
        %add3A_88 = arith.constant 0 : i32
        %add3A_89 = arith.addi %mul3A_87, %add3A_88 : i32
        %dma_start3A = arith.constant 0 : i32
        %dma_start3A_90 = tpu.memref_slice %arg8[%add3A_89, %dma_start3A] : memref<50x40xi32, #tpu.memory_space<vmem>> -> memref<1x40xi32, #tpu.memory_space<vmem>>
        %dma_start3A_91 = tpu.memref_squeeze %dma_start3A_90 : memref<1x40xi32, #tpu.memory_space<vmem>> -> memref<40xi32, #tpu.memory_space<vmem>>
        %dma_start3A_92 = arith.constant 0 : i32
        %dma_start3A_93 = arith.constant 0 : i32
        %dma_start3A_94 = tpu.memref_slice %arg10[%dma_start3A_92, %dma_start3A_93] : memref<10000x128xf32, #tpu.memory_space<vmem_shared>> -> memref<10000x128xf32, #tpu.memory_space<vmem_shared>>
        tpu.enqueue_indirect_dma source(%arg11 : memref<40x128xf32, #tpu.memory_space<vmem>>) target(%dma_start3A_94 : memref<10000x128xf32, #tpu.memory_space<vmem_shared>>) offsets(%dma_start3A_91 : memref<40xi32, #tpu.memory_space<vmem>>) semaphore(%arg17 : memref<!tpu.dma_semaphore, #tpu.memory_space<semaphore_mem>>) {add = true}
        %mul3A_95 = arith.constant 5 : i32
        %mul3A_96 = arith.muli %add3A_85, %mul3A_95 : i32
        %add3A_97 = arith.constant 1 : i32
        %add3A_98 = arith.addi %mul3A_96, %add3A_97 : i32
        %dma_start3A_99 = arith.constant 0 : i32
        %dma_start3A_100 = tpu.memref_slice %arg8[%add3A_98, %dma_start3A_99] : memref<50x40xi32, #tpu.memory_space<vmem>> -> memref<1x40xi32, #tpu.memory_space<vmem>>
        %dma_start3A_101 = tpu.memref_squeeze %dma_start3A_100 : memref<1x40xi32, #tpu.memory_space<vmem>> -> memref<40xi32, #tpu.memory_space<vmem>>
        %dma_start3A_102 = arith.constant 0 : i32
        %dma_start3A_103 = arith.constant 0 : i32
        %dma_start3A_104 = tpu.memref_slice %arg10[%dma_start3A_102, %dma_start3A_103] : memref<10000x128xf32, #tpu.memory_space<vmem_shared>> -> memref<10000x128xf32, #tpu.memory_space<vmem_shared>>
        tpu.enqueue_indirect_dma source(%arg11 : memref<40x128xf32, #tpu.memory_space<vmem>>) target(%dma_start3A_104 : memref<10000x128xf32, #tpu.memory_space<vmem_shared>>) offsets(%dma_start3A_101 : memref<40xi32, #tpu.memory_space<vmem>>) semaphore(%arg18 : memref<!tpu.dma_semaphore, #tpu.memory_space<semaphore_mem>>) {add = true}
        %mul3A_105 = arith.constant 5 : i32
        %mul3A_106 = arith.muli %add3A_85, %mul3A_105 : i32
        %add3A_107 = arith.constant 2 : i32
        %add3A_108 = arith.addi %mul3A_106, %add3A_107 : i32
        %dma_start3A_109 = arith.constant 0 : i32
        %dma_start3A_110 = tpu.memref_slice %arg8[%add3A_108, %dma_start3A_109] : memref<50x40xi32, #tpu.memory_space<vmem>> -> memref<1x40xi32, #tpu.memory_space<vmem>>
        %dma_start3A_111 = tpu.memref_squeeze %dma_start3A_110 : memref<1x40xi32, #tpu.memory_space<vmem>> -> memref<40xi32, #tpu.memory_space<vmem>>
        %dma_start3A_112 = arith.constant 0 : i32
        %dma_start3A_113 = arith.constant 0 : i32
        %dma_start3A_114 = tpu.memref_slice %arg10[%dma_start3A_112, %dma_start3A_113] : memref<10000x128xf32, #tpu.memory_space<vmem_shared>> -> memref<10000x128xf32, #tpu.memory_space<vmem_shared>>
        tpu.enqueue_indirect_dma source(%arg11 : memref<40x128xf32, #tpu.memory_space<vmem>>) target(%dma_start3A_114 : memref<10000x128xf32, #tpu.memory_space<vmem_shared>>) offsets(%dma_start3A_111 : memref<40xi32, #tpu.memory_space<vmem>>) semaphore(%arg19 : memref<!tpu.dma_semaphore, #tpu.memory_space<semaphore_mem>>) {add = true}
        %mul3A_115 = arith.constant 5 : i32
        %mul3A_116 = arith.muli %add3A_85, %mul3A_115 : i32
        %add3A_117 = arith.constant 3 : i32
        %add3A_118 = arith.addi %mul3A_116, %add3A_117 : i32
        %dma_start3A_119 = arith.constant 0 : i32
        %dma_start3A_120 = tpu.memref_slice %arg8[%add3A_118, %dma_start3A_119] : memref<50x40xi32, #tpu.memory_space<vmem>> -> memref<1x40xi32, #tpu.memory_space<vmem>>
        %dma_start3A_121 = tpu.memref_squeeze %dma_start3A_120 : memref<1x40xi32, #tpu.memory_space<vmem>> -> memref<40xi32, #tpu.memory_space<vmem>>
        %dma_start3A_122 = arith.constant 0 : i32
        %dma_start3A_123 = arith.constant 0 : i32
        %dma_start3A_124 = tpu.memref_slice %arg10[%dma_start3A_122, %dma_start3A_123] : memref<10000x128xf32, #tpu.memory_space<vmem_shared>> -> memref<10000x128xf32, #tpu.memory_space<vmem_shared>>
        tpu.enqueue_indirect_dma source(%arg11 : memref<40x128xf32, #tpu.memory_space<vmem>>) target(%dma_start3A_124 : memref<10000x128xf32, #tpu.memory_space<vmem_shared>>) offsets(%dma_start3A_121 : memref<40xi32, #tpu.memory_space<vmem>>) semaphore(%arg20 : memref<!tpu.dma_semaphore, #tpu.memory_space<semaphore_mem>>) {add = true}
        %mul3A_125 = arith.constant 5 : i32
        %mul3A_126 = arith.muli %add3A_85, %mul3A_125 : i32
        %add3A_127 = arith.constant 4 : i32
        %add3A_128 = arith.addi %mul3A_126, %add3A_127 : i32
        %dma_start3A_129 = arith.constant 0 : i32
        %dma_start3A_130 = tpu.memref_slice %arg8[%add3A_128, %dma_start3A_129] : memref<50x40xi32, #tpu.memory_space<vmem>> -> memref<1x40xi32, #tpu.memory_space<vmem>>
        %dma_start3A_131 = tpu.memref_squeeze %dma_start3A_130 : memref<1x40xi32, #tpu.memory_space<vmem>> -> memref<40xi32, #tpu.memory_space<vmem>>
        %dma_start3A_132 = arith.constant 0 : i32
        %dma_start3A_133 = arith.constant 0 : i32
        %dma_start3A_134 = tpu.memref_slice %arg10[%dma_start3A_132, %dma_start3A_133] : memref<10000x128xf32, #tpu.memory_space<vmem_shared>> -> memref<10000x128xf32, #tpu.memory_space<vmem_shared>>
        tpu.enqueue_indirect_dma source(%arg11 : memref<40x128xf32, #tpu.memory_space<vmem>>) target(%dma_start3A_134 : memref<10000x128xf32, #tpu.memory_space<vmem_shared>>) offsets(%dma_start3A_131 : memref<40xi32, #tpu.memory_space<vmem>>) semaphore(%arg21 : memref<!tpu.dma_semaphore, #tpu.memory_space<semaphore_mem>>) {add = true}
      }
      %scan3A_55 = arith.constant 10 : i32
      %scan3A_56 = arith.constant 0 : i32
      %scan3A_57 = arith.constant 10 : i32
      %scan3A_58 = arith.addi %scan3A_56, %scan3A_57 : i32
      %scan3A_59 = arith.constant 1 : i32
      scf.for %scan3A_81 = %scan3A_56 to %scan3A_58 step %scan3A_59  : i32 {
        %mul3A_82 = arith.constant 1 : i32
        %mul3A_83 = arith.muli %scan3A_81, %mul3A_82 : i32
        %add3A_84 = arith.constant 0 : i32
        %add3A_85 = arith.addi %add3A_84, %mul3A_83 : i32
        %dma_wait3A = arith.constant 0 : i32
        %dma_wait3A_86 = arith.constant 0 : i32
        %dma_wait3A_87 = tpu.memref_slice %arg8[%dma_wait3A, %dma_wait3A_86] : memref<50x40xi32, #tpu.memory_space<vmem>> -> memref<1x40xi32, #tpu.memory_space<vmem>>
        %dma_wait3A_88 = tpu.memref_squeeze %dma_wait3A_87 : memref<1x40xi32, #tpu.memory_space<vmem>> -> memref<40xi32, #tpu.memory_space<vmem>>
        %dma_wait3A_89 = arith.constant 0 : i32
        %dma_wait3A_90 = arith.constant 0 : i32
        %dma_wait3A_91 = tpu.memref_slice %arg10[%dma_wait3A_89, %dma_wait3A_90] : memref<10000x128xf32, #tpu.memory_space<vmem_shared>> -> memref<10000x128xf32, #tpu.memory_space<vmem_shared>>
        tpu.wait_indirect_dma semaphore(%arg17 : memref<!tpu.dma_semaphore, #tpu.memory_space<semaphore_mem>>) src(%arg11 : memref<40x128xf32, #tpu.memory_space<vmem>>) dst(%dma_wait3A_91 : memref<10000x128xf32, #tpu.memory_space<vmem_shared>>)
      }
      %scan3A_60 = arith.constant 10 : i32
      %scan3A_61 = arith.constant 0 : i32
      %scan3A_62 = arith.constant 10 : i32
      %scan3A_63 = arith.addi %scan3A_61, %scan3A_62 : i32
      %scan3A_64 = arith.constant 1 : i32
      scf.for %scan3A_81 = %scan3A_61 to %scan3A_63 step %scan3A_64  : i32 {
        %mul3A_82 = arith.constant 1 : i32
        %mul3A_83 = arith.muli %scan3A_81, %mul3A_82 : i32
        %add3A_84 = arith.constant 0 : i32
        %add3A_85 = arith.addi %add3A_84, %mul3A_83 : i32
        %dma_wait3A = arith.constant 0 : i32
        %dma_wait3A_86 = arith.constant 0 : i32
        %dma_wait3A_87 = tpu.memref_slice %arg8[%dma_wait3A, %dma_wait3A_86] : memref<50x40xi32, #tpu.memory_space<vmem>> -> memref<1x40xi32, #tpu.memory_space<vmem>>
        %dma_wait3A_88 = tpu.memref_squeeze %dma_wait3A_87 : memref<1x40xi32, #tpu.memory_space<vmem>> -> memref<40xi32, #tpu.memory_space<vmem>>
        %dma_wait3A_89 = arith.constant 0 : i32
        %dma_wait3A_90 = arith.constant 0 : i32
        %dma_wait3A_91 = tpu.memref_slice %arg10[%dma_wait3A_89, %dma_wait3A_90] : memref<10000x128xf32, #tpu.memory_space<vmem_shared>> -> memref<10000x128xf32, #tpu.memory_space<vmem_shared>>
        tpu.wait_indirect_dma semaphore(%arg18 : memref<!tpu.dma_semaphore, #tpu.memory_space<semaphore_mem>>) src(%arg11 : memref<40x128xf32, #tpu.memory_space<vmem>>) dst(%dma_wait3A_91 : memref<10000x128xf32, #tpu.memory_space<vmem_shared>>)
      }
      %scan3A_65 = arith.constant 10 : i32
      %scan3A_66 = arith.constant 0 : i32
      %scan3A_67 = arith.constant 10 : i32
      %scan3A_68 = arith.addi %scan3A_66, %scan3A_67 : i32
      %scan3A_69 = arith.constant 1 : i32
      scf.for %scan3A_81 = %scan3A_66 to %scan3A_68 step %scan3A_69  : i32 {
        %mul3A_82 = arith.constant 1 : i32
        %mul3A_83 = arith.muli %scan3A_81, %mul3A_82 : i32
        %add3A_84 = arith.constant 0 : i32
        %add3A_85 = arith.addi %add3A_84, %mul3A_83 : i32
        %dma_wait3A = arith.constant 0 : i32
        %dma_wait3A_86 = arith.constant 0 : i32
        %dma_wait3A_87 = tpu.memref_slice %arg8[%dma_wait3A, %dma_wait3A_86] : memref<50x40xi32, #tpu.memory_space<vmem>> -> memref<1x40xi32, #tpu.memory_space<vmem>>
        %dma_wait3A_88 = tpu.memref_squeeze %dma_wait3A_87 : memref<1x40xi32, #tpu.memory_space<vmem>> -> memref<40xi32, #tpu.memory_space<vmem>>
        %dma_wait3A_89 = arith.constant 0 : i32
        %dma_wait3A_90 = arith.constant 0 : i32
        %dma_wait3A_91 = tpu.memref_slice %arg10[%dma_wait3A_89, %dma_wait3A_90] : memref<10000x128xf32, #tpu.memory_space<vmem_shared>> -> memref<10000x128xf32, #tpu.memory_space<vmem_shared>>
        tpu.wait_indirect_dma semaphore(%arg19 : memref<!tpu.dma_semaphore, #tpu.memory_space<semaphore_mem>>) src(%arg11 : memref<40x128xf32, #tpu.memory_space<vmem>>) dst(%dma_wait3A_91 : memref<10000x128xf32, #tpu.memory_space<vmem_shared>>)
      }
      %scan3A_70 = arith.constant 10 : i32
      %scan3A_71 = arith.constant 0 : i32
      %scan3A_72 = arith.constant 10 : i32
      %scan3A_73 = arith.addi %scan3A_71, %scan3A_72 : i32
      %scan3A_74 = arith.constant 1 : i32
      scf.for %scan3A_81 = %scan3A_71 to %scan3A_73 step %scan3A_74  : i32 {
        %mul3A_82 = arith.constant 1 : i32
        %mul3A_83 = arith.muli %scan3A_81, %mul3A_82 : i32
        %add3A_84 = arith.constant 0 : i32
        %add3A_85 = arith.addi %add3A_84, %mul3A_83 : i32
        %dma_wait3A = arith.constant 0 : i32
        %dma_wait3A_86 = arith.constant 0 : i32
        %dma_wait3A_87 = tpu.memref_slice %arg8[%dma_wait3A, %dma_wait3A_86] : memref<50x40xi32, #tpu.memory_space<vmem>> -> memref<1x40xi32, #tpu.memory_space<vmem>>
        %dma_wait3A_88 = tpu.memref_squeeze %dma_wait3A_87 : memref<1x40xi32, #tpu.memory_space<vmem>> -> memref<40xi32, #tpu.memory_space<vmem>>
        %dma_wait3A_89 = arith.constant 0 : i32
        %dma_wait3A_90 = arith.constant 0 : i32
        %dma_wait3A_91 = tpu.memref_slice %arg10[%dma_wait3A_89, %dma_wait3A_90] : memref<10000x128xf32, #tpu.memory_space<vmem_shared>> -> memref<10000x128xf32, #tpu.memory_space<vmem_shared>>
        tpu.wait_indirect_dma semaphore(%arg20 : memref<!tpu.dma_semaphore, #tpu.memory_space<semaphore_mem>>) src(%arg11 : memref<40x128xf32, #tpu.memory_space<vmem>>) dst(%dma_wait3A_91 : memref<10000x128xf32, #tpu.memory_space<vmem_shared>>)
      }
      %scan3A_75 = arith.constant 10 : i32
      %scan3A_76 = arith.constant 0 : i32
      %scan3A_77 = arith.constant 10 : i32
      %scan3A_78 = arith.addi %scan3A_76, %scan3A_77 : i32
      %scan3A_79 = arith.constant 1 : i32
      scf.for %scan3A_81 = %scan3A_76 to %scan3A_78 step %scan3A_79  : i32 {
        %mul3A_82 = arith.constant 1 : i32
        %mul3A_83 = arith.muli %scan3A_81, %mul3A_82 : i32
        %add3A_84 = arith.constant 0 : i32
        %add3A_85 = arith.addi %add3A_84, %mul3A_83 : i32
        %dma_wait3A = arith.constant 0 : i32
        %dma_wait3A_86 = arith.constant 0 : i32
        %dma_wait3A_87 = tpu.memref_slice %arg8[%dma_wait3A, %dma_wait3A_86] : memref<50x40xi32, #tpu.memory_space<vmem>> -> memref<1x40xi32, #tpu.memory_space<vmem>>
        %dma_wait3A_88 = tpu.memref_squeeze %dma_wait3A_87 : memref<1x40xi32, #tpu.memory_space<vmem>> -> memref<40xi32, #tpu.memory_space<vmem>>
        %dma_wait3A_89 = arith.constant 0 : i32
        %dma_wait3A_90 = arith.constant 0 : i32
        %dma_wait3A_91 = tpu.memref_slice %arg10[%dma_wait3A_89, %dma_wait3A_90] : memref<10000x128xf32, #tpu.memory_space<vmem_shared>> -> memref<10000x128xf32, #tpu.memory_space<vmem_shared>>
        tpu.wait_indirect_dma semaphore(%arg21 : memref<!tpu.dma_semaphore, #tpu.memory_space<semaphore_mem>>) src(%arg11 : memref<40x128xf32, #tpu.memory_space<vmem>>) dst(%dma_wait3A_91 : memref<10000x128xf32, #tpu.memory_space<vmem_shared>>)
      }
      %scan3A_80 = arith.constant 10 : i32
    }
    %scan3A_23 = arith.constant 5 : i32
    %barrier3A_24 = arith.constant 0 : index
    tpu.barrier barrier_id(%barrier3A_24)
    "tpu.region"() ({
      %run_scoped3A = tpu.sem_alloc : memref<!tpu.dma_semaphore, #tpu.memory_space<semaphore_mem>>
      %dma_start3A = arith.constant 0 : i32
      %dma_start3A_46 = tpu.memref_slice %arg6[%arg0, %mul3A_2, %dma_start3A] : memref<2x10000x128xf32, #tpu.memory_space<hbm>> -> memref<1x624x128xf32, #tpu.memory_space<hbm>>
      %dma_start3A_47 = tpu.memref_squeeze %dma_start3A_46 : memref<1x624x128xf32, #tpu.memory_space<hbm>> -> memref<624x128xf32, #tpu.memory_space<hbm>>
      %dma_start3A_48 = arith.constant 0 : i32
      %dma_start3A_49 = tpu.memref_slice %arg10[%mul3A_2, %dma_start3A_48] : memref<10000x128xf32, #tpu.memory_space<vmem_shared>> -> memref<624x128xf32, #tpu.memory_space<vmem_shared>>
      tpu.enqueue_dma source(%dma_start3A_49 : memref<624x128xf32, #tpu.memory_space<vmem_shared>>) target(%dma_start3A_47 : memref<624x128xf32, #tpu.memory_space<hbm>>) target_semaphore(%run_scoped3A : memref<!tpu.dma_semaphore, #tpu.memory_space<semaphore_mem>>)
      %dma_wait3A = arith.constant 0 : i32
      %dma_wait3A_50 = tpu.memref_slice %arg6[%arg0, %mul3A_2, %dma_wait3A] : memref<2x10000x128xf32, #tpu.memory_space<hbm>> -> memref<1x624x128xf32, #tpu.memory_space<hbm>>
      %dma_wait3A_51 = tpu.memref_squeeze %dma_wait3A_50 : memref<1x624x128xf32, #tpu.memory_space<hbm>> -> memref<624x128xf32, #tpu.memory_space<hbm>>
      %dma_wait3A_52 = arith.constant 0 : i32
      %dma_wait3A_53 = tpu.memref_slice %arg10[%mul3A_2, %dma_wait3A_52] : memref<10000x128xf32, #tpu.memory_space<vmem_shared>> -> memref<624x128xf32, #tpu.memory_space<vmem_shared>>
      tpu.wait_dma2 semaphore(%run_scoped3A : memref<!tpu.dma_semaphore, #tpu.memory_space<semaphore_mem>>) src(%dma_wait3A_53 : memref<624x128xf32, #tpu.memory_space<vmem_shared>>) dst(%dma_wait3A_51 : memref<624x128xf32, #tpu.memory_space<hbm>>)
      tpu.yield
    }) : () -> ()
    %convert_element_type3A_25 = arith.extui %eq3A_3 : i1 to i32
    %cond3A_26 = arith.constant 0 : i32
    %cond3A_27 = arith.cmpi ne, %convert_element_type3A_25, %cond3A_26 : i32
    scf.if %cond3A_27 {
      "tpu.region"() ({
        %run_scoped3A = tpu.sem_alloc : memref<!tpu.dma_semaphore, #tpu.memory_space<semaphore_mem>>
        %dma_start3A = arith.constant 9984 : i32
        %dma_start3A_46 = arith.constant 0 : i32
        %dma_start3A_47 = tpu.memref_slice %arg6[%arg0, %dma_start3A, %dma_start3A_46] : memref<2x10000x128xf32, #tpu.memory_space<hbm>> -> memref<1x16x128xf32, #tpu.memory_space<hbm>>
        %dma_start3A_48 = tpu.memref_squeeze %dma_start3A_47 : memref<1x16x128xf32, #tpu.memory_space<hbm>> -> memref<16x128xf32, #tpu.memory_space<hbm>>
        %dma_start3A_49 = arith.constant 9984 : i32
        %dma_start3A_50 = arith.constant 0 : i32
        %dma_start3A_51 = tpu.memref_slice %arg10[%dma_start3A_49, %dma_start3A_50] : memref<10000x128xf32, #tpu.memory_space<vmem_shared>> -> memref<16x128xf32, #tpu.memory_space<vmem_shared>>
        tpu.enqueue_dma source(%dma_start3A_51 : memref<16x128xf32, #tpu.memory_space<vmem_shared>>) target(%dma_start3A_48 : memref<16x128xf32, #tpu.memory_space<hbm>>) target_semaphore(%run_scoped3A : memref<!tpu.dma_semaphore, #tpu.memory_space<semaphore_mem>>)
        %dma_wait3A = arith.constant 9984 : i32
        %dma_wait3A_52 = arith.constant 0 : i32
        %dma_wait3A_53 = tpu.memref_slice %arg6[%arg0, %dma_wait3A, %dma_wait3A_52] : memref<2x10000x128xf32, #tpu.memory_space<hbm>> -> memref<1x16x128xf32, #tpu.memory_space<hbm>>
        %dma_wait3A_54 = tpu.memref_squeeze %dma_wait3A_53 : memref<1x16x128xf32, #tpu.memory_space<hbm>> -> memref<16x128xf32, #tpu.memory_space<hbm>>
        %dma_wait3A_55 = arith.constant 9984 : i32
        %dma_wait3A_56 = arith.constant 0 : i32
        %dma_wait3A_57 = tpu.memref_slice %arg10[%dma_wait3A_55, %dma_wait3A_56] : memref<10000x128xf32, #tpu.memory_space<vmem_shared>> -> memref<16x128xf32, #tpu.memory_space<vmem_shared>>
        tpu.wait_dma2 semaphore(%run_scoped3A : memref<!tpu.dma_semaphore, #tpu.memory_space<semaphore_mem>>) src(%dma_wait3A_57 : memref<16x128xf32, #tpu.memory_space<vmem_shared>>) dst(%dma_wait3A_54 : memref<16x128xf32, #tpu.memory_space<hbm>>)
        tpu.yield
      }) : () -> ()
    } else {
    }
    %scan3A_28 = arith.constant 0 : i32
    %scan3A_29 = arith.constant 39 : i32
    %scan3A_30 = arith.addi %scan3A_28, %scan3A_29 : i32
    %scan3A_31 = arith.constant 1 : i32
    scf.for %scan3A_46 = %scan3A_28 to %scan3A_30 step %scan3A_31  : i32 {
      %mul3A_47 = arith.constant 16 : i32
      %mul3A_48 = arith.muli %scan3A_46, %mul3A_47 : i32
      %add3A_49 = arith.constant 0 : i32
      %add3A_50 = arith.addi %add3A_49, %mul3A_48 : i32
      %add3A_51 = arith.addi %mul3A_2, %add3A_50 : i32
      "tpu.region"() ({
        %run_scoped3A = tpu.sem_alloc : memref<!tpu.dma_semaphore, #tpu.memory_space<semaphore_mem>>
        %dma_start3A = arith.constant 0 : i32
        %dma_start3A_52 = tpu.memref_slice %arg10[%add3A_51, %dma_start3A] : memref<10000x128xf32, #tpu.memory_space<vmem_shared>> -> memref<16x128xf32, #tpu.memory_space<vmem_shared>>
        %dma_start3A_53 = arith.constant 0 : i32
        %dma_start3A_54 = tpu.memref_slice %arg10[%add3A_51, %dma_start3A_53] : memref<10000x128xf32, #tpu.memory_space<vmem_shared>> -> memref<16x128xf32, #tpu.memory_space<vmem_shared>>
        tpu.enqueue_dma source(%arg9 : memref<16x128xf32, #tpu.memory_space<vmem>>) target(%dma_start3A_54 : memref<16x128xf32, #tpu.memory_space<vmem_shared>>) target_semaphore(%run_scoped3A : memref<!tpu.dma_semaphore, #tpu.memory_space<semaphore_mem>>)
        %dma_wait3A = arith.constant 0 : i32
        %dma_wait3A_55 = tpu.memref_slice %arg10[%add3A_51, %dma_wait3A] : memref<10000x128xf32, #tpu.memory_space<vmem_shared>> -> memref<16x128xf32, #tpu.memory_space<vmem_shared>>
        %dma_wait3A_56 = arith.constant 0 : i32
        %dma_wait3A_57 = tpu.memref_slice %arg10[%add3A_51, %dma_wait3A_56] : memref<10000x128xf32, #tpu.memory_space<vmem_shared>> -> memref<16x128xf32, #tpu.memory_space<vmem_shared>>
        tpu.wait_dma2 semaphore(%run_scoped3A : memref<!tpu.dma_semaphore, #tpu.memory_space<semaphore_mem>>) src(%arg9 : memref<16x128xf32, #tpu.memory_space<vmem>>) dst(%dma_wait3A_57 : memref<16x128xf32, #tpu.memory_space<vmem_shared>>)
        tpu.yield
      }) : () -> ()
    }
    %scan3A_32 = arith.constant 39 : i32
    %convert_element_type3A_33 = arith.extui %eq3A_3 : i1 to i32
    %cond3A_34 = arith.constant 0 : i32
    %cond3A_35 = arith.cmpi ne, %convert_element_type3A_33, %cond3A_34 : i32
    scf.if %cond3A_35 {
      "tpu.region"() ({
        %run_scoped3A = tpu.sem_alloc : memref<!tpu.dma_semaphore, #tpu.memory_space<semaphore_mem>>
        %dma_start3A = arith.constant 0 : i32
        %dma_start3A_46 = arith.constant 0 : i32
        %dma_start3A_47 = tpu.memref_slice %arg9[%dma_start3A, %dma_start3A_46] : memref<16x128xf32, #tpu.memory_space<vmem>> -> memref<16x128xf32, #tpu.memory_space<vmem>>
        %dma_start3A_48 = arith.constant 9984 : i32
        %dma_start3A_49 = arith.constant 0 : i32
        %dma_start3A_50 = tpu.memref_slice %arg10[%dma_start3A_48, %dma_start3A_49] : memref<10000x128xf32, #tpu.memory_space<vmem_shared>> -> memref<16x128xf32, #tpu.memory_space<vmem_shared>>
        %dma_start3A_51 = arith.constant 9984 : i32
        %dma_start3A_52 = arith.constant 0 : i32
        %dma_start3A_53 = tpu.memref_slice %arg10[%dma_start3A_51, %dma_start3A_52] : memref<10000x128xf32, #tpu.memory_space<vmem_shared>> -> memref<16x128xf32, #tpu.memory_space<vmem_shared>>
        %dma_start3A_54 = arith.constant 0 : i32
        %dma_start3A_55 = arith.constant 0 : i32
        %dma_start3A_56 = tpu.memref_slice %arg9[%dma_start3A_54, %dma_start3A_55] : memref<16x128xf32, #tpu.memory_space<vmem>> -> memref<16x128xf32, #tpu.memory_space<vmem>>
        tpu.enqueue_dma source(%dma_start3A_56 : memref<16x128xf32, #tpu.memory_space<vmem>>) target(%dma_start3A_53 : memref<16x128xf32, #tpu.memory_space<vmem_shared>>) target_semaphore(%run_scoped3A : memref<!tpu.dma_semaphore, #tpu.memory_space<semaphore_mem>>)
        %dma_wait3A = arith.constant 0 : i32
        %dma_wait3A_57 = arith.constant 0 : i32
        %dma_wait3A_58 = tpu.memref_slice %arg9[%dma_wait3A, %dma_wait3A_57] : memref<16x128xf32, #tpu.memory_space<vmem>> -> memref<16x128xf32, #tpu.memory_space<vmem>>
        %dma_wait3A_59 = arith.constant 9984 : i32
        %dma_wait3A_60 = arith.constant 0 : i32
        %dma_wait3A_61 = tpu.memref_slice %arg10[%dma_wait3A_59, %dma_wait3A_60] : memref<10000x128xf32, #tpu.memory_space<vmem_shared>> -> memref<16x128xf32, #tpu.memory_space<vmem_shared>>
        %dma_wait3A_62 = arith.constant 9984 : i32
        %dma_wait3A_63 = arith.constant 0 : i32
        %dma_wait3A_64 = tpu.memref_slice %arg10[%dma_wait3A_62, %dma_wait3A_63] : memref<10000x128xf32, #tpu.memory_space<vmem_shared>> -> memref<16x128xf32, #tpu.memory_space<vmem_shared>>
        %dma_wait3A_65 = arith.constant 0 : i32
        %dma_wait3A_66 = arith.constant 0 : i32
        %dma_wait3A_67 = tpu.memref_slice %arg9[%dma_wait3A_65, %dma_wait3A_66] : memref<16x128xf32, #tpu.memory_space<vmem>> -> memref<16x128xf32, #tpu.memory_space<vmem>>
        tpu.wait_dma2 semaphore(%run_scoped3A : memref<!tpu.dma_semaphore, #tpu.memory_space<semaphore_mem>>) src(%dma_wait3A_67 : memref<16x128xf32, #tpu.memory_space<vmem>>) dst(%dma_wait3A_64 : memref<16x128xf32, #tpu.memory_space<vmem_shared>>)
        tpu.yield
      }) : () -> ()
    } else {
    }
    %barrier3A_36 = arith.constant 0 : index
    tpu.barrier barrier_id(%barrier3A_36)
    %scan3A_37 = arith.constant 0 : i32
    %scan3A_38 = arith.constant 5 : i32
    %scan3A_39 = arith.addi %scan3A_37, %scan3A_38 : i32
    %scan3A_40 = arith.constant 1 : i32
    scf.for %scan3A_46 = %scan3A_37 to %scan3A_39 step %scan3A_40  : i32 {
      %mul3A_47 = arith.constant 1 : i32
      %mul3A_48 = arith.muli %scan3A_46, %mul3A_47 : i32
      %add3A_49 = arith.constant 0 : i32
      %add3A_50 = arith.addi %add3A_49, %mul3A_48 : i32
      "tpu.region"() ({
        %run_scoped3A = tpu.sem_alloc : memref<!tpu.dma_semaphore, #tpu.memory_space<semaphore_mem>>
        %dma_start3A_124 = arith.constant 0 : i32
        %dma_start3A_125 = arith.constant 0 : i32
        %dma_start3A_126 = tpu.memref_slice %arg3[%add3A, %add3A_50, %dma_start3A_124, %dma_start3A_125] : memref<32x5x50x40xi32, #tpu.memory_space<hbm>> -> memref<1x1x50x40xi32, #tpu.memory_space<hbm>>
        %dma_start3A_127 = tpu.memref_squeeze %dma_start3A_126 : memref<1x1x50x40xi32, #tpu.memory_space<hbm>> -> memref<50x40xi32, #tpu.memory_space<hbm>>
        %dma_start3A_128 = arith.constant 0 : i32
        %dma_start3A_129 = arith.constant 0 : i32
        %dma_start3A_130 = tpu.memref_slice %arg3[%add3A, %add3A_50, %dma_start3A_128, %dma_start3A_129] : memref<32x5x50x40xi32, #tpu.memory_space<hbm>> -> memref<1x1x50x40xi32, #tpu.memory_space<hbm>>
        %dma_start3A_131 = tpu.memref_squeeze %dma_start3A_130 : memref<1x1x50x40xi32, #tpu.memory_space<hbm>> -> memref<50x40xi32, #tpu.memory_space<hbm>>
        tpu.enqueue_dma source(%dma_start3A_131 : memref<50x40xi32, #tpu.memory_space<hbm>>) target(%arg7 : memref<50x40xi32, #tpu.memory_space<vmem>>) target_semaphore(%run_scoped3A : memref<!tpu.dma_semaphore, #tpu.memory_space<semaphore_mem>>)
        %dma_wait3A_132 = arith.constant 0 : i32
        %dma_wait3A_133 = arith.constant 0 : i32
        %dma_wait3A_134 = tpu.memref_slice %arg3[%add3A, %add3A_50, %dma_wait3A_132, %dma_wait3A_133] : memref<32x5x50x40xi32, #tpu.memory_space<hbm>> -> memref<1x1x50x40xi32, #tpu.memory_space<hbm>>
        %dma_wait3A_135 = tpu.memref_squeeze %dma_wait3A_134 : memref<1x1x50x40xi32, #tpu.memory_space<hbm>> -> memref<50x40xi32, #tpu.memory_space<hbm>>
        %dma_wait3A_136 = arith.constant 0 : i32
        %dma_wait3A_137 = arith.constant 0 : i32
        %dma_wait3A_138 = tpu.memref_slice %arg3[%add3A, %add3A_50, %dma_wait3A_136, %dma_wait3A_137] : memref<32x5x50x40xi32, #tpu.memory_space<hbm>> -> memref<1x1x50x40xi32, #tpu.memory_space<hbm>>
        %dma_wait3A_139 = tpu.memref_squeeze %dma_wait3A_138 : memref<1x1x50x40xi32, #tpu.memory_space<hbm>> -> memref<50x40xi32, #tpu.memory_space<hbm>>
        tpu.wait_dma2 semaphore(%run_scoped3A : memref<!tpu.dma_semaphore, #tpu.memory_space<semaphore_mem>>) src(%dma_wait3A_139 : memref<50x40xi32, #tpu.memory_space<hbm>>) dst(%arg7 : memref<50x40xi32, #tpu.memory_space<vmem>>)
        tpu.yield
      }) : () -> ()
      "tpu.region"() ({
        %run_scoped3A = tpu.sem_alloc : memref<!tpu.dma_semaphore, #tpu.memory_space<semaphore_mem>>
        %dma_start3A_124 = arith.constant 0 : i32
        %dma_start3A_125 = arith.constant 0 : i32
        %dma_start3A_126 = tpu.memref_slice %arg4[%add3A, %add3A_50, %dma_start3A_124, %dma_start3A_125] : memref<32x5x50x40xi32, #tpu.memory_space<hbm>> -> memref<1x1x50x40xi32, #tpu.memory_space<hbm>>
        %dma_start3A_127 = tpu.memref_squeeze %dma_start3A_126 : memref<1x1x50x40xi32, #tpu.memory_space<hbm>> -> memref<50x40xi32, #tpu.memory_space<hbm>>
        %dma_start3A_128 = arith.constant 0 : i32
        %dma_start3A_129 = arith.constant 0 : i32
        %dma_start3A_130 = tpu.memref_slice %arg4[%add3A, %add3A_50, %dma_start3A_128, %dma_start3A_129] : memref<32x5x50x40xi32, #tpu.memory_space<hbm>> -> memref<1x1x50x40xi32, #tpu.memory_space<hbm>>
        %dma_start3A_131 = tpu.memref_squeeze %dma_start3A_130 : memref<1x1x50x40xi32, #tpu.memory_space<hbm>> -> memref<50x40xi32, #tpu.memory_space<hbm>>
        tpu.enqueue_dma source(%dma_start3A_131 : memref<50x40xi32, #tpu.memory_space<hbm>>) target(%arg8 : memref<50x40xi32, #tpu.memory_space<vmem>>) target_semaphore(%run_scoped3A : memref<!tpu.dma_semaphore, #tpu.memory_space<semaphore_mem>>)
        %dma_wait3A_132 = arith.constant 0 : i32
        %dma_wait3A_133 = arith.constant 0 : i32
        %dma_wait3A_134 = tpu.memref_slice %arg4[%add3A, %add3A_50, %dma_wait3A_132, %dma_wait3A_133] : memref<32x5x50x40xi32, #tpu.memory_space<hbm>> -> memref<1x1x50x40xi32, #tpu.memory_space<hbm>>
        %dma_wait3A_135 = tpu.memref_squeeze %dma_wait3A_134 : memref<1x1x50x40xi32, #tpu.memory_space<hbm>> -> memref<50x40xi32, #tpu.memory_space<hbm>>
        %dma_wait3A_136 = arith.constant 0 : i32
        %dma_wait3A_137 = arith.constant 0 : i32
        %dma_wait3A_138 = tpu.memref_slice %arg4[%add3A, %add3A_50, %dma_wait3A_136, %dma_wait3A_137] : memref<32x5x50x40xi32, #tpu.memory_space<hbm>> -> memref<1x1x50x40xi32, #tpu.memory_space<hbm>>
        %dma_wait3A_139 = tpu.memref_squeeze %dma_wait3A_138 : memref<1x1x50x40xi32, #tpu.memory_space<hbm>> -> memref<50x40xi32, #tpu.memory_space<hbm>>
        tpu.wait_dma2 semaphore(%run_scoped3A : memref<!tpu.dma_semaphore, #tpu.memory_space<semaphore_mem>>) src(%dma_wait3A_139 : memref<50x40xi32, #tpu.memory_space<hbm>>) dst(%arg8 : memref<50x40xi32, #tpu.memory_space<vmem>>)
        tpu.yield
      }) : () -> ()
      %dma_start3A = arith.constant 0 : i32
      %dma_start3A_51 = arith.constant 0 : i32
      %dma_start3A_52 = tpu.memref_slice %arg7[%dma_start3A, %dma_start3A_51] : memref<50x40xi32, #tpu.memory_space<vmem>> -> memref<1x40xi32, #tpu.memory_space<vmem>>
      %dma_start3A_53 = tpu.memref_squeeze %dma_start3A_52 : memref<1x40xi32, #tpu.memory_space<vmem>> -> memref<40xi32, #tpu.memory_space<vmem>>
      %dma_start3A_54 = arith.constant 0 : i32
      %dma_start3A_55 = arith.constant 0 : i32
      %dma_start3A_56 = tpu.memref_slice %arg2[%dma_start3A_54, %dma_start3A_55] : memref<10000x128xf32, #tpu.memory_space<hbm>> -> memref<10000x128xf32, #tpu.memory_space<hbm>>
      tpu.enqueue_indirect_dma source(%dma_start3A_56 : memref<10000x128xf32, #tpu.memory_space<hbm>>) target(%arg22 : memref<40x128xf32, #tpu.memory_space<vmem>>) offsets(%dma_start3A_53 : memref<40xi32, #tpu.memory_space<vmem>>) semaphore(%arg12 : memref<!tpu.dma_semaphore, #tpu.memory_space<semaphore_mem>>)
      %dma_start3A_57 = arith.constant 1 : i32
      %dma_start3A_58 = arith.constant 0 : i32
      %dma_start3A_59 = tpu.memref_slice %arg7[%dma_start3A_57, %dma_start3A_58] : memref<50x40xi32, #tpu.memory_space<vmem>> -> memref<1x40xi32, #tpu.memory_space<vmem>>
      %dma_start3A_60 = tpu.memref_squeeze %dma_start3A_59 : memref<1x40xi32, #tpu.memory_space<vmem>> -> memref<40xi32, #tpu.memory_space<vmem>>
      %dma_start3A_61 = arith.constant 0 : i32
      %dma_start3A_62 = arith.constant 0 : i32
      %dma_start3A_63 = tpu.memref_slice %arg2[%dma_start3A_61, %dma_start3A_62] : memref<10000x128xf32, #tpu.memory_space<hbm>> -> memref<10000x128xf32, #tpu.memory_space<hbm>>
      tpu.enqueue_indirect_dma source(%dma_start3A_63 : memref<10000x128xf32, #tpu.memory_space<hbm>>) target(%arg23 : memref<40x128xf32, #tpu.memory_space<vmem>>) offsets(%dma_start3A_60 : memref<40xi32, #tpu.memory_space<vmem>>) semaphore(%arg13 : memref<!tpu.dma_semaphore, #tpu.memory_space<semaphore_mem>>)
      %dma_start3A_64 = arith.constant 2 : i32
      %dma_start3A_65 = arith.constant 0 : i32
      %dma_start3A_66 = tpu.memref_slice %arg7[%dma_start3A_64, %dma_start3A_65] : memref<50x40xi32, #tpu.memory_space<vmem>> -> memref<1x40xi32, #tpu.memory_space<vmem>>
      %dma_start3A_67 = tpu.memref_squeeze %dma_start3A_66 : memref<1x40xi32, #tpu.memory_space<vmem>> -> memref<40xi32, #tpu.memory_space<vmem>>
      %dma_start3A_68 = arith.constant 0 : i32
      %dma_start3A_69 = arith.constant 0 : i32
      %dma_start3A_70 = tpu.memref_slice %arg2[%dma_start3A_68, %dma_start3A_69] : memref<10000x128xf32, #tpu.memory_space<hbm>> -> memref<10000x128xf32, #tpu.memory_space<hbm>>
      tpu.enqueue_indirect_dma source(%dma_start3A_70 : memref<10000x128xf32, #tpu.memory_space<hbm>>) target(%arg24 : memref<40x128xf32, #tpu.memory_space<vmem>>) offsets(%dma_start3A_67 : memref<40xi32, #tpu.memory_space<vmem>>) semaphore(%arg14 : memref<!tpu.dma_semaphore, #tpu.memory_space<semaphore_mem>>)
      %dma_start3A_71 = arith.constant 3 : i32
      %dma_start3A_72 = arith.constant 0 : i32
      %dma_start3A_73 = tpu.memref_slice %arg7[%dma_start3A_71, %dma_start3A_72] : memref<50x40xi32, #tpu.memory_space<vmem>> -> memref<1x40xi32, #tpu.memory_space<vmem>>
      %dma_start3A_74 = tpu.memref_squeeze %dma_start3A_73 : memref<1x40xi32, #tpu.memory_space<vmem>> -> memref<40xi32, #tpu.memory_space<vmem>>
      %dma_start3A_75 = arith.constant 0 : i32
      %dma_start3A_76 = arith.constant 0 : i32
      %dma_start3A_77 = tpu.memref_slice %arg2[%dma_start3A_75, %dma_start3A_76] : memref<10000x128xf32, #tpu.memory_space<hbm>> -> memref<10000x128xf32, #tpu.memory_space<hbm>>
      tpu.enqueue_indirect_dma source(%dma_start3A_77 : memref<10000x128xf32, #tpu.memory_space<hbm>>) target(%arg25 : memref<40x128xf32, #tpu.memory_space<vmem>>) offsets(%dma_start3A_74 : memref<40xi32, #tpu.memory_space<vmem>>) semaphore(%arg15 : memref<!tpu.dma_semaphore, #tpu.memory_space<semaphore_mem>>)
      %dma_start3A_78 = arith.constant 4 : i32
      %dma_start3A_79 = arith.constant 0 : i32
      %dma_start3A_80 = tpu.memref_slice %arg7[%dma_start3A_78, %dma_start3A_79] : memref<50x40xi32, #tpu.memory_space<vmem>> -> memref<1x40xi32, #tpu.memory_space<vmem>>
      %dma_start3A_81 = tpu.memref_squeeze %dma_start3A_80 : memref<1x40xi32, #tpu.memory_space<vmem>> -> memref<40xi32, #tpu.memory_space<vmem>>
      %dma_start3A_82 = arith.constant 0 : i32
      %dma_start3A_83 = arith.constant 0 : i32
      %dma_start3A_84 = tpu.memref_slice %arg2[%dma_start3A_82, %dma_start3A_83] : memref<10000x128xf32, #tpu.memory_space<hbm>> -> memref<10000x128xf32, #tpu.memory_space<hbm>>
      tpu.enqueue_indirect_dma source(%dma_start3A_84 : memref<10000x128xf32, #tpu.memory_space<hbm>>) target(%arg26 : memref<40x128xf32, #tpu.memory_space<vmem>>) offsets(%dma_start3A_81 : memref<40xi32, #tpu.memory_space<vmem>>) semaphore(%arg16 : memref<!tpu.dma_semaphore, #tpu.memory_space<semaphore_mem>>)
      %scan3A_85 = arith.constant 0 : i32
      %scan3A_86 = arith.constant 10 : i32
      %scan3A_87 = arith.addi %scan3A_85, %scan3A_86 : i32
      %scan3A_88 = arith.constant 1 : i32
      scf.for %scan3A_124 = %scan3A_85 to %scan3A_87 step %scan3A_88  : i32 {
        %mul3A_125 = arith.constant 1 : i32
        %mul3A_126 = arith.muli %scan3A_124, %mul3A_125 : i32
        %add3A_127 = arith.constant 0 : i32
        %add3A_128 = arith.addi %add3A_127, %mul3A_126 : i32
        %mul3A_129 = arith.constant 5 : i32
        %mul3A_130 = arith.muli %add3A_128, %mul3A_129 : i32
        %add3A_131 = arith.constant 0 : i32
        %add3A_132 = arith.addi %mul3A_130, %add3A_131 : i32
        %dma_wait3A_133 = arith.constant 0 : i32
        %dma_wait3A_134 = tpu.memref_slice %arg7[%add3A_132, %dma_wait3A_133] : memref<50x40xi32, #tpu.memory_space<vmem>> -> memref<1x40xi32, #tpu.memory_space<vmem>>
        %dma_wait3A_135 = tpu.memref_squeeze %dma_wait3A_134 : memref<1x40xi32, #tpu.memory_space<vmem>> -> memref<40xi32, #tpu.memory_space<vmem>>
        %dma_wait3A_136 = arith.constant 0 : i32
        %dma_wait3A_137 = arith.constant 0 : i32
        %dma_wait3A_138 = tpu.memref_slice %arg2[%dma_wait3A_136, %dma_wait3A_137] : memref<10000x128xf32, #tpu.memory_space<hbm>> -> memref<10000x128xf32, #tpu.memory_space<hbm>>
        tpu.wait_indirect_dma semaphore(%arg12 : memref<!tpu.dma_semaphore, #tpu.memory_space<semaphore_mem>>) src(%dma_wait3A_138 : memref<10000x128xf32, #tpu.memory_space<hbm>>) dst(%arg22 : memref<40x128xf32, #tpu.memory_space<vmem>>)
        %mul3A_139 = arith.constant 5 : i32
        %mul3A_140 = arith.muli %add3A_128, %mul3A_139 : i32
        %add3A_141 = arith.constant 0 : i32
        %add3A_142 = arith.addi %mul3A_140, %add3A_141 : i32
        %dma_start3A_143 = arith.constant 0 : i32
        %dma_start3A_144 = tpu.memref_slice %arg8[%add3A_142, %dma_start3A_143] : memref<50x40xi32, #tpu.memory_space<vmem>> -> memref<1x40xi32, #tpu.memory_space<vmem>>
        %dma_start3A_145 = tpu.memref_squeeze %dma_start3A_144 : memref<1x40xi32, #tpu.memory_space<vmem>> -> memref<40xi32, #tpu.memory_space<vmem>>
        %dma_start3A_146 = arith.constant 0 : i32
        %dma_start3A_147 = arith.constant 0 : i32
        %dma_start3A_148 = tpu.memref_slice %arg10[%dma_start3A_146, %dma_start3A_147] : memref<10000x128xf32, #tpu.memory_space<vmem_shared>> -> memref<10000x128xf32, #tpu.memory_space<vmem_shared>>
        tpu.enqueue_indirect_dma source(%arg22 : memref<40x128xf32, #tpu.memory_space<vmem>>) target(%dma_start3A_148 : memref<10000x128xf32, #tpu.memory_space<vmem_shared>>) offsets(%dma_start3A_145 : memref<40xi32, #tpu.memory_space<vmem>>) semaphore(%arg17 : memref<!tpu.dma_semaphore, #tpu.memory_space<semaphore_mem>>) {add = true}
        %mul3A_149 = arith.constant 5 : i32
        %mul3A_150 = arith.muli %add3A_128, %mul3A_149 : i32
        %add3A_151 = arith.constant 1 : i32
        %add3A_152 = arith.addi %mul3A_150, %add3A_151 : i32
        %dma_wait3A_153 = arith.constant 0 : i32
        %dma_wait3A_154 = tpu.memref_slice %arg7[%add3A_152, %dma_wait3A_153] : memref<50x40xi32, #tpu.memory_space<vmem>> -> memref<1x40xi32, #tpu.memory_space<vmem>>
        %dma_wait3A_155 = tpu.memref_squeeze %dma_wait3A_154 : memref<1x40xi32, #tpu.memory_space<vmem>> -> memref<40xi32, #tpu.memory_space<vmem>>
        %dma_wait3A_156 = arith.constant 0 : i32
        %dma_wait3A_157 = arith.constant 0 : i32
        %dma_wait3A_158 = tpu.memref_slice %arg2[%dma_wait3A_156, %dma_wait3A_157] : memref<10000x128xf32, #tpu.memory_space<hbm>> -> memref<10000x128xf32, #tpu.memory_space<hbm>>
        tpu.wait_indirect_dma semaphore(%arg13 : memref<!tpu.dma_semaphore, #tpu.memory_space<semaphore_mem>>) src(%dma_wait3A_158 : memref<10000x128xf32, #tpu.memory_space<hbm>>) dst(%arg23 : memref<40x128xf32, #tpu.memory_space<vmem>>)
        %mul3A_159 = arith.constant 5 : i32
        %mul3A_160 = arith.muli %add3A_128, %mul3A_159 : i32
        %add3A_161 = arith.constant 1 : i32
        %add3A_162 = arith.addi %mul3A_160, %add3A_161 : i32
        %dma_start3A_163 = arith.constant 0 : i32
        %dma_start3A_164 = tpu.memref_slice %arg8[%add3A_162, %dma_start3A_163] : memref<50x40xi32, #tpu.memory_space<vmem>> -> memref<1x40xi32, #tpu.memory_space<vmem>>
        %dma_start3A_165 = tpu.memref_squeeze %dma_start3A_164 : memref<1x40xi32, #tpu.memory_space<vmem>> -> memref<40xi32, #tpu.memory_space<vmem>>
        %dma_start3A_166 = arith.constant 0 : i32
        %dma_start3A_167 = arith.constant 0 : i32
        %dma_start3A_168 = tpu.memref_slice %arg10[%dma_start3A_166, %dma_start3A_167] : memref<10000x128xf32, #tpu.memory_space<vmem_shared>> -> memref<10000x128xf32, #tpu.memory_space<vmem_shared>>
        tpu.enqueue_indirect_dma source(%arg23 : memref<40x128xf32, #tpu.memory_space<vmem>>) target(%dma_start3A_168 : memref<10000x128xf32, #tpu.memory_space<vmem_shared>>) offsets(%dma_start3A_165 : memref<40xi32, #tpu.memory_space<vmem>>) semaphore(%arg18 : memref<!tpu.dma_semaphore, #tpu.memory_space<semaphore_mem>>) {add = true}
        %mul3A_169 = arith.constant 5 : i32
        %mul3A_170 = arith.muli %add3A_128, %mul3A_169 : i32
        %add3A_171 = arith.constant 2 : i32
        %add3A_172 = arith.addi %mul3A_170, %add3A_171 : i32
        %dma_wait3A_173 = arith.constant 0 : i32
        %dma_wait3A_174 = tpu.memref_slice %arg7[%add3A_172, %dma_wait3A_173] : memref<50x40xi32, #tpu.memory_space<vmem>> -> memref<1x40xi32, #tpu.memory_space<vmem>>
        %dma_wait3A_175 = tpu.memref_squeeze %dma_wait3A_174 : memref<1x40xi32, #tpu.memory_space<vmem>> -> memref<40xi32, #tpu.memory_space<vmem>>
        %dma_wait3A_176 = arith.constant 0 : i32
        %dma_wait3A_177 = arith.constant 0 : i32
        %dma_wait3A_178 = tpu.memref_slice %arg2[%dma_wait3A_176, %dma_wait3A_177] : memref<10000x128xf32, #tpu.memory_space<hbm>> -> memref<10000x128xf32, #tpu.memory_space<hbm>>
        tpu.wait_indirect_dma semaphore(%arg14 : memref<!tpu.dma_semaphore, #tpu.memory_space<semaphore_mem>>) src(%dma_wait3A_178 : memref<10000x128xf32, #tpu.memory_space<hbm>>) dst(%arg24 : memref<40x128xf32, #tpu.memory_space<vmem>>)
        %mul3A_179 = arith.constant 5 : i32
        %mul3A_180 = arith.muli %add3A_128, %mul3A_179 : i32
        %add3A_181 = arith.constant 2 : i32
        %add3A_182 = arith.addi %mul3A_180, %add3A_181 : i32
        %dma_start3A_183 = arith.constant 0 : i32
        %dma_start3A_184 = tpu.memref_slice %arg8[%add3A_182, %dma_start3A_183] : memref<50x40xi32, #tpu.memory_space<vmem>> -> memref<1x40xi32, #tpu.memory_space<vmem>>
        %dma_start3A_185 = tpu.memref_squeeze %dma_start3A_184 : memref<1x40xi32, #tpu.memory_space<vmem>> -> memref<40xi32, #tpu.memory_space<vmem>>
        %dma_start3A_186 = arith.constant 0 : i32
        %dma_start3A_187 = arith.constant 0 : i32
        %dma_start3A_188 = tpu.memref_slice %arg10[%dma_start3A_186, %dma_start3A_187] : memref<10000x128xf32, #tpu.memory_space<vmem_shared>> -> memref<10000x128xf32, #tpu.memory_space<vmem_shared>>
        tpu.enqueue_indirect_dma source(%arg24 : memref<40x128xf32, #tpu.memory_space<vmem>>) target(%dma_start3A_188 : memref<10000x128xf32, #tpu.memory_space<vmem_shared>>) offsets(%dma_start3A_185 : memref<40xi32, #tpu.memory_space<vmem>>) semaphore(%arg19 : memref<!tpu.dma_semaphore, #tpu.memory_space<semaphore_mem>>) {add = true}
        %mul3A_189 = arith.constant 5 : i32
        %mul3A_190 = arith.muli %add3A_128, %mul3A_189 : i32
        %add3A_191 = arith.constant 3 : i32
        %add3A_192 = arith.addi %mul3A_190, %add3A_191 : i32
        %dma_wait3A_193 = arith.constant 0 : i32
        %dma_wait3A_194 = tpu.memref_slice %arg7[%add3A_192, %dma_wait3A_193] : memref<50x40xi32, #tpu.memory_space<vmem>> -> memref<1x40xi32, #tpu.memory_space<vmem>>
        %dma_wait3A_195 = tpu.memref_squeeze %dma_wait3A_194 : memref<1x40xi32, #tpu.memory_space<vmem>> -> memref<40xi32, #tpu.memory_space<vmem>>
        %dma_wait3A_196 = arith.constant 0 : i32
        %dma_wait3A_197 = arith.constant 0 : i32
        %dma_wait3A_198 = tpu.memref_slice %arg2[%dma_wait3A_196, %dma_wait3A_197] : memref<10000x128xf32, #tpu.memory_space<hbm>> -> memref<10000x128xf32, #tpu.memory_space<hbm>>
        tpu.wait_indirect_dma semaphore(%arg15 : memref<!tpu.dma_semaphore, #tpu.memory_space<semaphore_mem>>) src(%dma_wait3A_198 : memref<10000x128xf32, #tpu.memory_space<hbm>>) dst(%arg25 : memref<40x128xf32, #tpu.memory_space<vmem>>)
        %mul3A_199 = arith.constant 5 : i32
        %mul3A_200 = arith.muli %add3A_128, %mul3A_199 : i32
        %add3A_201 = arith.constant 3 : i32
        %add3A_202 = arith.addi %mul3A_200, %add3A_201 : i32
        %dma_start3A_203 = arith.constant 0 : i32
        %dma_start3A_204 = tpu.memref_slice %arg8[%add3A_202, %dma_start3A_203] : memref<50x40xi32, #tpu.memory_space<vmem>> -> memref<1x40xi32, #tpu.memory_space<vmem>>
        %dma_start3A_205 = tpu.memref_squeeze %dma_start3A_204 : memref<1x40xi32, #tpu.memory_space<vmem>> -> memref<40xi32, #tpu.memory_space<vmem>>
        %dma_start3A_206 = arith.constant 0 : i32
        %dma_start3A_207 = arith.constant 0 : i32
        %dma_start3A_208 = tpu.memref_slice %arg10[%dma_start3A_206, %dma_start3A_207] : memref<10000x128xf32, #tpu.memory_space<vmem_shared>> -> memref<10000x128xf32, #tpu.memory_space<vmem_shared>>
        tpu.enqueue_indirect_dma source(%arg25 : memref<40x128xf32, #tpu.memory_space<vmem>>) target(%dma_start3A_208 : memref<10000x128xf32, #tpu.memory_space<vmem_shared>>) offsets(%dma_start3A_205 : memref<40xi32, #tpu.memory_space<vmem>>) semaphore(%arg20 : memref<!tpu.dma_semaphore, #tpu.memory_space<semaphore_mem>>) {add = true}
        %mul3A_209 = arith.constant 5 : i32
        %mul3A_210 = arith.muli %add3A_128, %mul3A_209 : i32
        %add3A_211 = arith.constant 4 : i32
        %add3A_212 = arith.addi %mul3A_210, %add3A_211 : i32
        %dma_wait3A_213 = arith.constant 0 : i32
        %dma_wait3A_214 = tpu.memref_slice %arg7[%add3A_212, %dma_wait3A_213] : memref<50x40xi32, #tpu.memory_space<vmem>> -> memref<1x40xi32, #tpu.memory_space<vmem>>
        %dma_wait3A_215 = tpu.memref_squeeze %dma_wait3A_214 : memref<1x40xi32, #tpu.memory_space<vmem>> -> memref<40xi32, #tpu.memory_space<vmem>>
        %dma_wait3A_216 = arith.constant 0 : i32
        %dma_wait3A_217 = arith.constant 0 : i32
        %dma_wait3A_218 = tpu.memref_slice %arg2[%dma_wait3A_216, %dma_wait3A_217] : memref<10000x128xf32, #tpu.memory_space<hbm>> -> memref<10000x128xf32, #tpu.memory_space<hbm>>
        tpu.wait_indirect_dma semaphore(%arg16 : memref<!tpu.dma_semaphore, #tpu.memory_space<semaphore_mem>>) src(%dma_wait3A_218 : memref<10000x128xf32, #tpu.memory_space<hbm>>) dst(%arg26 : memref<40x128xf32, #tpu.memory_space<vmem>>)
        %mul3A_219 = arith.constant 5 : i32
        %mul3A_220 = arith.muli %add3A_128, %mul3A_219 : i32
        %add3A_221 = arith.constant 4 : i32
        %add3A_222 = arith.addi %mul3A_220, %add3A_221 : i32
        %dma_start3A_223 = arith.constant 0 : i32
        %dma_start3A_224 = tpu.memref_slice %arg8[%add3A_222, %dma_start3A_223] : memref<50x40xi32, #tpu.memory_space<vmem>> -> memref<1x40xi32, #tpu.memory_space<vmem>>
        %dma_start3A_225 = tpu.memref_squeeze %dma_start3A_224 : memref<1x40xi32, #tpu.memory_space<vmem>> -> memref<40xi32, #tpu.memory_space<vmem>>
        %dma_start3A_226 = arith.constant 0 : i32
        %dma_start3A_227 = arith.constant 0 : i32
        %dma_start3A_228 = tpu.memref_slice %arg10[%dma_start3A_226, %dma_start3A_227] : memref<10000x128xf32, #tpu.memory_space<vmem_shared>> -> memref<10000x128xf32, #tpu.memory_space<vmem_shared>>
        tpu.enqueue_indirect_dma source(%arg26 : memref<40x128xf32, #tpu.memory_space<vmem>>) target(%dma_start3A_228 : memref<10000x128xf32, #tpu.memory_space<vmem_shared>>) offsets(%dma_start3A_225 : memref<40xi32, #tpu.memory_space<vmem>>) semaphore(%arg21 : memref<!tpu.dma_semaphore, #tpu.memory_space<semaphore_mem>>) {add = true}
        %lt3A = arith.constant 9 : i32
        %lt3A_229 = arith.cmpi slt, %add3A_128, %lt3A : i32
        %convert_element_type3A_230 = arith.extui %lt3A_229 : i1 to i32
        %cond3A_231 = arith.constant 0 : i32
        %cond3A_232 = arith.cmpi ne, %convert_element_type3A_230, %cond3A_231 : i32
        scf.if %cond3A_232 {
          %dma_wait3A_233 = arith.constant 0 : i32
          %dma_wait3A_234 = tpu.memref_slice %arg8[%add3A_142, %dma_wait3A_233] : memref<50x40xi32, #tpu.memory_space<vmem>> -> memref<1x40xi32, #tpu.memory_space<vmem>>
          %dma_wait3A_235 = tpu.memref_squeeze %dma_wait3A_234 : memref<1x40xi32, #tpu.memory_space<vmem>> -> memref<40xi32, #tpu.memory_space<vmem>>
          %dma_wait3A_236 = arith.constant 0 : i32
          %dma_wait3A_237 = arith.constant 0 : i32
          %dma_wait3A_238 = tpu.memref_slice %arg10[%dma_wait3A_236, %dma_wait3A_237] : memref<10000x128xf32, #tpu.memory_space<vmem_shared>> -> memref<10000x128xf32, #tpu.memory_space<vmem_shared>>
          tpu.wait_indirect_dma semaphore(%arg17 : memref<!tpu.dma_semaphore, #tpu.memory_space<semaphore_mem>>) src(%arg22 : memref<40x128xf32, #tpu.memory_space<vmem>>) dst(%dma_wait3A_238 : memref<10000x128xf32, #tpu.memory_space<vmem_shared>>)
          %add3A_239 = arith.constant 1 : i32
          %add3A_240 = arith.addi %add3A_128, %add3A_239 : i32
          %mul3A_241 = arith.constant 5 : i32
          %mul3A_242 = arith.muli %add3A_240, %mul3A_241 : i32
          %add3A_243 = arith.constant 0 : i32
          %add3A_244 = arith.addi %mul3A_242, %add3A_243 : i32
          %dma_start3A_245 = arith.constant 0 : i32
          %dma_start3A_246 = tpu.memref_slice %arg7[%add3A_244, %dma_start3A_245] : memref<50x40xi32, #tpu.memory_space<vmem>> -> memref<1x40xi32, #tpu.memory_space<vmem>>
          %dma_start3A_247 = tpu.memref_squeeze %dma_start3A_246 : memref<1x40xi32, #tpu.memory_space<vmem>> -> memref<40xi32, #tpu.memory_space<vmem>>
          %dma_start3A_248 = arith.constant 0 : i32
          %dma_start3A_249 = arith.constant 0 : i32
          %dma_start3A_250 = tpu.memref_slice %arg2[%dma_start3A_248, %dma_start3A_249] : memref<10000x128xf32, #tpu.memory_space<hbm>> -> memref<10000x128xf32, #tpu.memory_space<hbm>>
          tpu.enqueue_indirect_dma source(%dma_start3A_250 : memref<10000x128xf32, #tpu.memory_space<hbm>>) target(%arg22 : memref<40x128xf32, #tpu.memory_space<vmem>>) offsets(%dma_start3A_247 : memref<40xi32, #tpu.memory_space<vmem>>) semaphore(%arg12 : memref<!tpu.dma_semaphore, #tpu.memory_space<semaphore_mem>>)
          %dma_wait3A_251 = arith.constant 0 : i32
          %dma_wait3A_252 = tpu.memref_slice %arg8[%add3A_162, %dma_wait3A_251] : memref<50x40xi32, #tpu.memory_space<vmem>> -> memref<1x40xi32, #tpu.memory_space<vmem>>
          %dma_wait3A_253 = tpu.memref_squeeze %dma_wait3A_252 : memref<1x40xi32, #tpu.memory_space<vmem>> -> memref<40xi32, #tpu.memory_space<vmem>>
          %dma_wait3A_254 = arith.constant 0 : i32
          %dma_wait3A_255 = arith.constant 0 : i32
          %dma_wait3A_256 = tpu.memref_slice %arg10[%dma_wait3A_254, %dma_wait3A_255] : memref<10000x128xf32, #tpu.memory_space<vmem_shared>> -> memref<10000x128xf32, #tpu.memory_space<vmem_shared>>
          tpu.wait_indirect_dma semaphore(%arg18 : memref<!tpu.dma_semaphore, #tpu.memory_space<semaphore_mem>>) src(%arg23 : memref<40x128xf32, #tpu.memory_space<vmem>>) dst(%dma_wait3A_256 : memref<10000x128xf32, #tpu.memory_space<vmem_shared>>)
          %add3A_257 = arith.constant 1 : i32
          %add3A_258 = arith.addi %add3A_128, %add3A_257 : i32
          %mul3A_259 = arith.constant 5 : i32
          %mul3A_260 = arith.muli %add3A_258, %mul3A_259 : i32
          %add3A_261 = arith.constant 1 : i32
          %add3A_262 = arith.addi %mul3A_260, %add3A_261 : i32
          %dma_start3A_263 = arith.constant 0 : i32
          %dma_start3A_264 = tpu.memref_slice %arg7[%add3A_262, %dma_start3A_263] : memref<50x40xi32, #tpu.memory_space<vmem>> -> memref<1x40xi32, #tpu.memory_space<vmem>>
          %dma_start3A_265 = tpu.memref_squeeze %dma_start3A_264 : memref<1x40xi32, #tpu.memory_space<vmem>> -> memref<40xi32, #tpu.memory_space<vmem>>
          %dma_start3A_266 = arith.constant 0 : i32
          %dma_start3A_267 = arith.constant 0 : i32
          %dma_start3A_268 = tpu.memref_slice %arg2[%dma_start3A_266, %dma_start3A_267] : memref<10000x128xf32, #tpu.memory_space<hbm>> -> memref<10000x128xf32, #tpu.memory_space<hbm>>
          tpu.enqueue_indirect_dma source(%dma_start3A_268 : memref<10000x128xf32, #tpu.memory_space<hbm>>) target(%arg23 : memref<40x128xf32, #tpu.memory_space<vmem>>) offsets(%dma_start3A_265 : memref<40xi32, #tpu.memory_space<vmem>>) semaphore(%arg13 : memref<!tpu.dma_semaphore, #tpu.memory_space<semaphore_mem>>)
          %dma_wait3A_269 = arith.constant 0 : i32
          %dma_wait3A_270 = tpu.memref_slice %arg8[%add3A_182, %dma_wait3A_269] : memref<50x40xi32, #tpu.memory_space<vmem>> -> memref<1x40xi32, #tpu.memory_space<vmem>>
          %dma_wait3A_271 = tpu.memref_squeeze %dma_wait3A_270 : memref<1x40xi32, #tpu.memory_space<vmem>> -> memref<40xi32, #tpu.memory_space<vmem>>
          %dma_wait3A_272 = arith.constant 0 : i32
          %dma_wait3A_273 = arith.constant 0 : i32
          %dma_wait3A_274 = tpu.memref_slice %arg10[%dma_wait3A_272, %dma_wait3A_273] : memref<10000x128xf32, #tpu.memory_space<vmem_shared>> -> memref<10000x128xf32, #tpu.memory_space<vmem_shared>>
          tpu.wait_indirect_dma semaphore(%arg19 : memref<!tpu.dma_semaphore, #tpu.memory_space<semaphore_mem>>) src(%arg24 : memref<40x128xf32, #tpu.memory_space<vmem>>) dst(%dma_wait3A_274 : memref<10000x128xf32, #tpu.memory_space<vmem_shared>>)
          %add3A_275 = arith.constant 1 : i32
          %add3A_276 = arith.addi %add3A_128, %add3A_275 : i32
          %mul3A_277 = arith.constant 5 : i32
          %mul3A_278 = arith.muli %add3A_276, %mul3A_277 : i32
          %add3A_279 = arith.constant 2 : i32
          %add3A_280 = arith.addi %mul3A_278, %add3A_279 : i32
          %dma_start3A_281 = arith.constant 0 : i32
          %dma_start3A_282 = tpu.memref_slice %arg7[%add3A_280, %dma_start3A_281] : memref<50x40xi32, #tpu.memory_space<vmem>> -> memref<1x40xi32, #tpu.memory_space<vmem>>
          %dma_start3A_283 = tpu.memref_squeeze %dma_start3A_282 : memref<1x40xi32, #tpu.memory_space<vmem>> -> memref<40xi32, #tpu.memory_space<vmem>>
          %dma_start3A_284 = arith.constant 0 : i32
          %dma_start3A_285 = arith.constant 0 : i32
          %dma_start3A_286 = tpu.memref_slice %arg2[%dma_start3A_284, %dma_start3A_285] : memref<10000x128xf32, #tpu.memory_space<hbm>> -> memref<10000x128xf32, #tpu.memory_space<hbm>>
          tpu.enqueue_indirect_dma source(%dma_start3A_286 : memref<10000x128xf32, #tpu.memory_space<hbm>>) target(%arg24 : memref<40x128xf32, #tpu.memory_space<vmem>>) offsets(%dma_start3A_283 : memref<40xi32, #tpu.memory_space<vmem>>) semaphore(%arg14 : memref<!tpu.dma_semaphore, #tpu.memory_space<semaphore_mem>>)
          %dma_wait3A_287 = arith.constant 0 : i32
          %dma_wait3A_288 = tpu.memref_slice %arg8[%add3A_202, %dma_wait3A_287] : memref<50x40xi32, #tpu.memory_space<vmem>> -> memref<1x40xi32, #tpu.memory_space<vmem>>
          %dma_wait3A_289 = tpu.memref_squeeze %dma_wait3A_288 : memref<1x40xi32, #tpu.memory_space<vmem>> -> memref<40xi32, #tpu.memory_space<vmem>>
          %dma_wait3A_290 = arith.constant 0 : i32
          %dma_wait3A_291 = arith.constant 0 : i32
          %dma_wait3A_292 = tpu.memref_slice %arg10[%dma_wait3A_290, %dma_wait3A_291] : memref<10000x128xf32, #tpu.memory_space<vmem_shared>> -> memref<10000x128xf32, #tpu.memory_space<vmem_shared>>
          tpu.wait_indirect_dma semaphore(%arg20 : memref<!tpu.dma_semaphore, #tpu.memory_space<semaphore_mem>>) src(%arg25 : memref<40x128xf32, #tpu.memory_space<vmem>>) dst(%dma_wait3A_292 : memref<10000x128xf32, #tpu.memory_space<vmem_shared>>)
          %add3A_293 = arith.constant 1 : i32
          %add3A_294 = arith.addi %add3A_128, %add3A_293 : i32
          %mul3A_295 = arith.constant 5 : i32
          %mul3A_296 = arith.muli %add3A_294, %mul3A_295 : i32
          %add3A_297 = arith.constant 3 : i32
          %add3A_298 = arith.addi %mul3A_296, %add3A_297 : i32
          %dma_start3A_299 = arith.constant 0 : i32
          %dma_start3A_300 = tpu.memref_slice %arg7[%add3A_298, %dma_start3A_299] : memref<50x40xi32, #tpu.memory_space<vmem>> -> memref<1x40xi32, #tpu.memory_space<vmem>>
          %dma_start3A_301 = tpu.memref_squeeze %dma_start3A_300 : memref<1x40xi32, #tpu.memory_space<vmem>> -> memref<40xi32, #tpu.memory_space<vmem>>
          %dma_start3A_302 = arith.constant 0 : i32
          %dma_start3A_303 = arith.constant 0 : i32
          %dma_start3A_304 = tpu.memref_slice %arg2[%dma_start3A_302, %dma_start3A_303] : memref<10000x128xf32, #tpu.memory_space<hbm>> -> memref<10000x128xf32, #tpu.memory_space<hbm>>
          tpu.enqueue_indirect_dma source(%dma_start3A_304 : memref<10000x128xf32, #tpu.memory_space<hbm>>) target(%arg25 : memref<40x128xf32, #tpu.memory_space<vmem>>) offsets(%dma_start3A_301 : memref<40xi32, #tpu.memory_space<vmem>>) semaphore(%arg15 : memref<!tpu.dma_semaphore, #tpu.memory_space<semaphore_mem>>)
          %dma_wait3A_305 = arith.constant 0 : i32
          %dma_wait3A_306 = tpu.memref_slice %arg8[%add3A_222, %dma_wait3A_305] : memref<50x40xi32, #tpu.memory_space<vmem>> -> memref<1x40xi32, #tpu.memory_space<vmem>>
          %dma_wait3A_307 = tpu.memref_squeeze %dma_wait3A_306 : memref<1x40xi32, #tpu.memory_space<vmem>> -> memref<40xi32, #tpu.memory_space<vmem>>
          %dma_wait3A_308 = arith.constant 0 : i32
          %dma_wait3A_309 = arith.constant 0 : i32
          %dma_wait3A_310 = tpu.memref_slice %arg10[%dma_wait3A_308, %dma_wait3A_309] : memref<10000x128xf32, #tpu.memory_space<vmem_shared>> -> memref<10000x128xf32, #tpu.memory_space<vmem_shared>>
          tpu.wait_indirect_dma semaphore(%arg21 : memref<!tpu.dma_semaphore, #tpu.memory_space<semaphore_mem>>) src(%arg26 : memref<40x128xf32, #tpu.memory_space<vmem>>) dst(%dma_wait3A_310 : memref<10000x128xf32, #tpu.memory_space<vmem_shared>>)
          %add3A_311 = arith.constant 1 : i32
          %add3A_312 = arith.addi %add3A_128, %add3A_311 : i32
          %mul3A_313 = arith.constant 5 : i32
          %mul3A_314 = arith.muli %add3A_312, %mul3A_313 : i32
          %add3A_315 = arith.constant 4 : i32
          %add3A_316 = arith.addi %mul3A_314, %add3A_315 : i32
          %dma_start3A_317 = arith.constant 0 : i32
          %dma_start3A_318 = tpu.memref_slice %arg7[%add3A_316, %dma_start3A_317] : memref<50x40xi32, #tpu.memory_space<vmem>> -> memref<1x40xi32, #tpu.memory_space<vmem>>
          %dma_start3A_319 = tpu.memref_squeeze %dma_start3A_318 : memref<1x40xi32, #tpu.memory_space<vmem>> -> memref<40xi32, #tpu.memory_space<vmem>>
          %dma_start3A_320 = arith.constant 0 : i32
          %dma_start3A_321 = arith.constant 0 : i32
          %dma_start3A_322 = tpu.memref_slice %arg2[%dma_start3A_320, %dma_start3A_321] : memref<10000x128xf32, #tpu.memory_space<hbm>> -> memref<10000x128xf32, #tpu.memory_space<hbm>>
          tpu.enqueue_indirect_dma source(%dma_start3A_322 : memref<10000x128xf32, #tpu.memory_space<hbm>>) target(%arg26 : memref<40x128xf32, #tpu.memory_space<vmem>>) offsets(%dma_start3A_319 : memref<40xi32, #tpu.memory_space<vmem>>) semaphore(%arg16 : memref<!tpu.dma_semaphore, #tpu.memory_space<semaphore_mem>>)
        } else {
        }
      }
      %scan3A_89 = arith.constant 10 : i32
      %dma_wait3A = arith.constant 45 : i32
      %dma_wait3A_90 = arith.constant 0 : i32
      %dma_wait3A_91 = tpu.memref_slice %arg8[%dma_wait3A, %dma_wait3A_90] : memref<50x40xi32, #tpu.memory_space<vmem>> -> memref<1x40xi32, #tpu.memory_space<vmem>>
      %dma_wait3A_92 = tpu.memref_squeeze %dma_wait3A_91 : memref<1x40xi32, #tpu.memory_space<vmem>> -> memref<40xi32, #tpu.memory_space<vmem>>
      %dma_wait3A_93 = arith.constant 0 : i32
      %dma_wait3A_94 = arith.constant 0 : i32
      %dma_wait3A_95 = tpu.memref_slice %arg10[%dma_wait3A_93, %dma_wait3A_94] : memref<10000x128xf32, #tpu.memory_space<vmem_shared>> -> memref<10000x128xf32, #tpu.memory_space<vmem_shared>>
      tpu.wait_indirect_dma semaphore(%arg17 : memref<!tpu.dma_semaphore, #tpu.memory_space<semaphore_mem>>) src(%arg22 : memref<40x128xf32, #tpu.memory_space<vmem>>) dst(%dma_wait3A_95 : memref<10000x128xf32, #tpu.memory_space<vmem_shared>>)
      %dma_wait3A_96 = arith.constant 46 : i32
      %dma_wait3A_97 = arith.constant 0 : i32
      %dma_wait3A_98 = tpu.memref_slice %arg8[%dma_wait3A_96, %dma_wait3A_97] : memref<50x40xi32, #tpu.memory_space<vmem>> -> memref<1x40xi32, #tpu.memory_space<vmem>>
      %dma_wait3A_99 = tpu.memref_squeeze %dma_wait3A_98 : memref<1x40xi32, #tpu.memory_space<vmem>> -> memref<40xi32, #tpu.memory_space<vmem>>
      %dma_wait3A_100 = arith.constant 0 : i32
      %dma_wait3A_101 = arith.constant 0 : i32
      %dma_wait3A_102 = tpu.memref_slice %arg10[%dma_wait3A_100, %dma_wait3A_101] : memref<10000x128xf32, #tpu.memory_space<vmem_shared>> -> memref<10000x128xf32, #tpu.memory_space<vmem_shared>>
      tpu.wait_indirect_dma semaphore(%arg18 : memref<!tpu.dma_semaphore, #tpu.memory_space<semaphore_mem>>) src(%arg23 : memref<40x128xf32, #tpu.memory_space<vmem>>) dst(%dma_wait3A_102 : memref<10000x128xf32, #tpu.memory_space<vmem_shared>>)
      %dma_wait3A_103 = arith.constant 47 : i32
      %dma_wait3A_104 = arith.constant 0 : i32
      %dma_wait3A_105 = tpu.memref_slice %arg8[%dma_wait3A_103, %dma_wait3A_104] : memref<50x40xi32, #tpu.memory_space<vmem>> -> memref<1x40xi32, #tpu.memory_space<vmem>>
      %dma_wait3A_106 = tpu.memref_squeeze %dma_wait3A_105 : memref<1x40xi32, #tpu.memory_space<vmem>> -> memref<40xi32, #tpu.memory_space<vmem>>
      %dma_wait3A_107 = arith.constant 0 : i32
      %dma_wait3A_108 = arith.constant 0 : i32
      %dma_wait3A_109 = tpu.memref_slice %arg10[%dma_wait3A_107, %dma_wait3A_108] : memref<10000x128xf32, #tpu.memory_space<vmem_shared>> -> memref<10000x128xf32, #tpu.memory_space<vmem_shared>>
      tpu.wait_indirect_dma semaphore(%arg19 : memref<!tpu.dma_semaphore, #tpu.memory_space<semaphore_mem>>) src(%arg24 : memref<40x128xf32, #tpu.memory_space<vmem>>) dst(%dma_wait3A_109 : memref<10000x128xf32, #tpu.memory_space<vmem_shared>>)
      %dma_wait3A_110 = arith.constant 48 : i32
      %dma_wait3A_111 = arith.constant 0 : i32
      %dma_wait3A_112 = tpu.memref_slice %arg8[%dma_wait3A_110, %dma_wait3A_111] : memref<50x40xi32, #tpu.memory_space<vmem>> -> memref<1x40xi32, #tpu.memory_space<vmem>>
      %dma_wait3A_113 = tpu.memref_squeeze %dma_wait3A_112 : memref<1x40xi32, #tpu.memory_space<vmem>> -> memref<40xi32, #tpu.memory_space<vmem>>
      %dma_wait3A_114 = arith.constant 0 : i32
      %dma_wait3A_115 = arith.constant 0 : i32
      %dma_wait3A_116 = tpu.memref_slice %arg10[%dma_wait3A_114, %dma_wait3A_115] : memref<10000x128xf32, #tpu.memory_space<vmem_shared>> -> memref<10000x128xf32, #tpu.memory_space<vmem_shared>>
      tpu.wait_indirect_dma semaphore(%arg20 : memref<!tpu.dma_semaphore, #tpu.memory_space<semaphore_mem>>) src(%arg25 : memref<40x128xf32, #tpu.memory_space<vmem>>) dst(%dma_wait3A_116 : memref<10000x128xf32, #tpu.memory_space<vmem_shared>>)
      %dma_wait3A_117 = arith.constant 49 : i32
      %dma_wait3A_118 = arith.constant 0 : i32
      %dma_wait3A_119 = tpu.memref_slice %arg8[%dma_wait3A_117, %dma_wait3A_118] : memref<50x40xi32, #tpu.memory_space<vmem>> -> memref<1x40xi32, #tpu.memory_space<vmem>>
      %dma_wait3A_120 = tpu.memref_squeeze %dma_wait3A_119 : memref<1x40xi32, #tpu.memory_space<vmem>> -> memref<40xi32, #tpu.memory_space<vmem>>
      %dma_wait3A_121 = arith.constant 0 : i32
      %dma_wait3A_122 = arith.constant 0 : i32
      %dma_wait3A_123 = tpu.memref_slice %arg10[%dma_wait3A_121, %dma_wait3A_122] : memref<10000x128xf32, #tpu.memory_space<vmem_shared>> -> memref<10000x128xf32, #tpu.memory_space<vmem_shared>>
      tpu.wait_indirect_dma semaphore(%arg21 : memref<!tpu.dma_semaphore, #tpu.memory_space<semaphore_mem>>) src(%arg26 : memref<40x128xf32, #tpu.memory_space<vmem>>) dst(%dma_wait3A_123 : memref<10000x128xf32, #tpu.memory_space<vmem_shared>>)
    }
    %scan3A_41 = arith.constant 5 : i32
    %barrier3A_42 = arith.constant 0 : index
    tpu.barrier barrier_id(%barrier3A_42)
    "tpu.region"() ({
      %run_scoped3A = tpu.sem_alloc : memref<!tpu.dma_semaphore, #tpu.memory_space<semaphore_mem>>
      %dma_start3A = arith.constant 0 : i32
      %dma_start3A_46 = tpu.memref_slice %arg5[%arg0, %mul3A_2, %dma_start3A] : memref<2x10000x128xf32, #tpu.memory_space<hbm>> -> memref<1x624x128xf32, #tpu.memory_space<hbm>>
      %dma_start3A_47 = tpu.memref_squeeze %dma_start3A_46 : memref<1x624x128xf32, #tpu.memory_space<hbm>> -> memref<624x128xf32, #tpu.memory_space<hbm>>
      %dma_start3A_48 = arith.constant 0 : i32
      %dma_start3A_49 = tpu.memref_slice %arg10[%mul3A_2, %dma_start3A_48] : memref<10000x128xf32, #tpu.memory_space<vmem_shared>> -> memref<624x128xf32, #tpu.memory_space<vmem_shared>>
      tpu.enqueue_dma source(%dma_start3A_49 : memref<624x128xf32, #tpu.memory_space<vmem_shared>>) target(%dma_start3A_47 : memref<624x128xf32, #tpu.memory_space<hbm>>) target_semaphore(%run_scoped3A : memref<!tpu.dma_semaphore, #tpu.memory_space<semaphore_mem>>)
      %dma_wait3A = arith.constant 0 : i32
      %dma_wait3A_50 = tpu.memref_slice %arg5[%arg0, %mul3A_2, %dma_wait3A] : memref<2x10000x128xf32, #tpu.memory_space<hbm>> -> memref<1x624x128xf32, #tpu.memory_space<hbm>>
      %dma_wait3A_51 = tpu.memref_squeeze %dma_wait3A_50 : memref<1x624x128xf32, #tpu.memory_space<hbm>> -> memref<624x128xf32, #tpu.memory_space<hbm>>
      %dma_wait3A_52 = arith.constant 0 : i32
      %dma_wait3A_53 = tpu.memref_slice %arg10[%mul3A_2, %dma_wait3A_52] : memref<10000x128xf32, #tpu.memory_space<vmem_shared>> -> memref<624x128xf32, #tpu.memory_space<vmem_shared>>
      tpu.wait_dma2 semaphore(%run_scoped3A : memref<!tpu.dma_semaphore, #tpu.memory_space<semaphore_mem>>) src(%dma_wait3A_53 : memref<624x128xf32, #tpu.memory_space<vmem_shared>>) dst(%dma_wait3A_51 : memref<624x128xf32, #tpu.memory_space<hbm>>)
      tpu.yield
    }) : () -> ()
    %convert_element_type3A_43 = arith.extui %eq3A_3 : i1 to i32
    %cond3A_44 = arith.constant 0 : i32
    %cond3A_45 = arith.cmpi ne, %convert_element_type3A_43, %cond3A_44 : i32
    scf.if %cond3A_45 {
      "tpu.region"() ({
        %run_scoped3A = tpu.sem_alloc : memref<!tpu.dma_semaphore, #tpu.memory_space<semaphore_mem>>
        %dma_start3A = arith.constant 9984 : i32
        %dma_start3A_46 = arith.constant 0 : i32
        %dma_start3A_47 = tpu.memref_slice %arg5[%arg0, %dma_start3A, %dma_start3A_46] : memref<2x10000x128xf32, #tpu.memory_space<hbm>> -> memref<1x16x128xf32, #tpu.memory_space<hbm>>
        %dma_start3A_48 = tpu.memref_squeeze %dma_start3A_47 : memref<1x16x128xf32, #tpu.memory_space<hbm>> -> memref<16x128xf32, #tpu.memory_space<hbm>>
        %dma_start3A_49 = arith.constant 9984 : i32
        %dma_start3A_50 = arith.constant 0 : i32
        %dma_start3A_51 = tpu.memref_slice %arg10[%dma_start3A_49, %dma_start3A_50] : memref<10000x128xf32, #tpu.memory_space<vmem_shared>> -> memref<16x128xf32, #tpu.memory_space<vmem_shared>>
        tpu.enqueue_dma source(%dma_start3A_51 : memref<16x128xf32, #tpu.memory_space<vmem_shared>>) target(%dma_start3A_48 : memref<16x128xf32, #tpu.memory_space<hbm>>) target_semaphore(%run_scoped3A : memref<!tpu.dma_semaphore, #tpu.memory_space<semaphore_mem>>)
        %dma_wait3A = arith.constant 9984 : i32
        %dma_wait3A_52 = arith.constant 0 : i32
        %dma_wait3A_53 = tpu.memref_slice %arg5[%arg0, %dma_wait3A, %dma_wait3A_52] : memref<2x10000x128xf32, #tpu.memory_space<hbm>> -> memref<1x16x128xf32, #tpu.memory_space<hbm>>
        %dma_wait3A_54 = tpu.memref_squeeze %dma_wait3A_53 : memref<1x16x128xf32, #tpu.memory_space<hbm>> -> memref<16x128xf32, #tpu.memory_space<hbm>>
        %dma_wait3A_55 = arith.constant 9984 : i32
        %dma_wait3A_56 = arith.constant 0 : i32
        %dma_wait3A_57 = tpu.memref_slice %arg10[%dma_wait3A_55, %dma_wait3A_56] : memref<10000x128xf32, #tpu.memory_space<vmem_shared>> -> memref<16x128xf32, #tpu.memory_space<vmem_shared>>
        tpu.wait_dma2 semaphore(%run_scoped3A : memref<!tpu.dma_semaphore, #tpu.memory_space<semaphore_mem>>) src(%dma_wait3A_57 : memref<16x128xf32, #tpu.memory_space<vmem_shared>>) dst(%dma_wait3A_54 : memref<16x128xf32, #tpu.memory_space<hbm>>)
        tpu.yield
      }) : () -> ()
    } else {
    }
    return
  }
}

#map = affine_map<(d0, d1) -> (0, 0)>
#map1 = affine_map<(d0, d1) -> (0, 0, 0, 0)>
#map2 = affine_map<(d0, d1) -> (0, 0, 0)>
module attributes {stable_mosaic.version = 14 : i64} {
  func.func @k(%arg0: i32, %arg1: i32, %arg2: memref<10000x128xf32, #tpu.memory_space<hbm>>, %arg3: memref<32x5x50x40xi32, #tpu.memory_space<hbm>>, %arg4: memref<32x5x50x40xi32, #tpu.memory_space<hbm>>, %arg5: memref<2x10000x128xf32, #tpu.memory_space<hbm>>, %arg6: memref<50x40xi32, #tpu.memory_space<vmem>>, %arg7: memref<50x40xi32, #tpu.memory_space<vmem>>, %arg8: memref<16x128xf32, #tpu.memory_space<vmem>>, %arg9: memref<10000x128xf32, #tpu.memory_space<vmem_shared>>, %arg10: memref<!tpu.dma_semaphore, #tpu.memory_space<semaphore_mem>>, %arg11: memref<!tpu.dma_semaphore, #tpu.memory_space<semaphore_mem>>, %arg12: memref<!tpu.dma_semaphore, #tpu.memory_space<semaphore_mem>>, %arg13: memref<!tpu.dma_semaphore, #tpu.memory_space<semaphore_mem>>, %arg14: memref<!tpu.dma_semaphore, #tpu.memory_space<semaphore_mem>>, %arg15: memref<!tpu.dma_semaphore, #tpu.memory_space<semaphore_mem>>, %arg16: memref<!tpu.dma_semaphore, #tpu.memory_space<semaphore_mem>>, %arg17: memref<!tpu.dma_semaphore, #tpu.memory_space<semaphore_mem>>, %arg18: memref<!tpu.dma_semaphore, #tpu.memory_space<semaphore_mem>>, %arg19: memref<!tpu.dma_semaphore, #tpu.memory_space<semaphore_mem>>, %arg20: memref<40x128xf32, #tpu.memory_space<vmem>>, %arg21: memref<40x128xf32, #tpu.memory_space<vmem>>, %arg22: memref<40x128xf32, #tpu.memory_space<vmem>>, %arg23: memref<40x128xf32, #tpu.memory_space<vmem>>, %arg24: memref<40x128xf32, #tpu.memory_space<vmem>>) attributes {dimension_semantics = [#tpu.dimension_semantics<core_parallel>, #tpu.dimension_semantics<subcore_parallel>], iteration_bounds = array<i64: 2, 16>, scalar_prefetch = 0 : i64, scratch_operands = 19 : i64, tpu.core_type = #tpu.core_type<sc_vector_subcore>, window_params = [{transform_indices = #map}, {transform_indices = #map1}, {transform_indices = #map1}, {transform_indices = #map2}]} {
    %mul3A = arith.constant 16 : i32
    %mul3A_0 = arith.muli %arg0, %mul3A : i32
    %add3A = arith.addi %mul3A_0, %arg1 : i32
    %mul3A_1 = arith.constant 624 : i32
    %mul3A_2 = arith.muli %arg1, %mul3A_1 : i32
    %eq3A = arith.constant 15 : i32
    %eq3A_3 = arith.cmpi eq, %arg1, %eq3A : i32
    %scan3A = arith.constant 0 : i32
    %scan3A_4 = arith.constant 16 : i32
    %scan3A_5 = arith.addi %scan3A, %scan3A_4 : i32
    %scan3A_6 = arith.constant 1 : i32
    scf.for %scan3A_23 = %scan3A to %scan3A_5 step %scan3A_6  : i32 {
      %mul3A_24 = arith.constant 1 : i32
      %mul3A_25 = arith.muli %scan3A_23, %mul3A_24 : i32
      %add3A_26 = arith.constant 0 : i32
      %add3A_27 = arith.addi %add3A_26, %mul3A_25 : i32
      %scan3A_28 = arith.constant 0 : i32
      %scan3A_29 = arith.constant 8 : i32
      %scan3A_30 = arith.addi %scan3A_28, %scan3A_29 : i32
      %scan3A_31 = arith.constant 1 : i32
      scf.for %scan3A_33 = %scan3A_28 to %scan3A_30 step %scan3A_31  : i32 {
        %mul3A_34 = arith.constant 16 : i32
        %mul3A_35 = arith.muli %scan3A_33, %mul3A_34 : i32
        %add3A_36 = arith.constant 0 : i32
        %add3A_37 = arith.addi %add3A_36, %mul3A_35 : i32
        %broadcast_in_dim3A = arith.constant 0.000000e+00 : f32
        %broadcast_in_dim3A_38 = vector.broadcast %broadcast_in_dim3A : f32 to vector<16xf32>
        %swap3A = arith.index_cast %add3A_27 : i32 to index
        %swap3A_39 = arith.index_cast %add3A_37 : i32 to index
        %swap3A_40 = tpu.vector_load %arg8[%swap3A, %swap3A_39] {strides = array<i32>} : memref<16x128xf32, #tpu.memory_space<vmem>>, vector<1x16xf32>,
        %swap3A_41 = vector.shape_cast %swap3A_40 : vector<1x16xf32> to vector<16xf32>
        %swap3A_42 = vector.shape_cast %broadcast_in_dim3A_38 : vector<16xf32> to vector<1x16xf32>
        tpu.vector_store %arg8[%swap3A, %swap3A_39], %swap3A_42 {strides = array<i32>} : memref<16x128xf32, #tpu.memory_space<vmem>>, vector<1x16xf32>,
      }
      %scan3A_32 = arith.constant 8 : i32
    }
    %scan3A_7 = arith.constant 16 : i32
    %scan3A_8 = arith.constant 0 : i32
    %scan3A_9 = arith.constant 39 : i32
    %scan3A_10 = arith.addi %scan3A_8, %scan3A_9 : i32
    %scan3A_11 = arith.constant 1 : i32
    scf.for %scan3A_23 = %scan3A_8 to %scan3A_10 step %scan3A_11  : i32 {
      %mul3A_24 = arith.constant 16 : i32
      %mul3A_25 = arith.muli %scan3A_23, %mul3A_24 : i32
      %add3A_26 = arith.constant 0 : i32
      %add3A_27 = arith.addi %add3A_26, %mul3A_25 : i32
      %add3A_28 = arith.addi %mul3A_2, %add3A_27 : i32
      "tpu.region"() ({
        %run_scoped3A = tpu.sem_alloc : memref<!tpu.dma_semaphore, #tpu.memory_space<semaphore_mem>>
        %dma_start3A = arith.constant 0 : i32
        %dma_start3A_29 = tpu.memref_slice %arg9[%add3A_28, %dma_start3A] : memref<10000x128xf32, #tpu.memory_space<vmem_shared>> -> memref<16x128xf32, #tpu.memory_space<vmem_shared>>
        %dma_start3A_30 = arith.constant 0 : i32
        %dma_start3A_31 = tpu.memref_slice %arg9[%add3A_28, %dma_start3A_30] : memref<10000x128xf32, #tpu.memory_space<vmem_shared>> -> memref<16x128xf32, #tpu.memory_space<vmem_shared>>
        tpu.enqueue_dma source(%arg8 : memref<16x128xf32, #tpu.memory_space<vmem>>) target(%dma_start3A_31 : memref<16x128xf32, #tpu.memory_space<vmem_shared>>) target_semaphore(%run_scoped3A : memref<!tpu.dma_semaphore, #tpu.memory_space<semaphore_mem>>)
        %dma_wait3A = arith.constant 0 : i32
        %dma_wait3A_32 = tpu.memref_slice %arg9[%add3A_28, %dma_wait3A] : memref<10000x128xf32, #tpu.memory_space<vmem_shared>> -> memref<16x128xf32, #tpu.memory_space<vmem_shared>>
        %dma_wait3A_33 = arith.constant 0 : i32
        %dma_wait3A_34 = tpu.memref_slice %arg9[%add3A_28, %dma_wait3A_33] : memref<10000x128xf32, #tpu.memory_space<vmem_shared>> -> memref<16x128xf32, #tpu.memory_space<vmem_shared>>
        tpu.wait_dma2 semaphore(%run_scoped3A : memref<!tpu.dma_semaphore, #tpu.memory_space<semaphore_mem>>) src(%arg8 : memref<16x128xf32, #tpu.memory_space<vmem>>) dst(%dma_wait3A_34 : memref<16x128xf32, #tpu.memory_space<vmem_shared>>)
        tpu.yield
      }) : () -> ()
    }
    %scan3A_12 = arith.constant 39 : i32
    %convert_element_type3A = arith.extui %eq3A_3 : i1 to i32
    %cond3A = arith.constant 0 : i32
    %cond3A_13 = arith.cmpi ne, %convert_element_type3A, %cond3A : i32
    scf.if %cond3A_13 {
      "tpu.region"() ({
        %run_scoped3A = tpu.sem_alloc : memref<!tpu.dma_semaphore, #tpu.memory_space<semaphore_mem>>
        %dma_start3A = arith.constant 0 : i32
        %dma_start3A_23 = arith.constant 0 : i32
        %dma_start3A_24 = tpu.memref_slice %arg8[%dma_start3A, %dma_start3A_23] : memref<16x128xf32, #tpu.memory_space<vmem>> -> memref<16x128xf32, #tpu.memory_space<vmem>>
        %dma_start3A_25 = arith.constant 9984 : i32
        %dma_start3A_26 = arith.constant 0 : i32
        %dma_start3A_27 = tpu.memref_slice %arg9[%dma_start3A_25, %dma_start3A_26] : memref<10000x128xf32, #tpu.memory_space<vmem_shared>> -> memref<16x128xf32, #tpu.memory_space<vmem_shared>>
        %dma_start3A_28 = arith.constant 9984 : i32
        %dma_start3A_29 = arith.constant 0 : i32
        %dma_start3A_30 = tpu.memref_slice %arg9[%dma_start3A_28, %dma_start3A_29] : memref<10000x128xf32, #tpu.memory_space<vmem_shared>> -> memref<16x128xf32, #tpu.memory_space<vmem_shared>>
        %dma_start3A_31 = arith.constant 0 : i32
        %dma_start3A_32 = arith.constant 0 : i32
        %dma_start3A_33 = tpu.memref_slice %arg8[%dma_start3A_31, %dma_start3A_32] : memref<16x128xf32, #tpu.memory_space<vmem>> -> memref<16x128xf32, #tpu.memory_space<vmem>>
        tpu.enqueue_dma source(%dma_start3A_33 : memref<16x128xf32, #tpu.memory_space<vmem>>) target(%dma_start3A_30 : memref<16x128xf32, #tpu.memory_space<vmem_shared>>) target_semaphore(%run_scoped3A : memref<!tpu.dma_semaphore, #tpu.memory_space<semaphore_mem>>)
        %dma_wait3A = arith.constant 0 : i32
        %dma_wait3A_34 = arith.constant 0 : i32
        %dma_wait3A_35 = tpu.memref_slice %arg8[%dma_wait3A, %dma_wait3A_34] : memref<16x128xf32, #tpu.memory_space<vmem>> -> memref<16x128xf32, #tpu.memory_space<vmem>>
        %dma_wait3A_36 = arith.constant 9984 : i32
        %dma_wait3A_37 = arith.constant 0 : i32
        %dma_wait3A_38 = tpu.memref_slice %arg9[%dma_wait3A_36, %dma_wait3A_37] : memref<10000x128xf32, #tpu.memory_space<vmem_shared>> -> memref<16x128xf32, #tpu.memory_space<vmem_shared>>
        %dma_wait3A_39 = arith.constant 9984 : i32
        %dma_wait3A_40 = arith.constant 0 : i32
        %dma_wait3A_41 = tpu.memref_slice %arg9[%dma_wait3A_39, %dma_wait3A_40] : memref<10000x128xf32, #tpu.memory_space<vmem_shared>> -> memref<16x128xf32, #tpu.memory_space<vmem_shared>>
        %dma_wait3A_42 = arith.constant 0 : i32
        %dma_wait3A_43 = arith.constant 0 : i32
        %dma_wait3A_44 = tpu.memref_slice %arg8[%dma_wait3A_42, %dma_wait3A_43] : memref<16x128xf32, #tpu.memory_space<vmem>> -> memref<16x128xf32, #tpu.memory_space<vmem>>
        tpu.wait_dma2 semaphore(%run_scoped3A : memref<!tpu.dma_semaphore, #tpu.memory_space<semaphore_mem>>) src(%dma_wait3A_44 : memref<16x128xf32, #tpu.memory_space<vmem>>) dst(%dma_wait3A_41 : memref<16x128xf32, #tpu.memory_space<vmem_shared>>)
        tpu.yield
      }) : () -> ()
    } else {
    }
    %barrier3A = arith.constant 0 : index
    tpu.barrier barrier_id(%barrier3A)
    %scan3A_14 = arith.constant 0 : i32
    %scan3A_15 = arith.constant 5 : i32
    %scan3A_16 = arith.addi %scan3A_14, %scan3A_15 : i32
    %scan3A_17 = arith.constant 1 : i32
    scf.for %scan3A_23 = %scan3A_14 to %scan3A_16 step %scan3A_17  : i32 {
      %mul3A_24 = arith.constant 1 : i32
      %mul3A_25 = arith.muli %scan3A_23, %mul3A_24 : i32
      %add3A_26 = arith.constant 0 : i32
      %add3A_27 = arith.addi %add3A_26, %mul3A_25 : i32
      "tpu.region"() ({
        %run_scoped3A = tpu.sem_alloc : memref<!tpu.dma_semaphore, #tpu.memory_space<semaphore_mem>>
        %dma_start3A_101 = arith.constant 0 : i32
        %dma_start3A_102 = arith.constant 0 : i32
        %dma_start3A_103 = tpu.memref_slice %arg3[%add3A, %add3A_27, %dma_start3A_101, %dma_start3A_102] : memref<32x5x50x40xi32, #tpu.memory_space<hbm>> -> memref<1x1x50x40xi32, #tpu.memory_space<hbm>>
        %dma_start3A_104 = tpu.memref_squeeze %dma_start3A_103 : memref<1x1x50x40xi32, #tpu.memory_space<hbm>> -> memref<50x40xi32, #tpu.memory_space<hbm>>
        %dma_start3A_105 = arith.constant 0 : i32
        %dma_start3A_106 = arith.constant 0 : i32
        %dma_start3A_107 = tpu.memref_slice %arg3[%add3A, %add3A_27, %dma_start3A_105, %dma_start3A_106] : memref<32x5x50x40xi32, #tpu.memory_space<hbm>> -> memref<1x1x50x40xi32, #tpu.memory_space<hbm>>
        %dma_start3A_108 = tpu.memref_squeeze %dma_start3A_107 : memref<1x1x50x40xi32, #tpu.memory_space<hbm>> -> memref<50x40xi32, #tpu.memory_space<hbm>>
        tpu.enqueue_dma source(%dma_start3A_108 : memref<50x40xi32, #tpu.memory_space<hbm>>) target(%arg6 : memref<50x40xi32, #tpu.memory_space<vmem>>) target_semaphore(%run_scoped3A : memref<!tpu.dma_semaphore, #tpu.memory_space<semaphore_mem>>)
        %dma_wait3A_109 = arith.constant 0 : i32
        %dma_wait3A_110 = arith.constant 0 : i32
        %dma_wait3A_111 = tpu.memref_slice %arg3[%add3A, %add3A_27, %dma_wait3A_109, %dma_wait3A_110] : memref<32x5x50x40xi32, #tpu.memory_space<hbm>> -> memref<1x1x50x40xi32, #tpu.memory_space<hbm>>
        %dma_wait3A_112 = tpu.memref_squeeze %dma_wait3A_111 : memref<1x1x50x40xi32, #tpu.memory_space<hbm>> -> memref<50x40xi32, #tpu.memory_space<hbm>>
        %dma_wait3A_113 = arith.constant 0 : i32
        %dma_wait3A_114 = arith.constant 0 : i32
        %dma_wait3A_115 = tpu.memref_slice %arg3[%add3A, %add3A_27, %dma_wait3A_113, %dma_wait3A_114] : memref<32x5x50x40xi32, #tpu.memory_space<hbm>> -> memref<1x1x50x40xi32, #tpu.memory_space<hbm>>
        %dma_wait3A_116 = tpu.memref_squeeze %dma_wait3A_115 : memref<1x1x50x40xi32, #tpu.memory_space<hbm>> -> memref<50x40xi32, #tpu.memory_space<hbm>>
        tpu.wait_dma2 semaphore(%run_scoped3A : memref<!tpu.dma_semaphore, #tpu.memory_space<semaphore_mem>>) src(%dma_wait3A_116 : memref<50x40xi32, #tpu.memory_space<hbm>>) dst(%arg6 : memref<50x40xi32, #tpu.memory_space<vmem>>)
        tpu.yield
      }) : () -> ()
      "tpu.region"() ({
        %run_scoped3A = tpu.sem_alloc : memref<!tpu.dma_semaphore, #tpu.memory_space<semaphore_mem>>
        %dma_start3A_101 = arith.constant 0 : i32
        %dma_start3A_102 = arith.constant 0 : i32
        %dma_start3A_103 = tpu.memref_slice %arg4[%add3A, %add3A_27, %dma_start3A_101, %dma_start3A_102] : memref<32x5x50x40xi32, #tpu.memory_space<hbm>> -> memref<1x1x50x40xi32, #tpu.memory_space<hbm>>
        %dma_start3A_104 = tpu.memref_squeeze %dma_start3A_103 : memref<1x1x50x40xi32, #tpu.memory_space<hbm>> -> memref<50x40xi32, #tpu.memory_space<hbm>>
        %dma_start3A_105 = arith.constant 0 : i32
        %dma_start3A_106 = arith.constant 0 : i32
        %dma_start3A_107 = tpu.memref_slice %arg4[%add3A, %add3A_27, %dma_start3A_105, %dma_start3A_106] : memref<32x5x50x40xi32, #tpu.memory_space<hbm>> -> memref<1x1x50x40xi32, #tpu.memory_space<hbm>>
        %dma_start3A_108 = tpu.memref_squeeze %dma_start3A_107 : memref<1x1x50x40xi32, #tpu.memory_space<hbm>> -> memref<50x40xi32, #tpu.memory_space<hbm>>
        tpu.enqueue_dma source(%dma_start3A_108 : memref<50x40xi32, #tpu.memory_space<hbm>>) target(%arg7 : memref<50x40xi32, #tpu.memory_space<vmem>>) target_semaphore(%run_scoped3A : memref<!tpu.dma_semaphore, #tpu.memory_space<semaphore_mem>>)
        %dma_wait3A_109 = arith.constant 0 : i32
        %dma_wait3A_110 = arith.constant 0 : i32
        %dma_wait3A_111 = tpu.memref_slice %arg4[%add3A, %add3A_27, %dma_wait3A_109, %dma_wait3A_110] : memref<32x5x50x40xi32, #tpu.memory_space<hbm>> -> memref<1x1x50x40xi32, #tpu.memory_space<hbm>>
        %dma_wait3A_112 = tpu.memref_squeeze %dma_wait3A_111 : memref<1x1x50x40xi32, #tpu.memory_space<hbm>> -> memref<50x40xi32, #tpu.memory_space<hbm>>
        %dma_wait3A_113 = arith.constant 0 : i32
        %dma_wait3A_114 = arith.constant 0 : i32
        %dma_wait3A_115 = tpu.memref_slice %arg4[%add3A, %add3A_27, %dma_wait3A_113, %dma_wait3A_114] : memref<32x5x50x40xi32, #tpu.memory_space<hbm>> -> memref<1x1x50x40xi32, #tpu.memory_space<hbm>>
        %dma_wait3A_116 = tpu.memref_squeeze %dma_wait3A_115 : memref<1x1x50x40xi32, #tpu.memory_space<hbm>> -> memref<50x40xi32, #tpu.memory_space<hbm>>
        tpu.wait_dma2 semaphore(%run_scoped3A : memref<!tpu.dma_semaphore, #tpu.memory_space<semaphore_mem>>) src(%dma_wait3A_116 : memref<50x40xi32, #tpu.memory_space<hbm>>) dst(%arg7 : memref<50x40xi32, #tpu.memory_space<vmem>>)
        tpu.yield
      }) : () -> ()
      %dma_start3A = arith.constant 0 : i32
      %dma_start3A_28 = arith.constant 0 : i32
      %dma_start3A_29 = tpu.memref_slice %arg6[%dma_start3A, %dma_start3A_28] : memref<50x40xi32, #tpu.memory_space<vmem>> -> memref<1x40xi32, #tpu.memory_space<vmem>>
      %dma_start3A_30 = tpu.memref_squeeze %dma_start3A_29 : memref<1x40xi32, #tpu.memory_space<vmem>> -> memref<40xi32, #tpu.memory_space<vmem>>
      %dma_start3A_31 = arith.constant 0 : i32
      %dma_start3A_32 = arith.constant 0 : i32
      %dma_start3A_33 = tpu.memref_slice %arg2[%dma_start3A_31, %dma_start3A_32] : memref<10000x128xf32, #tpu.memory_space<hbm>> -> memref<10000x128xf32, #tpu.memory_space<hbm>>
      tpu.enqueue_indirect_dma source(%dma_start3A_33 : memref<10000x128xf32, #tpu.memory_space<hbm>>) target(%arg20 : memref<40x128xf32, #tpu.memory_space<vmem>>) offsets(%dma_start3A_30 : memref<40xi32, #tpu.memory_space<vmem>>) semaphore(%arg10 : memref<!tpu.dma_semaphore, #tpu.memory_space<semaphore_mem>>)
      %dma_start3A_34 = arith.constant 1 : i32
      %dma_start3A_35 = arith.constant 0 : i32
      %dma_start3A_36 = tpu.memref_slice %arg6[%dma_start3A_34, %dma_start3A_35] : memref<50x40xi32, #tpu.memory_space<vmem>> -> memref<1x40xi32, #tpu.memory_space<vmem>>
      %dma_start3A_37 = tpu.memref_squeeze %dma_start3A_36 : memref<1x40xi32, #tpu.memory_space<vmem>> -> memref<40xi32, #tpu.memory_space<vmem>>
      %dma_start3A_38 = arith.constant 0 : i32
      %dma_start3A_39 = arith.constant 0 : i32
      %dma_start3A_40 = tpu.memref_slice %arg2[%dma_start3A_38, %dma_start3A_39] : memref<10000x128xf32, #tpu.memory_space<hbm>> -> memref<10000x128xf32, #tpu.memory_space<hbm>>
      tpu.enqueue_indirect_dma source(%dma_start3A_40 : memref<10000x128xf32, #tpu.memory_space<hbm>>) target(%arg21 : memref<40x128xf32, #tpu.memory_space<vmem>>) offsets(%dma_start3A_37 : memref<40xi32, #tpu.memory_space<vmem>>) semaphore(%arg11 : memref<!tpu.dma_semaphore, #tpu.memory_space<semaphore_mem>>)
      %dma_start3A_41 = arith.constant 2 : i32
      %dma_start3A_42 = arith.constant 0 : i32
      %dma_start3A_43 = tpu.memref_slice %arg6[%dma_start3A_41, %dma_start3A_42] : memref<50x40xi32, #tpu.memory_space<vmem>> -> memref<1x40xi32, #tpu.memory_space<vmem>>
      %dma_start3A_44 = tpu.memref_squeeze %dma_start3A_43 : memref<1x40xi32, #tpu.memory_space<vmem>> -> memref<40xi32, #tpu.memory_space<vmem>>
      %dma_start3A_45 = arith.constant 0 : i32
      %dma_start3A_46 = arith.constant 0 : i32
      %dma_start3A_47 = tpu.memref_slice %arg2[%dma_start3A_45, %dma_start3A_46] : memref<10000x128xf32, #tpu.memory_space<hbm>> -> memref<10000x128xf32, #tpu.memory_space<hbm>>
      tpu.enqueue_indirect_dma source(%dma_start3A_47 : memref<10000x128xf32, #tpu.memory_space<hbm>>) target(%arg22 : memref<40x128xf32, #tpu.memory_space<vmem>>) offsets(%dma_start3A_44 : memref<40xi32, #tpu.memory_space<vmem>>) semaphore(%arg12 : memref<!tpu.dma_semaphore, #tpu.memory_space<semaphore_mem>>)
      %dma_start3A_48 = arith.constant 3 : i32
      %dma_start3A_49 = arith.constant 0 : i32
      %dma_start3A_50 = tpu.memref_slice %arg6[%dma_start3A_48, %dma_start3A_49] : memref<50x40xi32, #tpu.memory_space<vmem>> -> memref<1x40xi32, #tpu.memory_space<vmem>>
      %dma_start3A_51 = tpu.memref_squeeze %dma_start3A_50 : memref<1x40xi32, #tpu.memory_space<vmem>> -> memref<40xi32, #tpu.memory_space<vmem>>
      %dma_start3A_52 = arith.constant 0 : i32
      %dma_start3A_53 = arith.constant 0 : i32
      %dma_start3A_54 = tpu.memref_slice %arg2[%dma_start3A_52, %dma_start3A_53] : memref<10000x128xf32, #tpu.memory_space<hbm>> -> memref<10000x128xf32, #tpu.memory_space<hbm>>
      tpu.enqueue_indirect_dma source(%dma_start3A_54 : memref<10000x128xf32, #tpu.memory_space<hbm>>) target(%arg23 : memref<40x128xf32, #tpu.memory_space<vmem>>) offsets(%dma_start3A_51 : memref<40xi32, #tpu.memory_space<vmem>>) semaphore(%arg13 : memref<!tpu.dma_semaphore, #tpu.memory_space<semaphore_mem>>)
      %dma_start3A_55 = arith.constant 4 : i32
      %dma_start3A_56 = arith.constant 0 : i32
      %dma_start3A_57 = tpu.memref_slice %arg6[%dma_start3A_55, %dma_start3A_56] : memref<50x40xi32, #tpu.memory_space<vmem>> -> memref<1x40xi32, #tpu.memory_space<vmem>>
      %dma_start3A_58 = tpu.memref_squeeze %dma_start3A_57 : memref<1x40xi32, #tpu.memory_space<vmem>> -> memref<40xi32, #tpu.memory_space<vmem>>
      %dma_start3A_59 = arith.constant 0 : i32
      %dma_start3A_60 = arith.constant 0 : i32
      %dma_start3A_61 = tpu.memref_slice %arg2[%dma_start3A_59, %dma_start3A_60] : memref<10000x128xf32, #tpu.memory_space<hbm>> -> memref<10000x128xf32, #tpu.memory_space<hbm>>
      tpu.enqueue_indirect_dma source(%dma_start3A_61 : memref<10000x128xf32, #tpu.memory_space<hbm>>) target(%arg24 : memref<40x128xf32, #tpu.memory_space<vmem>>) offsets(%dma_start3A_58 : memref<40xi32, #tpu.memory_space<vmem>>) semaphore(%arg14 : memref<!tpu.dma_semaphore, #tpu.memory_space<semaphore_mem>>)
      %scan3A_62 = arith.constant 0 : i32
      %scan3A_63 = arith.constant 10 : i32
      %scan3A_64 = arith.addi %scan3A_62, %scan3A_63 : i32
      %scan3A_65 = arith.constant 1 : i32
      scf.for %scan3A_101 = %scan3A_62 to %scan3A_64 step %scan3A_65  : i32 {
        %mul3A_102 = arith.constant 1 : i32
        %mul3A_103 = arith.muli %scan3A_101, %mul3A_102 : i32
        %add3A_104 = arith.constant 0 : i32
        %add3A_105 = arith.addi %add3A_104, %mul3A_103 : i32
        %mul3A_106 = arith.constant 5 : i32
        %mul3A_107 = arith.muli %add3A_105, %mul3A_106 : i32
        %add3A_108 = arith.constant 0 : i32
        %add3A_109 = arith.addi %mul3A_107, %add3A_108 : i32
        %dma_wait3A_110 = arith.constant 0 : i32
        %dma_wait3A_111 = tpu.memref_slice %arg6[%add3A_109, %dma_wait3A_110] : memref<50x40xi32, #tpu.memory_space<vmem>> -> memref<1x40xi32, #tpu.memory_space<vmem>>
        %dma_wait3A_112 = tpu.memref_squeeze %dma_wait3A_111 : memref<1x40xi32, #tpu.memory_space<vmem>> -> memref<40xi32, #tpu.memory_space<vmem>>
        %dma_wait3A_113 = arith.constant 0 : i32
        %dma_wait3A_114 = arith.constant 0 : i32
        %dma_wait3A_115 = tpu.memref_slice %arg2[%dma_wait3A_113, %dma_wait3A_114] : memref<10000x128xf32, #tpu.memory_space<hbm>> -> memref<10000x128xf32, #tpu.memory_space<hbm>>
        tpu.wait_indirect_dma semaphore(%arg10 : memref<!tpu.dma_semaphore, #tpu.memory_space<semaphore_mem>>) src(%dma_wait3A_115 : memref<10000x128xf32, #tpu.memory_space<hbm>>) dst(%arg20 : memref<40x128xf32, #tpu.memory_space<vmem>>)
        %mul3A_116 = arith.constant 5 : i32
        %mul3A_117 = arith.muli %add3A_105, %mul3A_116 : i32
        %add3A_118 = arith.constant 0 : i32
        %add3A_119 = arith.addi %mul3A_117, %add3A_118 : i32
        %dma_start3A_120 = arith.constant 0 : i32
        %dma_start3A_121 = tpu.memref_slice %arg7[%add3A_119, %dma_start3A_120] : memref<50x40xi32, #tpu.memory_space<vmem>> -> memref<1x40xi32, #tpu.memory_space<vmem>>
        %dma_start3A_122 = tpu.memref_squeeze %dma_start3A_121 : memref<1x40xi32, #tpu.memory_space<vmem>> -> memref<40xi32, #tpu.memory_space<vmem>>
        %dma_start3A_123 = arith.constant 0 : i32
        %dma_start3A_124 = arith.constant 0 : i32
        %dma_start3A_125 = tpu.memref_slice %arg9[%dma_start3A_123, %dma_start3A_124] : memref<10000x128xf32, #tpu.memory_space<vmem_shared>> -> memref<10000x128xf32, #tpu.memory_space<vmem_shared>>
        tpu.enqueue_indirect_dma source(%arg20 : memref<40x128xf32, #tpu.memory_space<vmem>>) target(%dma_start3A_125 : memref<10000x128xf32, #tpu.memory_space<vmem_shared>>) offsets(%dma_start3A_122 : memref<40xi32, #tpu.memory_space<vmem>>) semaphore(%arg15 : memref<!tpu.dma_semaphore, #tpu.memory_space<semaphore_mem>>) {add = true}
        %mul3A_126 = arith.constant 5 : i32
        %mul3A_127 = arith.muli %add3A_105, %mul3A_126 : i32
        %add3A_128 = arith.constant 1 : i32
        %add3A_129 = arith.addi %mul3A_127, %add3A_128 : i32
        %dma_wait3A_130 = arith.constant 0 : i32
        %dma_wait3A_131 = tpu.memref_slice %arg6[%add3A_129, %dma_wait3A_130] : memref<50x40xi32, #tpu.memory_space<vmem>> -> memref<1x40xi32, #tpu.memory_space<vmem>>
        %dma_wait3A_132 = tpu.memref_squeeze %dma_wait3A_131 : memref<1x40xi32, #tpu.memory_space<vmem>> -> memref<40xi32, #tpu.memory_space<vmem>>
        %dma_wait3A_133 = arith.constant 0 : i32
        %dma_wait3A_134 = arith.constant 0 : i32
        %dma_wait3A_135 = tpu.memref_slice %arg2[%dma_wait3A_133, %dma_wait3A_134] : memref<10000x128xf32, #tpu.memory_space<hbm>> -> memref<10000x128xf32, #tpu.memory_space<hbm>>
        tpu.wait_indirect_dma semaphore(%arg11 : memref<!tpu.dma_semaphore, #tpu.memory_space<semaphore_mem>>) src(%dma_wait3A_135 : memref<10000x128xf32, #tpu.memory_space<hbm>>) dst(%arg21 : memref<40x128xf32, #tpu.memory_space<vmem>>)
        %mul3A_136 = arith.constant 5 : i32
        %mul3A_137 = arith.muli %add3A_105, %mul3A_136 : i32
        %add3A_138 = arith.constant 1 : i32
        %add3A_139 = arith.addi %mul3A_137, %add3A_138 : i32
        %dma_start3A_140 = arith.constant 0 : i32
        %dma_start3A_141 = tpu.memref_slice %arg7[%add3A_139, %dma_start3A_140] : memref<50x40xi32, #tpu.memory_space<vmem>> -> memref<1x40xi32, #tpu.memory_space<vmem>>
        %dma_start3A_142 = tpu.memref_squeeze %dma_start3A_141 : memref<1x40xi32, #tpu.memory_space<vmem>> -> memref<40xi32, #tpu.memory_space<vmem>>
        %dma_start3A_143 = arith.constant 0 : i32
        %dma_start3A_144 = arith.constant 0 : i32
        %dma_start3A_145 = tpu.memref_slice %arg9[%dma_start3A_143, %dma_start3A_144] : memref<10000x128xf32, #tpu.memory_space<vmem_shared>> -> memref<10000x128xf32, #tpu.memory_space<vmem_shared>>
        tpu.enqueue_indirect_dma source(%arg21 : memref<40x128xf32, #tpu.memory_space<vmem>>) target(%dma_start3A_145 : memref<10000x128xf32, #tpu.memory_space<vmem_shared>>) offsets(%dma_start3A_142 : memref<40xi32, #tpu.memory_space<vmem>>) semaphore(%arg16 : memref<!tpu.dma_semaphore, #tpu.memory_space<semaphore_mem>>) {add = true}
        %mul3A_146 = arith.constant 5 : i32
        %mul3A_147 = arith.muli %add3A_105, %mul3A_146 : i32
        %add3A_148 = arith.constant 2 : i32
        %add3A_149 = arith.addi %mul3A_147, %add3A_148 : i32
        %dma_wait3A_150 = arith.constant 0 : i32
        %dma_wait3A_151 = tpu.memref_slice %arg6[%add3A_149, %dma_wait3A_150] : memref<50x40xi32, #tpu.memory_space<vmem>> -> memref<1x40xi32, #tpu.memory_space<vmem>>
        %dma_wait3A_152 = tpu.memref_squeeze %dma_wait3A_151 : memref<1x40xi32, #tpu.memory_space<vmem>> -> memref<40xi32, #tpu.memory_space<vmem>>
        %dma_wait3A_153 = arith.constant 0 : i32
        %dma_wait3A_154 = arith.constant 0 : i32
        %dma_wait3A_155 = tpu.memref_slice %arg2[%dma_wait3A_153, %dma_wait3A_154] : memref<10000x128xf32, #tpu.memory_space<hbm>> -> memref<10000x128xf32, #tpu.memory_space<hbm>>
        tpu.wait_indirect_dma semaphore(%arg12 : memref<!tpu.dma_semaphore, #tpu.memory_space<semaphore_mem>>) src(%dma_wait3A_155 : memref<10000x128xf32, #tpu.memory_space<hbm>>) dst(%arg22 : memref<40x128xf32, #tpu.memory_space<vmem>>)
        %mul3A_156 = arith.constant 5 : i32
        %mul3A_157 = arith.muli %add3A_105, %mul3A_156 : i32
        %add3A_158 = arith.constant 2 : i32
        %add3A_159 = arith.addi %mul3A_157, %add3A_158 : i32
        %dma_start3A_160 = arith.constant 0 : i32
        %dma_start3A_161 = tpu.memref_slice %arg7[%add3A_159, %dma_start3A_160] : memref<50x40xi32, #tpu.memory_space<vmem>> -> memref<1x40xi32, #tpu.memory_space<vmem>>
        %dma_start3A_162 = tpu.memref_squeeze %dma_start3A_161 : memref<1x40xi32, #tpu.memory_space<vmem>> -> memref<40xi32, #tpu.memory_space<vmem>>
        %dma_start3A_163 = arith.constant 0 : i32
        %dma_start3A_164 = arith.constant 0 : i32
        %dma_start3A_165 = tpu.memref_slice %arg9[%dma_start3A_163, %dma_start3A_164] : memref<10000x128xf32, #tpu.memory_space<vmem_shared>> -> memref<10000x128xf32, #tpu.memory_space<vmem_shared>>
        tpu.enqueue_indirect_dma source(%arg22 : memref<40x128xf32, #tpu.memory_space<vmem>>) target(%dma_start3A_165 : memref<10000x128xf32, #tpu.memory_space<vmem_shared>>) offsets(%dma_start3A_162 : memref<40xi32, #tpu.memory_space<vmem>>) semaphore(%arg17 : memref<!tpu.dma_semaphore, #tpu.memory_space<semaphore_mem>>) {add = true}
        %mul3A_166 = arith.constant 5 : i32
        %mul3A_167 = arith.muli %add3A_105, %mul3A_166 : i32
        %add3A_168 = arith.constant 3 : i32
        %add3A_169 = arith.addi %mul3A_167, %add3A_168 : i32
        %dma_wait3A_170 = arith.constant 0 : i32
        %dma_wait3A_171 = tpu.memref_slice %arg6[%add3A_169, %dma_wait3A_170] : memref<50x40xi32, #tpu.memory_space<vmem>> -> memref<1x40xi32, #tpu.memory_space<vmem>>
        %dma_wait3A_172 = tpu.memref_squeeze %dma_wait3A_171 : memref<1x40xi32, #tpu.memory_space<vmem>> -> memref<40xi32, #tpu.memory_space<vmem>>
        %dma_wait3A_173 = arith.constant 0 : i32
        %dma_wait3A_174 = arith.constant 0 : i32
        %dma_wait3A_175 = tpu.memref_slice %arg2[%dma_wait3A_173, %dma_wait3A_174] : memref<10000x128xf32, #tpu.memory_space<hbm>> -> memref<10000x128xf32, #tpu.memory_space<hbm>>
        tpu.wait_indirect_dma semaphore(%arg13 : memref<!tpu.dma_semaphore, #tpu.memory_space<semaphore_mem>>) src(%dma_wait3A_175 : memref<10000x128xf32, #tpu.memory_space<hbm>>) dst(%arg23 : memref<40x128xf32, #tpu.memory_space<vmem>>)
        %mul3A_176 = arith.constant 5 : i32
        %mul3A_177 = arith.muli %add3A_105, %mul3A_176 : i32
        %add3A_178 = arith.constant 3 : i32
        %add3A_179 = arith.addi %mul3A_177, %add3A_178 : i32
        %dma_start3A_180 = arith.constant 0 : i32
        %dma_start3A_181 = tpu.memref_slice %arg7[%add3A_179, %dma_start3A_180] : memref<50x40xi32, #tpu.memory_space<vmem>> -> memref<1x40xi32, #tpu.memory_space<vmem>>
        %dma_start3A_182 = tpu.memref_squeeze %dma_start3A_181 : memref<1x40xi32, #tpu.memory_space<vmem>> -> memref<40xi32, #tpu.memory_space<vmem>>
        %dma_start3A_183 = arith.constant 0 : i32
        %dma_start3A_184 = arith.constant 0 : i32
        %dma_start3A_185 = tpu.memref_slice %arg9[%dma_start3A_183, %dma_start3A_184] : memref<10000x128xf32, #tpu.memory_space<vmem_shared>> -> memref<10000x128xf32, #tpu.memory_space<vmem_shared>>
        tpu.enqueue_indirect_dma source(%arg23 : memref<40x128xf32, #tpu.memory_space<vmem>>) target(%dma_start3A_185 : memref<10000x128xf32, #tpu.memory_space<vmem_shared>>) offsets(%dma_start3A_182 : memref<40xi32, #tpu.memory_space<vmem>>) semaphore(%arg18 : memref<!tpu.dma_semaphore, #tpu.memory_space<semaphore_mem>>) {add = true}
        %mul3A_186 = arith.constant 5 : i32
        %mul3A_187 = arith.muli %add3A_105, %mul3A_186 : i32
        %add3A_188 = arith.constant 4 : i32
        %add3A_189 = arith.addi %mul3A_187, %add3A_188 : i32
        %dma_wait3A_190 = arith.constant 0 : i32
        %dma_wait3A_191 = tpu.memref_slice %arg6[%add3A_189, %dma_wait3A_190] : memref<50x40xi32, #tpu.memory_space<vmem>> -> memref<1x40xi32, #tpu.memory_space<vmem>>
        %dma_wait3A_192 = tpu.memref_squeeze %dma_wait3A_191 : memref<1x40xi32, #tpu.memory_space<vmem>> -> memref<40xi32, #tpu.memory_space<vmem>>
        %dma_wait3A_193 = arith.constant 0 : i32
        %dma_wait3A_194 = arith.constant 0 : i32
        %dma_wait3A_195 = tpu.memref_slice %arg2[%dma_wait3A_193, %dma_wait3A_194] : memref<10000x128xf32, #tpu.memory_space<hbm>> -> memref<10000x128xf32, #tpu.memory_space<hbm>>
        tpu.wait_indirect_dma semaphore(%arg14 : memref<!tpu.dma_semaphore, #tpu.memory_space<semaphore_mem>>) src(%dma_wait3A_195 : memref<10000x128xf32, #tpu.memory_space<hbm>>) dst(%arg24 : memref<40x128xf32, #tpu.memory_space<vmem>>)
        %mul3A_196 = arith.constant 5 : i32
        %mul3A_197 = arith.muli %add3A_105, %mul3A_196 : i32
        %add3A_198 = arith.constant 4 : i32
        %add3A_199 = arith.addi %mul3A_197, %add3A_198 : i32
        %dma_start3A_200 = arith.constant 0 : i32
        %dma_start3A_201 = tpu.memref_slice %arg7[%add3A_199, %dma_start3A_200] : memref<50x40xi32, #tpu.memory_space<vmem>> -> memref<1x40xi32, #tpu.memory_space<vmem>>
        %dma_start3A_202 = tpu.memref_squeeze %dma_start3A_201 : memref<1x40xi32, #tpu.memory_space<vmem>> -> memref<40xi32, #tpu.memory_space<vmem>>
        %dma_start3A_203 = arith.constant 0 : i32
        %dma_start3A_204 = arith.constant 0 : i32
        %dma_start3A_205 = tpu.memref_slice %arg9[%dma_start3A_203, %dma_start3A_204] : memref<10000x128xf32, #tpu.memory_space<vmem_shared>> -> memref<10000x128xf32, #tpu.memory_space<vmem_shared>>
        tpu.enqueue_indirect_dma source(%arg24 : memref<40x128xf32, #tpu.memory_space<vmem>>) target(%dma_start3A_205 : memref<10000x128xf32, #tpu.memory_space<vmem_shared>>) offsets(%dma_start3A_202 : memref<40xi32, #tpu.memory_space<vmem>>) semaphore(%arg19 : memref<!tpu.dma_semaphore, #tpu.memory_space<semaphore_mem>>) {add = true}
        %lt3A = arith.constant 9 : i32
        %lt3A_206 = arith.cmpi slt, %add3A_105, %lt3A : i32
        %convert_element_type3A_207 = arith.extui %lt3A_206 : i1 to i32
        %cond3A_208 = arith.constant 0 : i32
        %cond3A_209 = arith.cmpi ne, %convert_element_type3A_207, %cond3A_208 : i32
        scf.if %cond3A_209 {
          %dma_wait3A_210 = arith.constant 0 : i32
          %dma_wait3A_211 = tpu.memref_slice %arg7[%add3A_119, %dma_wait3A_210] : memref<50x40xi32, #tpu.memory_space<vmem>> -> memref<1x40xi32, #tpu.memory_space<vmem>>
          %dma_wait3A_212 = tpu.memref_squeeze %dma_wait3A_211 : memref<1x40xi32, #tpu.memory_space<vmem>> -> memref<40xi32, #tpu.memory_space<vmem>>
          %dma_wait3A_213 = arith.constant 0 : i32
          %dma_wait3A_214 = arith.constant 0 : i32
          %dma_wait3A_215 = tpu.memref_slice %arg9[%dma_wait3A_213, %dma_wait3A_214] : memref<10000x128xf32, #tpu.memory_space<vmem_shared>> -> memref<10000x128xf32, #tpu.memory_space<vmem_shared>>
          tpu.wait_indirect_dma semaphore(%arg15 : memref<!tpu.dma_semaphore, #tpu.memory_space<semaphore_mem>>) src(%arg20 : memref<40x128xf32, #tpu.memory_space<vmem>>) dst(%dma_wait3A_215 : memref<10000x128xf32, #tpu.memory_space<vmem_shared>>)
          %add3A_216 = arith.constant 1 : i32
          %add3A_217 = arith.addi %add3A_105, %add3A_216 : i32
          %mul3A_218 = arith.constant 5 : i32
          %mul3A_219 = arith.muli %add3A_217, %mul3A_218 : i32
          %add3A_220 = arith.constant 0 : i32
          %add3A_221 = arith.addi %mul3A_219, %add3A_220 : i32
          %dma_start3A_222 = arith.constant 0 : i32
          %dma_start3A_223 = tpu.memref_slice %arg6[%add3A_221, %dma_start3A_222] : memref<50x40xi32, #tpu.memory_space<vmem>> -> memref<1x40xi32, #tpu.memory_space<vmem>>
          %dma_start3A_224 = tpu.memref_squeeze %dma_start3A_223 : memref<1x40xi32, #tpu.memory_space<vmem>> -> memref<40xi32, #tpu.memory_space<vmem>>
          %dma_start3A_225 = arith.constant 0 : i32
          %dma_start3A_226 = arith.constant 0 : i32
          %dma_start3A_227 = tpu.memref_slice %arg2[%dma_start3A_225, %dma_start3A_226] : memref<10000x128xf32, #tpu.memory_space<hbm>> -> memref<10000x128xf32, #tpu.memory_space<hbm>>
          tpu.enqueue_indirect_dma source(%dma_start3A_227 : memref<10000x128xf32, #tpu.memory_space<hbm>>) target(%arg20 : memref<40x128xf32, #tpu.memory_space<vmem>>) offsets(%dma_start3A_224 : memref<40xi32, #tpu.memory_space<vmem>>) semaphore(%arg10 : memref<!tpu.dma_semaphore, #tpu.memory_space<semaphore_mem>>)
          %dma_wait3A_228 = arith.constant 0 : i32
          %dma_wait3A_229 = tpu.memref_slice %arg7[%add3A_139, %dma_wait3A_228] : memref<50x40xi32, #tpu.memory_space<vmem>> -> memref<1x40xi32, #tpu.memory_space<vmem>>
          %dma_wait3A_230 = tpu.memref_squeeze %dma_wait3A_229 : memref<1x40xi32, #tpu.memory_space<vmem>> -> memref<40xi32, #tpu.memory_space<vmem>>
          %dma_wait3A_231 = arith.constant 0 : i32
          %dma_wait3A_232 = arith.constant 0 : i32
          %dma_wait3A_233 = tpu.memref_slice %arg9[%dma_wait3A_231, %dma_wait3A_232] : memref<10000x128xf32, #tpu.memory_space<vmem_shared>> -> memref<10000x128xf32, #tpu.memory_space<vmem_shared>>
          tpu.wait_indirect_dma semaphore(%arg16 : memref<!tpu.dma_semaphore, #tpu.memory_space<semaphore_mem>>) src(%arg21 : memref<40x128xf32, #tpu.memory_space<vmem>>) dst(%dma_wait3A_233 : memref<10000x128xf32, #tpu.memory_space<vmem_shared>>)
          %add3A_234 = arith.constant 1 : i32
          %add3A_235 = arith.addi %add3A_105, %add3A_234 : i32
          %mul3A_236 = arith.constant 5 : i32
          %mul3A_237 = arith.muli %add3A_235, %mul3A_236 : i32
          %add3A_238 = arith.constant 1 : i32
          %add3A_239 = arith.addi %mul3A_237, %add3A_238 : i32
          %dma_start3A_240 = arith.constant 0 : i32
          %dma_start3A_241 = tpu.memref_slice %arg6[%add3A_239, %dma_start3A_240] : memref<50x40xi32, #tpu.memory_space<vmem>> -> memref<1x40xi32, #tpu.memory_space<vmem>>
          %dma_start3A_242 = tpu.memref_squeeze %dma_start3A_241 : memref<1x40xi32, #tpu.memory_space<vmem>> -> memref<40xi32, #tpu.memory_space<vmem>>
          %dma_start3A_243 = arith.constant 0 : i32
          %dma_start3A_244 = arith.constant 0 : i32
          %dma_start3A_245 = tpu.memref_slice %arg2[%dma_start3A_243, %dma_start3A_244] : memref<10000x128xf32, #tpu.memory_space<hbm>> -> memref<10000x128xf32, #tpu.memory_space<hbm>>
          tpu.enqueue_indirect_dma source(%dma_start3A_245 : memref<10000x128xf32, #tpu.memory_space<hbm>>) target(%arg21 : memref<40x128xf32, #tpu.memory_space<vmem>>) offsets(%dma_start3A_242 : memref<40xi32, #tpu.memory_space<vmem>>) semaphore(%arg11 : memref<!tpu.dma_semaphore, #tpu.memory_space<semaphore_mem>>)
          %dma_wait3A_246 = arith.constant 0 : i32
          %dma_wait3A_247 = tpu.memref_slice %arg7[%add3A_159, %dma_wait3A_246] : memref<50x40xi32, #tpu.memory_space<vmem>> -> memref<1x40xi32, #tpu.memory_space<vmem>>
          %dma_wait3A_248 = tpu.memref_squeeze %dma_wait3A_247 : memref<1x40xi32, #tpu.memory_space<vmem>> -> memref<40xi32, #tpu.memory_space<vmem>>
          %dma_wait3A_249 = arith.constant 0 : i32
          %dma_wait3A_250 = arith.constant 0 : i32
          %dma_wait3A_251 = tpu.memref_slice %arg9[%dma_wait3A_249, %dma_wait3A_250] : memref<10000x128xf32, #tpu.memory_space<vmem_shared>> -> memref<10000x128xf32, #tpu.memory_space<vmem_shared>>
          tpu.wait_indirect_dma semaphore(%arg17 : memref<!tpu.dma_semaphore, #tpu.memory_space<semaphore_mem>>) src(%arg22 : memref<40x128xf32, #tpu.memory_space<vmem>>) dst(%dma_wait3A_251 : memref<10000x128xf32, #tpu.memory_space<vmem_shared>>)
          %add3A_252 = arith.constant 1 : i32
          %add3A_253 = arith.addi %add3A_105, %add3A_252 : i32
          %mul3A_254 = arith.constant 5 : i32
          %mul3A_255 = arith.muli %add3A_253, %mul3A_254 : i32
          %add3A_256 = arith.constant 2 : i32
          %add3A_257 = arith.addi %mul3A_255, %add3A_256 : i32
          %dma_start3A_258 = arith.constant 0 : i32
          %dma_start3A_259 = tpu.memref_slice %arg6[%add3A_257, %dma_start3A_258] : memref<50x40xi32, #tpu.memory_space<vmem>> -> memref<1x40xi32, #tpu.memory_space<vmem>>
          %dma_start3A_260 = tpu.memref_squeeze %dma_start3A_259 : memref<1x40xi32, #tpu.memory_space<vmem>> -> memref<40xi32, #tpu.memory_space<vmem>>
          %dma_start3A_261 = arith.constant 0 : i32
          %dma_start3A_262 = arith.constant 0 : i32
          %dma_start3A_263 = tpu.memref_slice %arg2[%dma_start3A_261, %dma_start3A_262] : memref<10000x128xf32, #tpu.memory_space<hbm>> -> memref<10000x128xf32, #tpu.memory_space<hbm>>
          tpu.enqueue_indirect_dma source(%dma_start3A_263 : memref<10000x128xf32, #tpu.memory_space<hbm>>) target(%arg22 : memref<40x128xf32, #tpu.memory_space<vmem>>) offsets(%dma_start3A_260 : memref<40xi32, #tpu.memory_space<vmem>>) semaphore(%arg12 : memref<!tpu.dma_semaphore, #tpu.memory_space<semaphore_mem>>)
          %dma_wait3A_264 = arith.constant 0 : i32
          %dma_wait3A_265 = tpu.memref_slice %arg7[%add3A_179, %dma_wait3A_264] : memref<50x40xi32, #tpu.memory_space<vmem>> -> memref<1x40xi32, #tpu.memory_space<vmem>>
          %dma_wait3A_266 = tpu.memref_squeeze %dma_wait3A_265 : memref<1x40xi32, #tpu.memory_space<vmem>> -> memref<40xi32, #tpu.memory_space<vmem>>
          %dma_wait3A_267 = arith.constant 0 : i32
          %dma_wait3A_268 = arith.constant 0 : i32
          %dma_wait3A_269 = tpu.memref_slice %arg9[%dma_wait3A_267, %dma_wait3A_268] : memref<10000x128xf32, #tpu.memory_space<vmem_shared>> -> memref<10000x128xf32, #tpu.memory_space<vmem_shared>>
          tpu.wait_indirect_dma semaphore(%arg18 : memref<!tpu.dma_semaphore, #tpu.memory_space<semaphore_mem>>) src(%arg23 : memref<40x128xf32, #tpu.memory_space<vmem>>) dst(%dma_wait3A_269 : memref<10000x128xf32, #tpu.memory_space<vmem_shared>>)
          %add3A_270 = arith.constant 1 : i32
          %add3A_271 = arith.addi %add3A_105, %add3A_270 : i32
          %mul3A_272 = arith.constant 5 : i32
          %mul3A_273 = arith.muli %add3A_271, %mul3A_272 : i32
          %add3A_274 = arith.constant 3 : i32
          %add3A_275 = arith.addi %mul3A_273, %add3A_274 : i32
          %dma_start3A_276 = arith.constant 0 : i32
          %dma_start3A_277 = tpu.memref_slice %arg6[%add3A_275, %dma_start3A_276] : memref<50x40xi32, #tpu.memory_space<vmem>> -> memref<1x40xi32, #tpu.memory_space<vmem>>
          %dma_start3A_278 = tpu.memref_squeeze %dma_start3A_277 : memref<1x40xi32, #tpu.memory_space<vmem>> -> memref<40xi32, #tpu.memory_space<vmem>>
          %dma_start3A_279 = arith.constant 0 : i32
          %dma_start3A_280 = arith.constant 0 : i32
          %dma_start3A_281 = tpu.memref_slice %arg2[%dma_start3A_279, %dma_start3A_280] : memref<10000x128xf32, #tpu.memory_space<hbm>> -> memref<10000x128xf32, #tpu.memory_space<hbm>>
          tpu.enqueue_indirect_dma source(%dma_start3A_281 : memref<10000x128xf32, #tpu.memory_space<hbm>>) target(%arg23 : memref<40x128xf32, #tpu.memory_space<vmem>>) offsets(%dma_start3A_278 : memref<40xi32, #tpu.memory_space<vmem>>) semaphore(%arg13 : memref<!tpu.dma_semaphore, #tpu.memory_space<semaphore_mem>>)
          %dma_wait3A_282 = arith.constant 0 : i32
          %dma_wait3A_283 = tpu.memref_slice %arg7[%add3A_199, %dma_wait3A_282] : memref<50x40xi32, #tpu.memory_space<vmem>> -> memref<1x40xi32, #tpu.memory_space<vmem>>
          %dma_wait3A_284 = tpu.memref_squeeze %dma_wait3A_283 : memref<1x40xi32, #tpu.memory_space<vmem>> -> memref<40xi32, #tpu.memory_space<vmem>>
          %dma_wait3A_285 = arith.constant 0 : i32
          %dma_wait3A_286 = arith.constant 0 : i32
          %dma_wait3A_287 = tpu.memref_slice %arg9[%dma_wait3A_285, %dma_wait3A_286] : memref<10000x128xf32, #tpu.memory_space<vmem_shared>> -> memref<10000x128xf32, #tpu.memory_space<vmem_shared>>
          tpu.wait_indirect_dma semaphore(%arg19 : memref<!tpu.dma_semaphore, #tpu.memory_space<semaphore_mem>>) src(%arg24 : memref<40x128xf32, #tpu.memory_space<vmem>>) dst(%dma_wait3A_287 : memref<10000x128xf32, #tpu.memory_space<vmem_shared>>)
          %add3A_288 = arith.constant 1 : i32
          %add3A_289 = arith.addi %add3A_105, %add3A_288 : i32
          %mul3A_290 = arith.constant 5 : i32
          %mul3A_291 = arith.muli %add3A_289, %mul3A_290 : i32
          %add3A_292 = arith.constant 4 : i32
          %add3A_293 = arith.addi %mul3A_291, %add3A_292 : i32
          %dma_start3A_294 = arith.constant 0 : i32
          %dma_start3A_295 = tpu.memref_slice %arg6[%add3A_293, %dma_start3A_294] : memref<50x40xi32, #tpu.memory_space<vmem>> -> memref<1x40xi32, #tpu.memory_space<vmem>>
          %dma_start3A_296 = tpu.memref_squeeze %dma_start3A_295 : memref<1x40xi32, #tpu.memory_space<vmem>> -> memref<40xi32, #tpu.memory_space<vmem>>
          %dma_start3A_297 = arith.constant 0 : i32
          %dma_start3A_298 = arith.constant 0 : i32
          %dma_start3A_299 = tpu.memref_slice %arg2[%dma_start3A_297, %dma_start3A_298] : memref<10000x128xf32, #tpu.memory_space<hbm>> -> memref<10000x128xf32, #tpu.memory_space<hbm>>
          tpu.enqueue_indirect_dma source(%dma_start3A_299 : memref<10000x128xf32, #tpu.memory_space<hbm>>) target(%arg24 : memref<40x128xf32, #tpu.memory_space<vmem>>) offsets(%dma_start3A_296 : memref<40xi32, #tpu.memory_space<vmem>>) semaphore(%arg14 : memref<!tpu.dma_semaphore, #tpu.memory_space<semaphore_mem>>)
        } else {
        }
      }
      %scan3A_66 = arith.constant 10 : i32
      %dma_wait3A = arith.constant 45 : i32
      %dma_wait3A_67 = arith.constant 0 : i32
      %dma_wait3A_68 = tpu.memref_slice %arg7[%dma_wait3A, %dma_wait3A_67] : memref<50x40xi32, #tpu.memory_space<vmem>> -> memref<1x40xi32, #tpu.memory_space<vmem>>
      %dma_wait3A_69 = tpu.memref_squeeze %dma_wait3A_68 : memref<1x40xi32, #tpu.memory_space<vmem>> -> memref<40xi32, #tpu.memory_space<vmem>>
      %dma_wait3A_70 = arith.constant 0 : i32
      %dma_wait3A_71 = arith.constant 0 : i32
      %dma_wait3A_72 = tpu.memref_slice %arg9[%dma_wait3A_70, %dma_wait3A_71] : memref<10000x128xf32, #tpu.memory_space<vmem_shared>> -> memref<10000x128xf32, #tpu.memory_space<vmem_shared>>
      tpu.wait_indirect_dma semaphore(%arg15 : memref<!tpu.dma_semaphore, #tpu.memory_space<semaphore_mem>>) src(%arg20 : memref<40x128xf32, #tpu.memory_space<vmem>>) dst(%dma_wait3A_72 : memref<10000x128xf32, #tpu.memory_space<vmem_shared>>)
      %dma_wait3A_73 = arith.constant 46 : i32
      %dma_wait3A_74 = arith.constant 0 : i32
      %dma_wait3A_75 = tpu.memref_slice %arg7[%dma_wait3A_73, %dma_wait3A_74] : memref<50x40xi32, #tpu.memory_space<vmem>> -> memref<1x40xi32, #tpu.memory_space<vmem>>
      %dma_wait3A_76 = tpu.memref_squeeze %dma_wait3A_75 : memref<1x40xi32, #tpu.memory_space<vmem>> -> memref<40xi32, #tpu.memory_space<vmem>>
      %dma_wait3A_77 = arith.constant 0 : i32
      %dma_wait3A_78 = arith.constant 0 : i32
      %dma_wait3A_79 = tpu.memref_slice %arg9[%dma_wait3A_77, %dma_wait3A_78] : memref<10000x128xf32, #tpu.memory_space<vmem_shared>> -> memref<10000x128xf32, #tpu.memory_space<vmem_shared>>
      tpu.wait_indirect_dma semaphore(%arg16 : memref<!tpu.dma_semaphore, #tpu.memory_space<semaphore_mem>>) src(%arg21 : memref<40x128xf32, #tpu.memory_space<vmem>>) dst(%dma_wait3A_79 : memref<10000x128xf32, #tpu.memory_space<vmem_shared>>)
      %dma_wait3A_80 = arith.constant 47 : i32
      %dma_wait3A_81 = arith.constant 0 : i32
      %dma_wait3A_82 = tpu.memref_slice %arg7[%dma_wait3A_80, %dma_wait3A_81] : memref<50x40xi32, #tpu.memory_space<vmem>> -> memref<1x40xi32, #tpu.memory_space<vmem>>
      %dma_wait3A_83 = tpu.memref_squeeze %dma_wait3A_82 : memref<1x40xi32, #tpu.memory_space<vmem>> -> memref<40xi32, #tpu.memory_space<vmem>>
      %dma_wait3A_84 = arith.constant 0 : i32
      %dma_wait3A_85 = arith.constant 0 : i32
      %dma_wait3A_86 = tpu.memref_slice %arg9[%dma_wait3A_84, %dma_wait3A_85] : memref<10000x128xf32, #tpu.memory_space<vmem_shared>> -> memref<10000x128xf32, #tpu.memory_space<vmem_shared>>
      tpu.wait_indirect_dma semaphore(%arg17 : memref<!tpu.dma_semaphore, #tpu.memory_space<semaphore_mem>>) src(%arg22 : memref<40x128xf32, #tpu.memory_space<vmem>>) dst(%dma_wait3A_86 : memref<10000x128xf32, #tpu.memory_space<vmem_shared>>)
      %dma_wait3A_87 = arith.constant 48 : i32
      %dma_wait3A_88 = arith.constant 0 : i32
      %dma_wait3A_89 = tpu.memref_slice %arg7[%dma_wait3A_87, %dma_wait3A_88] : memref<50x40xi32, #tpu.memory_space<vmem>> -> memref<1x40xi32, #tpu.memory_space<vmem>>
      %dma_wait3A_90 = tpu.memref_squeeze %dma_wait3A_89 : memref<1x40xi32, #tpu.memory_space<vmem>> -> memref<40xi32, #tpu.memory_space<vmem>>
      %dma_wait3A_91 = arith.constant 0 : i32
      %dma_wait3A_92 = arith.constant 0 : i32
      %dma_wait3A_93 = tpu.memref_slice %arg9[%dma_wait3A_91, %dma_wait3A_92] : memref<10000x128xf32, #tpu.memory_space<vmem_shared>> -> memref<10000x128xf32, #tpu.memory_space<vmem_shared>>
      tpu.wait_indirect_dma semaphore(%arg18 : memref<!tpu.dma_semaphore, #tpu.memory_space<semaphore_mem>>) src(%arg23 : memref<40x128xf32, #tpu.memory_space<vmem>>) dst(%dma_wait3A_93 : memref<10000x128xf32, #tpu.memory_space<vmem_shared>>)
      %dma_wait3A_94 = arith.constant 49 : i32
      %dma_wait3A_95 = arith.constant 0 : i32
      %dma_wait3A_96 = tpu.memref_slice %arg7[%dma_wait3A_94, %dma_wait3A_95] : memref<50x40xi32, #tpu.memory_space<vmem>> -> memref<1x40xi32, #tpu.memory_space<vmem>>
      %dma_wait3A_97 = tpu.memref_squeeze %dma_wait3A_96 : memref<1x40xi32, #tpu.memory_space<vmem>> -> memref<40xi32, #tpu.memory_space<vmem>>
      %dma_wait3A_98 = arith.constant 0 : i32
      %dma_wait3A_99 = arith.constant 0 : i32
      %dma_wait3A_100 = tpu.memref_slice %arg9[%dma_wait3A_98, %dma_wait3A_99] : memref<10000x128xf32, #tpu.memory_space<vmem_shared>> -> memref<10000x128xf32, #tpu.memory_space<vmem_shared>>
      tpu.wait_indirect_dma semaphore(%arg19 : memref<!tpu.dma_semaphore, #tpu.memory_space<semaphore_mem>>) src(%arg24 : memref<40x128xf32, #tpu.memory_space<vmem>>) dst(%dma_wait3A_100 : memref<10000x128xf32, #tpu.memory_space<vmem_shared>>)
    }
    %scan3A_18 = arith.constant 5 : i32
    %barrier3A_19 = arith.constant 0 : index
    tpu.barrier barrier_id(%barrier3A_19)
    "tpu.region"() ({
      %run_scoped3A = tpu.sem_alloc : memref<!tpu.dma_semaphore, #tpu.memory_space<semaphore_mem>>
      %dma_start3A = arith.constant 0 : i32
      %dma_start3A_23 = tpu.memref_slice %arg5[%arg0, %mul3A_2, %dma_start3A] : memref<2x10000x128xf32, #tpu.memory_space<hbm>> -> memref<1x624x128xf32, #tpu.memory_space<hbm>>
      %dma_start3A_24 = tpu.memref_squeeze %dma_start3A_23 : memref<1x624x128xf32, #tpu.memory_space<hbm>> -> memref<624x128xf32, #tpu.memory_space<hbm>>
      %dma_start3A_25 = arith.constant 0 : i32
      %dma_start3A_26 = tpu.memref_slice %arg9[%mul3A_2, %dma_start3A_25] : memref<10000x128xf32, #tpu.memory_space<vmem_shared>> -> memref<624x128xf32, #tpu.memory_space<vmem_shared>>
      tpu.enqueue_dma source(%dma_start3A_26 : memref<624x128xf32, #tpu.memory_space<vmem_shared>>) target(%dma_start3A_24 : memref<624x128xf32, #tpu.memory_space<hbm>>) target_semaphore(%run_scoped3A : memref<!tpu.dma_semaphore, #tpu.memory_space<semaphore_mem>>)
      %dma_wait3A = arith.constant 0 : i32
      %dma_wait3A_27 = tpu.memref_slice %arg5[%arg0, %mul3A_2, %dma_wait3A] : memref<2x10000x128xf32, #tpu.memory_space<hbm>> -> memref<1x624x128xf32, #tpu.memory_space<hbm>>
      %dma_wait3A_28 = tpu.memref_squeeze %dma_wait3A_27 : memref<1x624x128xf32, #tpu.memory_space<hbm>> -> memref<624x128xf32, #tpu.memory_space<hbm>>
      %dma_wait3A_29 = arith.constant 0 : i32
      %dma_wait3A_30 = tpu.memref_slice %arg9[%mul3A_2, %dma_wait3A_29] : memref<10000x128xf32, #tpu.memory_space<vmem_shared>> -> memref<624x128xf32, #tpu.memory_space<vmem_shared>>
      tpu.wait_dma2 semaphore(%run_scoped3A : memref<!tpu.dma_semaphore, #tpu.memory_space<semaphore_mem>>) src(%dma_wait3A_30 : memref<624x128xf32, #tpu.memory_space<vmem_shared>>) dst(%dma_wait3A_28 : memref<624x128xf32, #tpu.memory_space<hbm>>)
      tpu.yield
    }) : () -> ()
    %convert_element_type3A_20 = arith.extui %eq3A_3 : i1 to i32
    %cond3A_21 = arith.constant 0 : i32
    %cond3A_22 = arith.cmpi ne, %convert_element_type3A_20, %cond3A_21 : i32
    scf.if %cond3A_22 {
      "tpu.region"() ({
        %run_scoped3A = tpu.sem_alloc : memref<!tpu.dma_semaphore, #tpu.memory_space<semaphore_mem>>
        %dma_start3A = arith.constant 9984 : i32
        %dma_start3A_23 = arith.constant 0 : i32
        %dma_start3A_24 = tpu.memref_slice %arg5[%arg0, %dma_start3A, %dma_start3A_23] : memref<2x10000x128xf32, #tpu.memory_space<hbm>> -> memref<1x16x128xf32, #tpu.memory_space<hbm>>
        %dma_start3A_25 = tpu.memref_squeeze %dma_start3A_24 : memref<1x16x128xf32, #tpu.memory_space<hbm>> -> memref<16x128xf32, #tpu.memory_space<hbm>>
        %dma_start3A_26 = arith.constant 9984 : i32
        %dma_start3A_27 = arith.constant 0 : i32
        %dma_start3A_28 = tpu.memref_slice %arg9[%dma_start3A_26, %dma_start3A_27] : memref<10000x128xf32, #tpu.memory_space<vmem_shared>> -> memref<16x128xf32, #tpu.memory_space<vmem_shared>>
        tpu.enqueue_dma source(%dma_start3A_28 : memref<16x128xf32, #tpu.memory_space<vmem_shared>>) target(%dma_start3A_25 : memref<16x128xf32, #tpu.memory_space<hbm>>) target_semaphore(%run_scoped3A : memref<!tpu.dma_semaphore, #tpu.memory_space<semaphore_mem>>)
        %dma_wait3A = arith.constant 9984 : i32
        %dma_wait3A_29 = arith.constant 0 : i32
        %dma_wait3A_30 = tpu.memref_slice %arg5[%arg0, %dma_wait3A, %dma_wait3A_29] : memref<2x10000x128xf32, #tpu.memory_space<hbm>> -> memref<1x16x128xf32, #tpu.memory_space<hbm>>
        %dma_wait3A_31 = tpu.memref_squeeze %dma_wait3A_30 : memref<1x16x128xf32, #tpu.memory_space<hbm>> -> memref<16x128xf32, #tpu.memory_space<hbm>>
        %dma_wait3A_32 = arith.constant 9984 : i32
        %dma_wait3A_33 = arith.constant 0 : i32
        %dma_wait3A_34 = tpu.memref_slice %arg9[%dma_wait3A_32, %dma_wait3A_33] : memref<10000x128xf32, #tpu.memory_space<vmem_shared>> -> memref<16x128xf32, #tpu.memory_space<vmem_shared>>
        tpu.wait_dma2 semaphore(%run_scoped3A : memref<!tpu.dma_semaphore, #tpu.memory_space<semaphore_mem>>) src(%dma_wait3A_34 : memref<16x128xf32, #tpu.memory_space<vmem_shared>>) dst(%dma_wait3A_31 : memref<16x128xf32, #tpu.memory_space<hbm>>)
        tpu.yield
      }) : () -> ()
    } else {
    }
    return
  }
}

module attributes {stable_mosaic.version = 14 : i64} {
  func.func @body(%arg0: i32, %arg1: memref<2x1000x128xf32, #tpu.memory_space<vmem>>, %arg2: memref<2x1000x128xf32, #tpu.memory_space<vmem>>, %arg3: memref<1000x128xf32, #tpu.memory_space<vmem>>, %arg4: memref<128x128xf32, #tpu.memory_space<vmem>>, %arg5: memref<128x128xf32, #tpu.memory_space<vmem>>, %arg6: memref<1x128xf32, #tpu.memory_space<vmem>>, %arg7: memref<1000x128xf32, #tpu.memory_space<vmem>>) attributes {dimension_semantics = [#tpu.dimension_semantics<arbitrary>], iteration_bounds = array<i64: 10>, scalar_prefetch = 0 : i64, scratch_operands = 0 : i64, tpu.core_type = #tpu.core_type<tc>, window_params = [{transform_indices = @transform_0, window_bounds = array<i64: 2, 1000, 128>}, {transform_indices = @transform_1, window_bounds = array<i64: 2, 1000, 128>}, {transform_indices = @transform_2, window_bounds = array<i64: 1000, 128>}, {pipeline_mode = #tpu.pipeline_mode<synchronous>, transform_indices = @transform_3, window_bounds = array<i64: 128, 128>}, {pipeline_mode = #tpu.pipeline_mode<synchronous>, transform_indices = @transform_4, window_bounds = array<i64: 128, 128>}, {pipeline_mode = #tpu.pipeline_mode<synchronous>, transform_indices = @transform_5, window_bounds = array<i64: 1, 128>}, {transform_indices = @transform_6, window_bounds = array<i64: 1000, 128>}]} {
    %get3A = arith.constant 0 : index
    %get3A_0 = arith.constant 0 : index
    %get3A_1 = arith.constant 0 : index
    %get3A_2 = vector.load %arg1[%get3A, %get3A_0, %get3A_1] : memref<2x1000x128xf32, #tpu.memory_space<vmem>>, vector<1x1000x128xf32>
    %get3A_3 = vector.shape_cast %get3A_2 : vector<1x1000x128xf32> to vector<1000x128xf32>
    %get3A_4 = arith.constant 1 : index
    %get3A_5 = arith.constant 0 : index
    %get3A_6 = arith.constant 0 : index
    %get3A_7 = vector.load %arg1[%get3A_4, %get3A_5, %get3A_6] : memref<2x1000x128xf32, #tpu.memory_space<vmem>>, vector<1x1000x128xf32>
    %get3A_8 = vector.shape_cast %get3A_7 : vector<1x1000x128xf32> to vector<1000x128xf32>
    %add3A = arith.addf %get3A_3, %get3A_8 : vector<1000x128xf32>
    %get3A_9 = arith.constant 0 : index
    %get3A_10 = arith.constant 0 : index
    %get3A_11 = arith.constant 0 : index
    %get3A_12 = vector.load %arg2[%get3A_9, %get3A_10, %get3A_11] : memref<2x1000x128xf32, #tpu.memory_space<vmem>>, vector<1x1000x1xf32>
    %get3A_13 = vector.shape_cast %get3A_12 : vector<1x1000x1xf32> to vector<1000x1xf32>
    %get3A_14 = arith.constant 1 : index
    %get3A_15 = arith.constant 0 : index
    %get3A_16 = arith.constant 0 : index
    %get3A_17 = vector.load %arg2[%get3A_14, %get3A_15, %get3A_16] : memref<2x1000x128xf32, #tpu.memory_space<vmem>>, vector<1x1000x1xf32>
    %get3A_18 = vector.shape_cast %get3A_17 : vector<1x1000x1xf32> to vector<1000x1xf32>
    %add3A_19 = arith.addf %get3A_13, %get3A_18 : vector<1000x1xf32>
    %max3A = arith.constant 1.000000e+00 : f32
    %max3A_20 = vector.broadcast %max3A : f32 to vector<1000x1xf32>
    %max3A_21 = arith.maximumf %add3A_19, %max3A_20 : vector<1000x1xf32>
    %div3A = arith.constant 1.000000e+00 : f32
    %div3A_22 = vector.broadcast %div3A : f32 to vector<1000x1xf32>
    %div3A_23 = arith.divf %div3A_22, %max3A_21 : vector<1000x1xf32>
    %mul3A = vector.broadcast %div3A_23 : vector<1000x1xf32> to vector<1000x128xf32>
    %mul3A_24 = arith.mulf %add3A, %mul3A : vector<1000x128xf32>
    %get3A_25 = arith.constant 0 : index
    %get3A_26 = arith.constant 0 : index
    %get3A_27 = vector.load %arg4[%get3A_25, %get3A_26] : memref<128x128xf32, #tpu.memory_space<vmem>>, vector<128x128xf32>
    %dot_general3A = arith.constant dense<0.000000e+00> : vector<1000x128xf32>
    %dot_general3A_28 = tpu.matmul %mul3A_24, %get3A_27, %dot_general3A {dimension_numbers = #tpu.dot_dimension_numbers<[1], [0], [0], [1], [0, 0, 1, 1], [], []>, transpose_lhs_hint = false} : vector<1000x128xf32>, vector<128x128xf32>, vector<1000x128xf32> -> vector<1000x128xf32>
    %get3A_29 = arith.constant 0 : index
    %get3A_30 = arith.constant 0 : index
    %get3A_31 = vector.load %arg3[%get3A_29, %get3A_30] : memref<1000x128xf32, #tpu.memory_space<vmem>>, vector<1000x128xf32>
    %get3A_32 = arith.constant 0 : index
    %get3A_33 = arith.constant 0 : index
    %get3A_34 = vector.load %arg5[%get3A_32, %get3A_33] : memref<128x128xf32, #tpu.memory_space<vmem>>, vector<128x128xf32>
    %dot_general3A_35 = arith.constant dense<0.000000e+00> : vector<1000x128xf32>
    %dot_general3A_36 = tpu.matmul %get3A_31, %get3A_34, %dot_general3A_35 {dimension_numbers = #tpu.dot_dimension_numbers<[1], [0], [0], [1], [0, 0, 1, 1], [], []>, transpose_lhs_hint = false} : vector<1000x128xf32>, vector<128x128xf32>, vector<1000x128xf32> -> vector<1000x128xf32>
    %add3A_37 = arith.addf %dot_general3A_28, %dot_general3A_36 : vector<1000x128xf32>
    %get3A_38 = arith.constant 0 : index
    %get3A_39 = arith.constant 0 : index
    %get3A_40 = vector.load %arg6[%get3A_38, %get3A_39] : memref<1x128xf32, #tpu.memory_space<vmem>>, vector<1x128xf32>
    %add3A_41 = vector.broadcast %get3A_40 : vector<1x128xf32> to vector<1000x128xf32>
    %add3A_42 = arith.addf %add3A_37, %add3A_41 : vector<1000x128xf32>
    %max3A_43 = arith.constant 0.000000e+00 : f32
    %max3A_44 = vector.broadcast %max3A_43 : f32 to vector<1000x128xf32>
    %max3A_45 = arith.maximumf %add3A_42, %max3A_44 : vector<1000x128xf32>
    %swap3A = arith.constant 0 : index
    %swap3A_46 = arith.constant 0 : index
    %swap3A_47 = vector.load %arg7[%swap3A, %swap3A_46] : memref<1000x128xf32, #tpu.memory_space<vmem>>, vector<1000x128xf32>
    tpu.vector_store %arg7[%swap3A, %swap3A_46], %max3A_45 {strides = array<i32>} : memref<1000x128xf32, #tpu.memory_space<vmem>>, vector<1000x128xf32>,
    return
  }
  func.func @transform_0(%arg0: i32) -> (i32, i32, i32) {
    %c0_i32 = arith.constant 0 : i32
    %c0_i32_0 = arith.constant 0 : i32
    %c0_i32_1 = arith.constant 0 : i32
    return %c0_i32, %arg0, %c0_i32_0 : i32, i32, i32
  }
  func.func @transform_1(%arg0: i32) -> (i32, i32, i32) {
    %c0_i32 = arith.constant 0 : i32
    %c0_i32_0 = arith.constant 0 : i32
    %c0_i32_1 = arith.constant 0 : i32
    return %c0_i32, %arg0, %c0_i32_0 : i32, i32, i32
  }
  func.func @transform_2(%arg0: i32) -> (i32, i32) {
    %c0_i32 = arith.constant 0 : i32
    %c0_i32_0 = arith.constant 0 : i32
    return %arg0, %c0_i32 : i32, i32
  }
  func.func @transform_3(%arg0: i32) -> (i32, i32) {
    %c0_i32 = arith.constant 0 : i32
    %c0_i32_0 = arith.constant 0 : i32
    %c0_i32_1 = arith.constant 0 : i32
    return %c0_i32, %c0_i32_0 : i32, i32
  }
  func.func @transform_4(%arg0: i32) -> (i32, i32) {
    %c0_i32 = arith.constant 0 : i32
    %c0_i32_0 = arith.constant 0 : i32
    %c0_i32_1 = arith.constant 0 : i32
    return %c0_i32, %c0_i32_0 : i32, i32
  }
  func.func @transform_5(%arg0: i32) -> (i32, i32) {
    %c0_i32 = arith.constant 0 : i32
    %c0_i32_0 = arith.constant 0 : i32
    %c0_i32_1 = arith.constant 0 : i32
    return %c0_i32, %c0_i32_0 : i32, i32
  }
  func.func @transform_6(%arg0: i32) -> (i32, i32) {
    %c0_i32 = arith.constant 0 : i32
    %c0_i32_0 = arith.constant 0 : i32
    return %arg0, %c0_i32 : i32, i32
  }
}

module attributes {stable_mosaic.version = 14 : i64} {
  func.func @body(%arg0: i32, %arg1: memref<2x1000x128xf32, #tpu.memory_space<vmem>>, %arg2: memref<2x1000x128xf32, #tpu.memory_space<vmem>>, %arg3: memref<1000x128xf32, #tpu.memory_space<vmem>>, %arg4: memref<128x128xf32, #tpu.memory_space<vmem>>, %arg5: memref<128x128xf32, #tpu.memory_space<vmem>>, %arg6: memref<1x128xf32, #tpu.memory_space<vmem>>, %arg7: memref<1000x128xf32, #tpu.memory_space<vmem>>) attributes {dimension_semantics = [#tpu.dimension_semantics<arbitrary>], iteration_bounds = array<i64: 10>, scalar_prefetch = 0 : i64, scratch_operands = 0 : i64, tpu.core_type = #tpu.core_type<tc>, window_params = [{transform_indices = @transform_0, window_bounds = array<i64: 2, 1000, 128>}, {transform_indices = @transform_1, window_bounds = array<i64: 2, 1000, 128>}, {transform_indices = @transform_2, window_bounds = array<i64: 1000, 128>}, {pipeline_mode = #tpu.pipeline_mode<synchronous>, transform_indices = @transform_3, window_bounds = array<i64: 128, 128>}, {pipeline_mode = #tpu.pipeline_mode<synchronous>, transform_indices = @transform_4, window_bounds = array<i64: 128, 128>}, {pipeline_mode = #tpu.pipeline_mode<synchronous>, transform_indices = @transform_5, window_bounds = array<i64: 1, 128>}, {transform_indices = @transform_6, window_bounds = array<i64: 1000, 128>}]} {
    %get3A = arith.constant 0 : index
    %get3A_0 = arith.constant 0 : index
    %get3A_1 = arith.constant 0 : index
    %get3A_2 = vector.load %arg1[%get3A, %get3A_0, %get3A_1] : memref<2x1000x128xf32, #tpu.memory_space<vmem>>, vector<1x1000x128xf32>
    %get3A_3 = vector.shape_cast %get3A_2 : vector<1x1000x128xf32> to vector<1000x128xf32>
    %get3A_4 = arith.constant 1 : index
    %get3A_5 = arith.constant 0 : index
    %get3A_6 = arith.constant 0 : index
    %get3A_7 = vector.load %arg1[%get3A_4, %get3A_5, %get3A_6] : memref<2x1000x128xf32, #tpu.memory_space<vmem>>, vector<1x1000x128xf32>
    %get3A_8 = vector.shape_cast %get3A_7 : vector<1x1000x128xf32> to vector<1000x128xf32>
    %add3A = arith.addf %get3A_3, %get3A_8 : vector<1000x128xf32>
    %get3A_9 = arith.constant 0 : index
    %get3A_10 = arith.constant 0 : index
    %get3A_11 = arith.constant 0 : index
    %get3A_12 = vector.load %arg2[%get3A_9, %get3A_10, %get3A_11] : memref<2x1000x128xf32, #tpu.memory_space<vmem>>, vector<1x1000x1xf32>
    %get3A_13 = vector.shape_cast %get3A_12 : vector<1x1000x1xf32> to vector<1000x1xf32>
    %get3A_14 = arith.constant 1 : index
    %get3A_15 = arith.constant 0 : index
    %get3A_16 = arith.constant 0 : index
    %get3A_17 = vector.load %arg2[%get3A_14, %get3A_15, %get3A_16] : memref<2x1000x128xf32, #tpu.memory_space<vmem>>, vector<1x1000x1xf32>
    %get3A_18 = vector.shape_cast %get3A_17 : vector<1x1000x1xf32> to vector<1000x1xf32>
    %add3A_19 = arith.addf %get3A_13, %get3A_18 : vector<1000x1xf32>
    %max3A = arith.constant 1.000000e+00 : f32
    %max3A_20 = vector.broadcast %max3A : f32 to vector<1000x1xf32>
    %max3A_21 = arith.maximumf %add3A_19, %max3A_20 : vector<1000x1xf32>
    %div3A = arith.constant 1.000000e+00 : f32
    %div3A_22 = vector.broadcast %div3A : f32 to vector<1000x1xf32>
    %div3A_23 = arith.divf %div3A_22, %max3A_21 : vector<1000x1xf32>
    %mul3A = vector.broadcast %div3A_23 : vector<1000x1xf32> to vector<1000x128xf32>
    %mul3A_24 = arith.mulf %add3A, %mul3A : vector<1000x128xf32>
    %get3A_25 = arith.constant 0 : index
    %get3A_26 = arith.constant 0 : index
    %get3A_27 = vector.load %arg4[%get3A_25, %get3A_26] : memref<128x128xf32, #tpu.memory_space<vmem>>, vector<128x128xf32>
    %dot_general3A = arith.constant dense<0.000000e+00> : vector<1000x128xf32>
    %dot_general3A_28 = tpu.matmul %mul3A_24, %get3A_27, %dot_general3A {dimension_numbers = #tpu.dot_dimension_numbers<[1], [0], [0], [1], [0, 0, 1, 1], [], []>, transpose_lhs_hint = false} : vector<1000x128xf32>, vector<128x128xf32>, vector<1000x128xf32> -> vector<1000x128xf32>
    %get3A_29 = arith.constant 0 : index
    %get3A_30 = arith.constant 0 : index
    %get3A_31 = vector.load %arg3[%get3A_29, %get3A_30] : memref<1000x128xf32, #tpu.memory_space<vmem>>, vector<1000x128xf32>
    %get3A_32 = arith.constant 0 : index
    %get3A_33 = arith.constant 0 : index
    %get3A_34 = vector.load %arg5[%get3A_32, %get3A_33] : memref<128x128xf32, #tpu.memory_space<vmem>>, vector<128x128xf32>
    %dot_general3A_35 = arith.constant dense<0.000000e+00> : vector<1000x128xf32>
    %dot_general3A_36 = tpu.matmul %get3A_31, %get3A_34, %dot_general3A_35 {dimension_numbers = #tpu.dot_dimension_numbers<[1], [0], [0], [1], [0, 0, 1, 1], [], []>, transpose_lhs_hint = false} : vector<1000x128xf32>, vector<128x128xf32>, vector<1000x128xf32> -> vector<1000x128xf32>
    %add3A_37 = arith.addf %dot_general3A_28, %dot_general3A_36 : vector<1000x128xf32>
    %get3A_38 = arith.constant 0 : index
    %get3A_39 = arith.constant 0 : index
    %get3A_40 = vector.load %arg6[%get3A_38, %get3A_39] : memref<1x128xf32, #tpu.memory_space<vmem>>, vector<1x128xf32>
    %add3A_41 = vector.broadcast %get3A_40 : vector<1x128xf32> to vector<1000x128xf32>
    %add3A_42 = arith.addf %add3A_37, %add3A_41 : vector<1000x128xf32>
    %swap3A = arith.constant 0 : index
    %swap3A_43 = arith.constant 0 : index
    %swap3A_44 = vector.load %arg7[%swap3A, %swap3A_43] : memref<1000x128xf32, #tpu.memory_space<vmem>>, vector<1000x128xf32>
    tpu.vector_store %arg7[%swap3A, %swap3A_43], %add3A_42 {strides = array<i32>} : memref<1000x128xf32, #tpu.memory_space<vmem>>, vector<1000x128xf32>,
    return
  }
  func.func @transform_0(%arg0: i32) -> (i32, i32, i32) {
    %c0_i32 = arith.constant 0 : i32
    %c0_i32_0 = arith.constant 0 : i32
    %c0_i32_1 = arith.constant 0 : i32
    return %c0_i32, %arg0, %c0_i32_0 : i32, i32, i32
  }
  func.func @transform_1(%arg0: i32) -> (i32, i32, i32) {
    %c0_i32 = arith.constant 0 : i32
    %c0_i32_0 = arith.constant 0 : i32
    %c0_i32_1 = arith.constant 0 : i32
    return %c0_i32, %arg0, %c0_i32_0 : i32, i32, i32
  }
  func.func @transform_2(%arg0: i32) -> (i32, i32) {
    %c0_i32 = arith.constant 0 : i32
    %c0_i32_0 = arith.constant 0 : i32
    return %arg0, %c0_i32 : i32, i32
  }
  func.func @transform_3(%arg0: i32) -> (i32, i32) {
    %c0_i32 = arith.constant 0 : i32
    %c0_i32_0 = arith.constant 0 : i32
    %c0_i32_1 = arith.constant 0 : i32
    return %c0_i32, %c0_i32_0 : i32, i32
  }
  func.func @transform_4(%arg0: i32) -> (i32, i32) {
    %c0_i32 = arith.constant 0 : i32
    %c0_i32_0 = arith.constant 0 : i32
    %c0_i32_1 = arith.constant 0 : i32
    return %c0_i32, %c0_i32_0 : i32, i32
  }
  func.func @transform_5(%arg0: i32) -> (i32, i32) {
    %c0_i32 = arith.constant 0 : i32
    %c0_i32_0 = arith.constant 0 : i32
    %c0_i32_1 = arith.constant 0 : i32
    return %c0_i32, %c0_i32_0 : i32, i32
  }
  func.func @transform_6(%arg0: i32) -> (i32, i32) {
    %c0_i32 = arith.constant 0 : i32
    %c0_i32_0 = arith.constant 0 : i32
    return %arg0, %c0_i32 : i32, i32
  }
}

</mosaic_0001>

<sc_bundles>
// kernel: kernel.6.cloned.1.call-start
scs
__scs_entry_jumppad:
0x0: {  	(pc) =	sbr.rel $0x88, $3  }
0x1: {  	(tag) =	ssettag $0x0;
	lr =	simm.s32 $0x1  }
0x2: {  	[smem:$0x3F99] =	sst lr;
	_ =	strace $0xD0000000  }
0x3: {  	_ = 	snop  }
0x4: {  	_ = 	snop  }
0x5: {  	_ = 	snop  }
0x6: {  	_ = 	snop  }
0x7: {  	_ = 	snop  }
__scs_overlays_trampoline_lowered:
0x8: {  	[smem:$0x3FA8] =	sst s0  }
0x9: {  	[smem:$0x3FA9] =	sst s1  }
0xa: {  	[smem:$0x3FAA] =	sst s2  }
0xb: {  	[smem:$0x3FAB] =	sst s3  }
0xc: {  	[smem:$0x3FAC] =	sst s4  }
0xd: {  	[smem:$0x3FAD] =	sst s5  }
0xe: {  	[smem:$0x3FAE] =	sst s6  }
0xf: {  	[smem:$0x3FAF] =	sst s7  }
0x10: {  	[smem:$0x3FB0] =	sst s8  }
0x11: {  	[smem:$0x3FB1] =	sst s9;
	s0 =	simm.s32 @!p0 $0x0  }
0x12: {  	s1 =	sld [smem:$0x3F97];
	s0 =	simm.s32 @p0 $0x1  }
0x13: {  	[smem:$0x3FB2] =	sst s0;
	s0 =	simm.s32 @!p1 $0x0  }
0x14: {  	s2 =	sld [smem:$0x3F96];
	s0 =	simm.s32 @p1 $0x1  }
0x15: {  	[smem:$0x3FB3] =	sst s0;
	s0 =	simm.s32 @!p2 $0x0  }
0x16: {  	s3 =	sld [smem:$0x3FDB];
	s0 =	simm.s32 @p2 $0x1  }
0x17: {  	s4 =	simm.s32 $0x1BF5;
	[smem:$0x3FB5] =	sst s0  }
0x18: {  	s0 =	sld [smem:$0x3F98];
	_ =	swait.ge [sflag:s4], $0x0  }
0x19: {  	s7 =	sld [smem:$0x3F99]  }
0x1a: {  	s8 =	sadd.s32 $0xFFFFE003, lr  }
0x1b: {  	s9 =	sadd.s32 $0xFFFFFEF7, lr;
	s5 =	simm.s32 $0xFFFFFFFF;
	p2 =	slt.u32 s8, $0xFFFFF086  }
0x1c: {  	p1 =	slt.u32 s9, $0xF7A;
	s5 =	simm.s32 @!p2 $0x0  }
0x1d: {  	s5 =	simm.s32 @p1 $0x1;
	p0 =	seq.s32 s7, s2  }
0x1e: {  	s7 =	smul.u32 @!p0 $0xF7A, s2;
	p2 =	seq.s32 @!p0 s5, $0x0  }
0x1f: {  	s9 =	smul.u32 $0xF7A, s1;
	s8 =	simm.s32 @!p0 $0x1BF5;
	p2 =	por !p2, p0  }
0x20: {  	[sflag:s8] =	ssyncset.s32 @!p0 $0xFFFFF086;
	s6 =	sadd.s32 @!p0 s3, s7;
	s7 =	simm.s32 @!p0 $0x108  }
0x21: {  	s3 =	sadd.s32 s3, s9;
	s6 =	sadd.s32 @!p0 $0x88, s6;
	s7 =	simm.s32 @p2 $0x1082  }
0x22: {  	[simem:s7], [sflag:s8] =	dma.local @!p0 [hbm:s6], $0xF7A  }
0x23: {  	s9 =	sor.u32 $0xD0000000, s2;
	s6 =	simm.s32 $0x108;
	_ =	swait.ge @!p0 [sflag:s8], $0x0  }
0x24: {  	s3 =	sadd.s32 $0x88, s3;
	s6 =	simm.s32 @!p1 $0x1082;
	[sflag:s4] =	ssyncset.s32 $0xFFFFF086  }
0x25: {  	[simem:s6], [sflag:s4] =	dma.local [hbm:s3], $0xF7A  }
0x26: {  	[smem:$0x3F99] =	sst s1;
	(tag) =	ssettag s2;
	_ =	strace s9  }
0x27: {  	s1 =	sld [smem:$0x3FA9]  }
0x28: {  	s2 =	sld [smem:$0x3FAA]  }
0x29: {  	s4 =	sld [smem:$0x3FAC]  }
0x2a: {  	p0 =	seq.s32 s5, $0x0;
	s5 =	sld [smem:$0x3FAD]  }
0x2b: {  	s6 =	sld [smem:$0x3FAE]  }
0x2c: {  	s7 =	sld [smem:$0x3FAF]  }
0x2d: {  	s3 =	simm.s32 $0x108;
	s8 =	sld [smem:$0x3FB0]  }
0x2e: {  	s3 =	simm.s32 @!p0 $0x1082;
	s9 =	sld [smem:$0x3FB1]  }
0x2f: {  	lr =	sadd.s32 s0, s3;
	s0 =	sld [smem:$0x3FA8]  }
0x30: {  	s3 =	sld [smem:$0x3FAB]  }
0x31: {  	[smem:$0x3FB4] =	sst s10  }
0x32: {  	s10 =	sld [smem:$0x3FB2];
	_ =	sdelay $0x3  }
0x33: {  	p0 =	seq.s32 s10, $0x1;
	s10 =	sld [smem:$0x3FB4];
	_ =	sdelay $0x3  }
0x34: {  	[smem:$0x3FB4] =	sst s10  }
0x35: {  	s10 =	sld [smem:$0x3FB3];
	_ =	sdelay $0x3  }
0x36: {  	p1 =	seq.s32 s10, $0x1;
	s10 =	sld [smem:$0x3FB4];
	_ =	sdelay $0x3  }
0x37: {  	[smem:$0x3FB4] =	sst s10  }
0x38: {  	s10 =	sld [smem:$0x3FB5]  }
0x39: {  	_ = 	snop;
	(pc) =	sbr.ind lr, $3  }
0x3a: {  	_ = 	snop  }
0x3b: {  	_ = 	snop  }
0x3c: {  	p2 =	seq.s32 s10, $0x1;
	s10 =	sld [smem:$0x3FB4]  }
0x3d: {  	_ =	shalt  }
0x3e: {  	_ =	shalt  }
0x3f: {  	_ =	shalt  }
0x40: {  	_ =	shalt  }
0x41: {  	_ =	shalt  }
0x42: {  	_ =	shalt  }
0x43: {  	_ =	shalt  }
0x44: {  	_ =	shalt  }
0x45: {  	_ =	shalt  }
0x46: {  	_ =	shalt  }
0x47: {  	_ =	shalt  }
0x48: {  	_ =	shalt  }
0x49: {  	_ =	shalt  }
0x4a: {  	_ =	shalt  }
0x4b: {  	_ =	shalt  }
0x4c: {  	_ =	shalt  }
0x4d: {  	_ =	shalt  }
0x4e: {  	_ =	shalt  }
0x4f: {  	_ =	shalt  }
0x50: {  	_ =	shalt  }
0x51: {  	_ =	shalt  }
0x52: {  	_ =	shalt  }
0x53: {  	_ =	shalt  }
0x54: {  	_ =	shalt  }
0x55: {  	_ =	shalt  }
0x56: {  	_ =	shalt  }
0x57: {  	_ =	shalt  }
0x58: {  	_ =	shalt  }
0x59: {  	_ =	shalt  }
0x5a: {  	_ =	shalt  }
0x5b: {  	_ =	shalt  }
0x5c: {  	_ =	shalt  }
0x5d: {  	_ =	shalt  }
0x5e: {  	_ =	shalt  }
0x5f: {  	_ =	shalt  }
0x60: {  	_ =	shalt  }
0x61: {  	_ =	shalt  }
0x62: {  	_ =	shalt  }
0x63: {  	_ =	shalt  }
0x64: {  	_ =	shalt  }
0x65: {  	_ =	shalt  }
0x66: {  	_ =	shalt  }
0x67: {  	_ =	shalt  }
0x68: {  	_ =	shalt  }
0x69: {  	_ =	shalt  }
0x6a: {  	_ =	shalt  }
0x6b: {  	_ =	shalt  }
0x6c: {  	_ =	shalt  }
0x6d: {  	_ =	shalt  }
0x6e: {  	_ =	shalt  }
0x6f: {  	_ =	shalt  }
0x70: {  	_ =	shalt  }
0x71: {  	_ =	shalt  }
0x72: {  	_ =	shalt  }
0x73: {  	_ =	shalt  }
0x74: {  	_ =	shalt  }
0x75: {  	_ =	shalt  }
0x76: {  	_ =	shalt  }
0x77: {  	_ =	shalt  }
0x78: {  	_ =	shalt  }
0x79: {  	_ =	shalt  }
0x7a: {  	_ =	shalt  }
0x7b: {  	_ =	shalt  }
0x7c: {  	_ =	shalt  }
0x7d: {  	_ =	shalt  }
0x7e: {  	_ =	shalt  }
0x7f: {  	_ =	shalt  }
0x80: {  	_ =	shalt  }
0x81: {  	_ =	shalt  }
0x82: {  	_ =	shalt  }
0x83: {  	_ =	shalt  }
0x84: {  	_ =	shalt  }
0x85: {  	_ =	shalt  }
0x86: {  	_ =	shalt  }
0x87: {  	_ =	shalt  }
.Lfunc_end0:
.L_simem_size_0:
called_computation_lowered:
.L_overlay_start_0:
0x88: {  	s2 =	sld [smem:$0x3FD9]  }
0x89: {  	s3 =	sld [smem:$0x3FFE];
	_ =	sdelay $0x1  }
0x8a: {  	s1 =	srdreg.scid  }
0x8b: {  	s0 =	sand.u32 $0x1, s1  }
0x8c: {  	s17 =	sshll.u32 s0, $0xA;
	s2 =	sadd.s32 s3, s2  }
0x8d: {  	s2 =	sadd.s32 s2, s17  }
0x8e: {  	[smem:$0x3FC0] =	sst s2  }
0x8f: {  	_ = 	snop  }
0x90: {  	s2 =	sld [smem:$0x3FC9];
	(tm) =	ssettm $0x1  }
0x91: {  	s18 =	sld [smem:$0x3FFB];
	_ =	sdelay $0x3  }
0x92: {  	_ =	strace s18  }
0x93: {  	s3 =	sld [smem:$0x3FFC];
	_ =	sdelay $0x3  }
0x94: {  	_ =	strace s3  }
0x95: {  	s3 =	sld [smem:$0x3FFD];
	_ =	sdelay $0x3  }
0x96: {  	_ =	strace s3  }
0x97: {  	_ =	strace $0x8FFFFFFF  }
0x98: {  	s19 =	sld [smem:$0x3FDB];
	_ =	sdelay $0x1  }
0x99: {  	s4 =	simm.s32 $_scs_section_size  }
0x9a: {  	s5 =	simm.s32 $_size__tile_overlayer_lowered;
	s6 =	simm.s32 $_tile_overlayer_lowered  }
0x9b: {  	s22 =	simm.s32 $0x1BFF;
	s21 =	sshll.u32 s6, $0x1;
	s3 =	sadd.s32 s4, s19  }
0x9c: {  	s7 =	simm.s32 $0x0;
	s20 =	sshll.u32 s5, $0x1;
	s5 =	sadd.s32 s21, s3  }
0x9d: {  	[timem:s7], [sflag:s22] =	dma.local [hbm:s5], s20  }
0x9e: {  	_ =	swait.ge [sflag:s22], s20  }
0x9f: {  	s4 =	ssub.s32 $0x0, s20;
	[sflag:s22] =	ssyncset.done $0x0  }
0xa0: {  	[sflag:s22] =	ssyncadd.s32 s4;
	_ =	sdelay $0x1  }
0xa1: {  	s23 =	simm.s32 $0x1B8B  }
0xa2: {  	_ =	swait.ge [sflag:s23], $0x1  }
0xa3: {  	[sflag:s23] =	ssyncset.done $0x0  }
0xa4: {  	s25 =	simm.s32 $0x1B8E;
	s24 =	sld [smem:$0x3FFE];
	[sflag:s23] =	ssyncadd.s32 $0xFFFFFFFF  }
0xa5: {  	s26 =	simm.s32 $execute0_lowered;
	[smem:$0x3FD2] =	sst s25  }
0xa6: {  	s5 =	sshll.u32 s26, $0x1;
	_ =	strace $0x80000046;
	[dreg:$0x1] =	wrdreg $0xFFFFFFFF  }
0xa7: {  	s28 =	simm.s32 $_size_execute0_lowered;
	s3 =	sadd.s32 s3, s5;
	[dreg:$0x0] =	wrdreg $0x0  }
0xa8: {  	s5 =	sshll.u32 s28, $0x1;
	[dreg:$0x2] =	wrdreg s3  }
0xa9: {  	[dreg:$0x3] =	wrdreg s5  }
0xaa: {  	[dreg:$0x4] =	wrdreg $0xC0  }
0xab: {  	_ =	task [dreg:s7], $0x5FFFF  }
0xac: {  	[dreg:$0x1] =	wrdreg $0xFFFFFFFF  }
0xad: {  	[dreg:$0x0] =	wrdreg $0x60  }
0xae: {  	[dreg:$0x2] =	wrdreg s2  }
0xaf: {  	[dreg:$0x3] =	wrdreg s24  }
0xb0: {  	[dreg:$0x4] =	wrdreg $0x40000  }
0xb1: {  	[dreg:$0x5] =	wrdreg $0x9  }
0xb2: {  	_ =	task.clear_ibuf [dreg:s7], $0x6FFFF;
	_ =	strace $0x90000046  }
0xb3: {  	s29 =	simm.s32 $0x9;
	_ =	strace $0x80000048  }
0xb4: {  	_ =	swait.ge [sflag:s29], $0x1  }
0xb5: {  	[sflag:s29] =	ssyncadd.s32 $0xFFFFFFFF  }
0xb6: {  	_ =	strace $0x90000048  }
0xb7: {  	_ =	sfence  }
0xb8: {  	s30 =	sld [smem:$0x0];
	_ =	sdelay $0x2  }
0xb9: {  	s31 =	sshll.u32 s1, $0xD;
	s1 =	sshrl.u32 s1, $0x2  }
0xba: {  	s3 =	sand.u32 $0x4000, s31;
	s1 =	sadd.s32 s1, s30  }
0xbb: {  	s0 =	sor.u32 s3, s0;
	s1 =	sshll.u32 s1, $0x11  }
0xbc: {  	s0 =	sor.u32 s1, s0  }
0xbd: {  	s0 =	sadd.s32 $0x8F2B, s0  }
0xbe: {  	[sflag:s0] =	ssyncadd.remote.s32 $0x1  }
0xbf: {  	_ =	sfence.sel $0xFFFF  }
0xc0: {  	[dreg:$0x0] =	wrdreg $0xFFFFFFFF;
	(pc) =	sbr.abs _section_cstart, $3  }
0xc1: {  	[dreg:$0x1] =	wrdreg $0xFFFFFFFF  }
0xc2: {  	_ =	task.clear_ibuf [dreg:s7], $0x2FFFF;
	_ =	strace $0x9FFFFFFF  }
0xc3: {  	(tm) =	ssettm $0x7FFFFFFF  }
tec
execute0_lowered:
.L_overlay_start_1:
0x0: {  	(tag) =	ssettag $0x1  }
0x1: {  	s1 =	rddreg [dreg:$0x0]  }
0x2: {  	s4 =	rddreg [dreg:$0x1]  }
0x3: {  	s3 =	rddreg [dreg:$0x2];
	s31 =	simm.s32 $0x0  }
0x4: {  	s13 =	simm.s32 $0x1C80;
	[smem:$0x7FF] =	sst s31  }
0x5: {  	s14 =	simm.s32 $0x1D00;
	_ =	strace $0x80000047;
	[dreg:$0x5] =	wrdreg s13  }
0x6: {  	s16 =	sadd.s32 $0x2000, s4;
	[dreg:$0x6] =	wrdreg s14  }
0x7: {  	s15 =	simm.s32 $0x1D80;
	[smem:$0x7F0] =	sst s16  }
0x8: {  	s0 =	srdreg.scid;
	s17 =	simm.s32 $0x1E00;
	[dreg:$0x7] =	wrdreg s15  }
0x9: {  	s10 =	stileid.u32;
	s18 =	simm.s32 $0x1E80;
	[dreg:$0x8] =	wrdreg s17  }
0xa: {  	s19 =	simm.s32 $0x1F00;
	s20 =	simm.s32 $0x1F80;
	[dreg:$0x9] =	wrdreg s18  }
0xb: {  	s21 =	simm.s32 $0x2000;
	s22 =	simm.s32 $0x2080;
	[dreg:$0xa] =	wrdreg s19  }
0xc: {  	s24 =	simm.s32 $0x2100;
	s25 =	simm.s32 $0x2180;
	[dreg:$0xb] =	wrdreg s20  }
0xd: {  	s26 =	simm.s32 $0x2200;
	s12 =	simm.s32 $0x2300;
	[dreg:$0xc] =	wrdreg s21  }
0xe: {  	s28 =	simm.s32 $0x4;
	s29 =	simm.s32 $0x5;
	[dreg:$0xd] =	wrdreg s22  }
0xf: {  	s2 =	sand.u32 $0x1, s0;
	s5 =	smul.u32 $0x8C00, s10;
	[dreg:$0xe] =	wrdreg s24  }
0x10: {  	s11 =	sadd.s32 $0x25000, s4;
	s8 =	smul.u32 $0x4E000, s10;
	[dreg:$0xf] =	wrdreg s25  }
0x11: {  	p0 =	sne.s32 s10, $0xF;
	s0 =	smul.u32 $0x8C000, s2;
	[dreg:$0x10] =	wrdreg s26  }
0x12: {  	s6 =	ssub.s32 $0x2, s2;
	s13 =	sadd.s32 $0x138000, s3;
	[dreg:$0x12] =	wrdreg s12  }
0x13: {  	s23 =	sshll.u32 s2, $0x4;
	s14 =	simm.s32 $0x2380;
	[smem:$0x7F1] =	sst s13  }
0x14: {  	s2 =	smul.u32 $0x138800, s2;
	s15 =	simm.s32 $0x2400;
	[dreg:$0x13] =	wrdreg s14  }
0x15: {  	s16 =	smul.u32 $0x13800, s10;
	s17 =	simm.s32 $0x2480;
	[dreg:$0x14] =	wrdreg s15  }
0x16: {  	s18 =	simm.s32 $0x2500;
	s19 =	simm.s32 $0x2580;
	[dreg:$0x15] =	wrdreg s17  }
0x17: {  	s20 =	simm.s32 $0x2600;
	s22 =	simm.s32 $0x2680;
	[dreg:$0x16] =	wrdreg s18  }
0x18: {  	s24 =	simm.s32 $0x2780;
	s25 =	simm.s32 $0x2800;
	[dreg:$0x17] =	wrdreg s19  }
0x19: {  	s12 =	simm.s32 $0x2A80;
	s7 =	sshrl.u32 s6, $0x1;
	[dreg:$0x18] =	wrdreg s20  }
0x1a: {  	s9 =	sor.u32 s10, s23;
	s30 =	sshrl.u32 s8, $0x2;
	[dreg:$0x19] =	wrdreg s22  }
0x1b: {  	s8 =	simm.s32 $0x2280;
	s23 =	simm.s32 $0x2700;
	[dreg:$0x1b] =	wrdreg s24  }
0x1c: {  	[dreg:$0x1c] =	wrdreg s25;
	s15 =	simm.s32 $0x3800;
	s13 =	smov.u32 s11  }
0x1d: {  	[smem:$0x7F9] =	sst s12;
	s25 =	simm.s32 $0x2B00;
	s17 =	simm.s32 $0x1C00  }
0x1e: {  	s18 =	simm.s32 $0x28;
	s19 =	simm.s32 $0x17880;
	s14 =	simm.s32 $0x6  }
0x1f: {  	s20 =	simm.s32 $0x1A080;
	s22 =	simm.s32 $0x1C880;
	[dreg:$0x11] =	wrdreg s8  }
0x20: {  	s24 =	simm.s32 $0x1;
	s0 =	sadd.s32 s5, s0;
	[dreg:$0x1a] =	wrdreg s23  }
0x21: {  	s6 =	ssub.s32 s6, s7;
	s7 =	sadd.s32 s30, s3;
	[smem:$0x7FA] =	sst s25  }
0x22: {  	s9 =	smul.u32 $0x8C00, s9;
	s30 =	simm.s32 $0x2880;
	[smem:$0x7FD] =	sst s13  }
0x23: {  	s8 =	sadd.s32 s16, s2;
	s5 =	simm.s32 $0x2900;
	[dreg:$0x1d] =	wrdreg s30  }
0x24: {  	s2 =	sshrl.u32 s2, $0x3;
	s16 =	simm.s32 $0xB;
	[dreg:$0x1e] =	wrdreg s5  }
0x25: {  	s0 =	sshrl.u32 s0, $0x3;
	s6 =	smax.u32 s6, $0x1;
	[smem:$0x7F2] =	sst s9  }
0x26: {  	s8 =	sshrl.u32 s8, $0x3;
	s30 =	simm.s32 $0x2C00;
	[smem:$0x7F7] =	sst s6  }
0x27: {  	s0 =	sadd.s32 s0, s11;
	s9 =	simm.s32 $0x2A00;
	[smem:$0x7FC] =	sst s30  }
0x28: {  	[dreg:$0x4] =	wrdreg s0;
	s0 =	sadd.s32 $0x48000, s4;
	s4 =	sadd.s32 $0x96200, s4  }
0x29: {  	s2 =	sadd.s32 $0x27000, s2;
	[smem:$0x7F8] =	sst s9;
	s21 =	sadd.s32 s4, s8  }
0x2a: {  	s23 =	simm.s32 $0x1DC80;
	s4 =	sadd.s32 s4, s2;
	[smem:$0x7F3] =	sst s21  }
0x2b: {  	s25 =	simm.s32 $0x2;
	s26 =	sadd.s32 s0, s8;
	[smem:$0x7F4] =	sst s4  }
0x2c: {  	s5 =	simm.s32 $0x8;
	s0 =	sadd.s32 s0, s2;
	[smem:$0x7F5] =	sst s26  }
0x2d: {  	s6 =	simm.s32 $0x9;
	s8 =	simm.s32 $0x2980;
	[smem:$0x7F6] =	sst s0  }
0x2e: {  	s11 =	simm.s32 $0x0;
	s9 =	simm.s32 $0xA;
	[dreg:$0x1f] =	wrdreg s8  }
0x2f: {  	s26 =	simm.s32 $0x2B80;
	s8 =	simm.s32 $0x7;
	s4 =	simm.s32 $0x18C80  }
0x30: {  	v0 =	vimm.f32 $0.0e+00;
	v1 =	vimm.f32 $1.000000000e+00;
	s21 =	simm.s32 $0x1B480;
	[smem:$0x7FB] =	sst s26;
	s26 =	simm.s32 $0x3  }
.LBB2_1:
0x31: {  	s2 =	simm.s32 $0x0;
	s30 =	simm.s32 $0x200  }
.LBB2_2:
0x32: {  	p1 =	sne.s32 s30, $0x1E00;
	[tilespmem:s2+$0x3870] =	vst v0  }
0x33: {  	[tilespmem:s2+$0x3800] =	vst v0  }
0x34: {  	[tilespmem:s2+$0x3810] =	vst v0  }
.Ltmp0:
0x35: {  	[tilespmem:s2+$0x3820] =	vst v0;
	(pc) =	sbr.rel @p1 .LBB2_2-.Ltmp0, $4  }
0x36: {  	[tilespmem:s2+$0x3830] =	vst v0  }
0x37: {  	[tilespmem:s2+$0x3840] =	vst v0  }
0x38: {  	[tilespmem:s2+$0x3850] =	vst v0  }
0x39: {  	[tilespmem:s2+$0x3860] =	vst v0;
	s2 =	sshra.s32 s30, $0x2;
	s30 =	sadd.s32 $0x200, s30  }
0x3a: {  	[tilespmem:s2+$0x3870] =	vst v0  }
0x3b: {  	[tilespmem:s2+$0x3800] =	vst v0  }
0x3c: {  	[tilespmem:s2+$0x3810] =	vst v0  }
0x3d: {  	[tilespmem:s2+$0x3820] =	vst v0  }
0x3e: {  	[tilespmem:s2+$0x3830] =	vst v0  }
0x3f: {  	[tilespmem:s2+$0x3840] =	vst v0  }
0x40: {  	[tilespmem:s2+$0x3850] =	vst v0  }
0x41: {  	[tilespmem:s2+$0x3860] =	vst v0;
	s30 =	sadd.s32 $0x0, s7  }
0x42: {  	[spmem:s30] =	stream.linear.scatter [tilespmem:s15], [sflag:$0xB], $0x800, $0x38;
	[tilespmem:$0x1F080] =	vst v63  }
0x43: {  	s2 =	simm.s32 $0x2000;
	_ =	swait.ge [sflag:s16], $0x800  }
.LBB2_4:
0x44: {  	s30 =	sshra.s32 s2, $0x2;
	[sflag:s16] =	ssyncset.done $0x0;
	p1 =	sne.s32 s2, $0x4C000  }
.Ltmp1:
0x45: {  	s30 =	sadd.s32 s30, s7;
	[sflag:s16] =	ssyncadd.s32 $0xFFFFF800;
	(pc) =	sbr.rel @p1 .LBB2_4-.Ltmp1, $3  }
0x46: {  	[spmem:s30] =	stream.linear.scatter [tilespmem:s15], [sflag:$0xB], $0x800, $0x38;
	[tilespmem:$0x1F080] =	vst v63  }
0x47: {  	s2 =	sadd.s32 $0x2000, s2;
	_ =	sdelay $0x1  }
0x48: {  	_ =	swait.ge [sflag:s16], $0x800  }
0x49: {  	s0 =	sld [smem:$0x7F1]  }
0x4a: {  	[sflag:s16] =	ssyncset.done $0x0  }
0x4b: {  	s2 =	simm.s32 @!p0 $0x3800;
	[sflag:s16] =	ssyncadd.s32 $0xFFFFF800  }
0x4c: {  	[spmem:s0] =	stream.linear.scatter @!p0 [tilespmem:s2], [sflag:$0xB], $0x800, $0x38;
	[tilespmem:$0x1F080] =	vst v63  }
0x4d: {  	[smem:$0x7EF] =	sst s11;
	s2 =	simm.s32 @!p0 $0xB  }
0x4e: {  	_ =	swait.ge @!p0 [sflag:s2], $0x800  }
0x4f: {  	[sflag:s2] =	ssyncset.done @!p0 $0x0  }
0x50: {  	s30 =	simm.s32 $0x3C0;
	[sflag:s2] =	ssyncadd.s32 @!p0 $0xFFFFF800;
	s2 =	simm.s32 $0x70  }
.LBB2_6:
0x51: {  	p1 =	sne.s32 s30, $0x4FC0;
	[tilespmem:s2+$0x17880] =	vst v1  }
0x52: {  	[tilespmem:s2+$0x17810] =	vst v1  }
0x53: {  	[tilespmem:s2+$0x17820] =	vst v1  }
.Ltmp2:
0x54: {  	[tilespmem:s2+$0x17830] =	vst v1;
	(pc) =	sbr.rel @p1 .LBB2_6-.Ltmp2, $4  }
0x55: {  	[tilespmem:s2+$0x17840] =	vst v1  }
0x56: {  	[tilespmem:s2+$0x17850] =	vst v1  }
0x57: {  	[tilespmem:s2+$0x17860] =	vst v1  }
0x58: {  	[tilespmem:s2+$0x17870] =	vst v1;
	s2 =	sshra.s32 s30, $0x2;
	s30 =	sadd.s32 $0x200, s30  }
0x59: {  	[tilespmem:s2+$0x17880] =	vst v1  }
0x5a: {  	[tilespmem:s2+$0x17810] =	vst v1  }
0x5b: {  	[tilespmem:s2+$0x17820] =	vst v1  }
0x5c: {  	[tilespmem:s2+$0x17830] =	vst v1  }
0x5d: {  	[tilespmem:s2+$0x17840] =	vst v1  }
0x5e: {  	[tilespmem:s2+$0x17850] =	vst v1  }
0x5f: {  	[tilespmem:s2+$0x17860] =	vst v1  }
0x60: {  	[tilespmem:s2+$0x17870] =	vst v1  }
0x61: {  	[bflag:$0x0] =	sbarrier.arrive $0xFFFF  }
0x62: {  	s13 =	rddreg [dreg:$0x4]  }
0x63: {  	s2 =	sadd.s32 $0x0, s13  }
0x64: {  	[tilespmem:s17], [sflag:$0xB] =	stream.linear.gather [hbm4b:s2+s31], $0x1900, $0x38;
	[tilespmem:$0x1F080] =	vst v63  }
0x65: {  	_ =	swait.ge [sflag:s16], $0x1900  }
0x66: {  	[sflag:s16] =	ssyncset.done $0x0  }
0x67: {  	s0 =	rddreg [dreg:$0x5];
	[sflag:s16] =	ssyncadd.s32 $0xFFFFE700  }
0x68: {  	[spmem:s3] =	stream.indirect.scatter.add.f32 [tilespmem:s19], [sflag:$0x6], $0x80, s17, s18, $0xb8;
	[tilespmem:$0x1F080] =	vst v63  }
0x69: {  	s30 =	rddreg [dreg:$0x6]  }
0x6a: {  	[spmem:s3] =	stream.indirect.scatter.add.f32 [tilespmem:s19], [sflag:$0x7], $0x80, s0, s18, $0xb8;
	[tilespmem:$0x1F080] =	vst v63  }
0x6b: {  	s10 =	rddreg [dreg:$0x7]  }
0x6c: {  	[spmem:s3] =	stream.indirect.scatter.add.f32 [tilespmem:s19], [sflag:$0x8], $0x80, s30, s18, $0xb8;
	[tilespmem:$0x1F080] =	vst v63  }
0x6d: {  	s11 =	rddreg [dreg:$0x9]  }
0x6e: {  	[spmem:s3] =	stream.indirect.scatter.add.f32 [tilespmem:s19], [sflag:$0x9], $0x80, s10, s18, $0xb8;
	[tilespmem:$0x1F080] =	vst v63  }
0x6f: {  	s30 =	rddreg [dreg:$0x8]  }
0x70: {  	[spmem:s3] =	stream.indirect.scatter.add.f32 [tilespmem:s19], [sflag:$0xA], $0x80, s30, s18, $0xb8;
	[tilespmem:$0x1F080] =	vst v63  }
0x71: {  	s12 =	rddreg [dreg:$0xb]  }
0x72: {  	[spmem:s3] =	stream.indirect.scatter.add.f32 [tilespmem:s19], [sflag:$0x6], $0x80, s11, s18, $0xb8;
	[tilespmem:$0x1F080] =	vst v63  }
0x73: {  	s30 =	rddreg [dreg:$0xa]  }
0x74: {  	[spmem:s3] =	stream.indirect.scatter.add.f32 [tilespmem:s19], [sflag:$0x7], $0x80, s30, s18, $0xb8;
	[tilespmem:$0x1F080] =	vst v63  }
0x75: {  	s13 =	rddreg [dreg:$0xd]  }
0x76: {  	[spmem:s3] =	stream.indirect.scatter.add.f32 [tilespmem:s19], [sflag:$0x8], $0x80, s12, s18, $0xb8;
	[tilespmem:$0x1F080] =	vst v63  }
0x77: {  	s30 =	rddreg [dreg:$0xc]  }
0x78: {  	[spmem:s3] =	stream.indirect.scatter.add.f32 [tilespmem:s19], [sflag:$0x9], $0x80, s30, s18, $0xb8;
	[tilespmem:$0x1F080] =	vst v63  }
0x79: {  	s0 =	rddreg [dreg:$0xf]  }
0x7a: {  	[spmem:s3] =	stream.indirect.scatter.add.f32 [tilespmem:s19], [sflag:$0xA], $0x80, s13, s18, $0xb8;
	[tilespmem:$0x1F080] =	vst v63  }
0x7b: {  	s30 =	rddreg [dreg:$0xe]  }
0x7c: {  	[spmem:s3] =	stream.indirect.scatter.add.f32 [tilespmem:s19], [sflag:$0x6], $0x80, s30, s18, $0xb8;
	[tilespmem:$0x1F080] =	vst v63  }
0x7d: {  	s10 =	rddreg [dreg:$0x11]  }
0x7e: {  	[spmem:s3] =	stream.indirect.scatter.add.f32 [tilespmem:s19], [sflag:$0x7], $0x80, s0, s18, $0xb8;
	[tilespmem:$0x1F080] =	vst v63  }
0x7f: {  	s30 =	rddreg [dreg:$0x10]  }
0x80: {  	[spmem:s3] =	stream.indirect.scatter.add.f32 [tilespmem:s19], [sflag:$0x8], $0x80, s30, s18, $0xb8;
	[tilespmem:$0x1F080] =	vst v63  }
0x81: {  	s11 =	rddreg [dreg:$0x13]  }
0x82: {  	[spmem:s3] =	stream.indirect.scatter.add.f32 [tilespmem:s19], [sflag:$0x9], $0x80, s10, s18, $0xb8;
	[tilespmem:$0x1F080] =	vst v63  }
0x83: {  	s30 =	rddreg [dreg:$0x12]  }
0x84: {  	[spmem:s3] =	stream.indirect.scatter.add.f32 [tilespmem:s19], [sflag:$0xA], $0x80, s30, s18, $0xb8;
	[tilespmem:$0x1F080] =	vst v63  }
0x85: {  	s12 =	rddreg [dreg:$0x15]  }
0x86: {  	[spmem:s3] =	stream.indirect.scatter.add.f32 [tilespmem:s19], [sflag:$0x6], $0x80, s11, s18, $0xb8;
	[tilespmem:$0x1F080] =	vst v63  }
0x87: {  	s30 =	rddreg [dreg:$0x14]  }
0x88: {  	[spmem:s3] =	stream.indirect.scatter.add.f32 [tilespmem:s19], [sflag:$0x7], $0x80, s30, s18, $0xb8;
	[tilespmem:$0x1F080] =	vst v63  }
0x89: {  	s13 =	rddreg [dreg:$0x17]  }
0x8a: {  	[spmem:s3] =	stream.indirect.scatter.add.f32 [tilespmem:s19], [sflag:$0x8], $0x80, s12, s18, $0xb8;
	[tilespmem:$0x1F080] =	vst v63  }
0x8b: {  	s30 =	rddreg [dreg:$0x16]  }
0x8c: {  	[spmem:s3] =	stream.indirect.scatter.add.f32 [tilespmem:s19], [sflag:$0x9], $0x80, s30, s18, $0xb8;
	[tilespmem:$0x1F080] =	vst v63  }
0x8d: {  	s0 =	rddreg [dreg:$0x19]  }
0x8e: {  	[spmem:s3] =	stream.indirect.scatter.add.f32 [tilespmem:s19], [sflag:$0xA], $0x80, s13, s18, $0xb8;
	[tilespmem:$0x1F080] =	vst v63  }
0x8f: {  	s30 =	rddreg [dreg:$0x18]  }
0x90: {  	[spmem:s3] =	stream.indirect.scatter.add.f32 [tilespmem:s19], [sflag:$0x6], $0x80, s30, s18, $0xb8;
	[tilespmem:$0x1F080] =	vst v63  }
0x91: {  	s10 =	rddreg [dreg:$0x1b]  }
0x92: {  	[spmem:s3] =	stream.indirect.scatter.add.f32 [tilespmem:s19], [sflag:$0x7], $0x80, s0, s18, $0xb8;
	[tilespmem:$0x1F080] =	vst v63  }
0x93: {  	s30 =	rddreg [dreg:$0x1a]  }
0x94: {  	[spmem:s3] =	stream.indirect.scatter.add.f32 [tilespmem:s19], [sflag:$0x8], $0x80, s30, s18, $0xb8;
	[tilespmem:$0x1F080] =	vst v63  }
0x95: {  	s11 =	rddreg [dreg:$0x1d]  }
0x96: {  	[spmem:s3] =	stream.indirect.scatter.add.f32 [tilespmem:s19], [sflag:$0x9], $0x80, s10, s18, $0xb8;
	[tilespmem:$0x1F080] =	vst v63  }
0x97: {  	s30 =	rddreg [dreg:$0x1c]  }
0x98: {  	[spmem:s3] =	stream.indirect.scatter.add.f32 [tilespmem:s19], [sflag:$0xA], $0x80, s30, s18, $0xb8;
	[tilespmem:$0x1F080] =	vst v63  }
0x99: {  	s12 =	rddreg [dreg:$0x1f]  }
0x9a: {  	[spmem:s3] =	stream.indirect.scatter.add.f32 [tilespmem:s19], [sflag:$0x6], $0x80, s11, s18, $0xb8;
	[tilespmem:$0x1F080] =	vst v63  }
0x9b: {  	s30 =	rddreg [dreg:$0x1e]  }
0x9c: {  	[spmem:s3] =	stream.indirect.scatter.add.f32 [tilespmem:s19], [sflag:$0x7], $0x80, s30, s18, $0xb8;
	[tilespmem:$0x1F080] =	vst v63  }
0x9d: {  	s30 =	sld [smem:$0x7F8]  }
0x9e: {  	[spmem:s3] =	stream.indirect.scatter.add.f32 [tilespmem:s19], [sflag:$0x8], $0x80, s12, s18, $0xb8;
	[tilespmem:$0x1F080] =	vst v63  }
0x9f: {  	s13 =	sld [smem:$0x7F9]  }
0xa0: {  	[spmem:s3] =	stream.indirect.scatter.add.f32 [tilespmem:s19], [sflag:$0x9], $0x80, s30, s18, $0xb8;
	[tilespmem:$0x1F080] =	vst v63  }
0xa1: {  	s30 =	sld [smem:$0x7FA]  }
0xa2: {  	[spmem:s3] =	stream.indirect.scatter.add.f32 [tilespmem:s19], [sflag:$0xA], $0x80, s13, s18, $0xb8;
	[tilespmem:$0x1F080] =	vst v63  }
0xa3: {  	s0 =	sld [smem:$0x7FB]  }
0xa4: {  	[spmem:s3] =	stream.indirect.scatter.add.f32 [tilespmem:s19], [sflag:$0x6], $0x80, s30, s18, $0xb8;
	[tilespmem:$0x1F080] =	vst v63  }
0xa5: {  	s30 =	sld [smem:$0x7FC]  }
0xa6: {  	[spmem:s3] =	stream.indirect.scatter.add.f32 [tilespmem:s19], [sflag:$0x7], $0x80, s0, s18, $0xb8;
	[tilespmem:$0x1F080] =	vst v63  }
0xa7: {  	_ = 	snop  }
0xa8: {  	[spmem:s3] =	stream.indirect.scatter.add.f32 [tilespmem:s19], [sflag:$0x8], $0x80, s30, s18, $0xb8;
	[tilespmem:$0x1F080] =	vst v63  }
0xa9: {  	s11 =	simm.s32 $0x2C80  }
0xaa: {  	[spmem:s3] =	stream.indirect.scatter.add.f32 [tilespmem:s19], [sflag:$0x9], $0x80, s11, s18, $0xb8;
	[tilespmem:$0x1F080] =	vst v63  }
0xab: {  	s12 =	simm.s32 $0x2D00  }
0xac: {  	[spmem:s3] =	stream.indirect.scatter.add.f32 [tilespmem:s19], [sflag:$0xA], $0x80, s12, s18, $0xb8;
	[tilespmem:$0x1F080] =	vst v63  }
0xad: {  	s13 =	simm.s32 $0x2D80  }
0xae: {  	[spmem:s3] =	stream.indirect.scatter.add.f32 [tilespmem:s19], [sflag:$0x6], $0x80, s13, s18, $0xb8;
	[tilespmem:$0x1F080] =	vst v63  }
0xaf: {  	s0 =	simm.s32 $0x2E00  }
0xb0: {  	[spmem:s3] =	stream.indirect.scatter.add.f32 [tilespmem:s19], [sflag:$0x7], $0x80, s0, s18, $0xb8;
	[tilespmem:$0x1F080] =	vst v63  }
0xb1: {  	s10 =	simm.s32 $0x2E80  }
0xb2: {  	[spmem:s3] =	stream.indirect.scatter.add.f32 [tilespmem:s19], [sflag:$0x8], $0x80, s10, s18, $0xb8;
	[tilespmem:$0x1F080] =	vst v63  }
0xb3: {  	s2 =	simm.s32 $0x2F00  }
0xb4: {  	[spmem:s3] =	stream.indirect.scatter.add.f32 [tilespmem:s19], [sflag:$0x9], $0x80, s2, s18, $0xb8;
	[tilespmem:$0x1F080] =	vst v63  }
0xb5: {  	s10 =	simm.s32 $0x2F80  }
0xb6: {  	[spmem:s3] =	stream.indirect.scatter.add.f32 [tilespmem:s19], [sflag:$0xA], $0x80, s10, s18, $0xb8;
	[tilespmem:$0x1F080] =	vst v63  }
0xb7: {  	s2 =	simm.s32 $0x3000  }
0xb8: {  	[spmem:s3] =	stream.indirect.scatter.add.f32 [tilespmem:s19], [sflag:$0x6], $0x80, s2, s18, $0xb8;
	[tilespmem:$0x1F080] =	vst v63  }
0xb9: {  	s10 =	simm.s32 $0x3080  }
0xba: {  	[spmem:s3] =	stream.indirect.scatter.add.f32 [tilespmem:s19], [sflag:$0x7], $0x80, s10, s18, $0xb8;
	[tilespmem:$0x1F080] =	vst v63  }
0xbb: {  	s2 =	simm.s32 $0x3100  }
0xbc: {  	[spmem:s3] =	stream.indirect.scatter.add.f32 [tilespmem:s19], [sflag:$0x8], $0x80, s2, s18, $0xb8;
	[tilespmem:$0x1F080] =	vst v63  }
0xbd: {  	s10 =	simm.s32 $0x3180  }
0xbe: {  	[spmem:s3] =	stream.indirect.scatter.add.f32 [tilespmem:s19], [sflag:$0x9], $0x80, s10, s18, $0xb8;
	[tilespmem:$0x1F080] =	vst v63  }
0xbf: {  	s2 =	simm.s32 $0x3200  }
0xc0: {  	[spmem:s3] =	stream.indirect.scatter.add.f32 [tilespmem:s19], [sflag:$0xA], $0x80, s2, s18, $0xb8;
	[tilespmem:$0x1F080] =	vst v63  }
0xc1: {  	s10 =	simm.s32 $0x3280  }
0xc2: {  	[spmem:s3] =	stream.indirect.scatter.add.f32 [tilespmem:s19], [sflag:$0x6], $0x80, s10, s18, $0xb8;
	[tilespmem:$0x1F080] =	vst v63  }
0xc3: {  	s2 =	simm.s32 $0x3300  }
0xc4: {  	[spmem:s3] =	stream.indirect.scatter.add.f32 [tilespmem:s19], [sflag:$0x7], $0x80, s2, s18, $0xb8;
	[tilespmem:$0x1F080] =	vst v63  }
0xc5: {  	s10 =	simm.s32 $0x3380  }
0xc6: {  	[spmem:s3] =	stream.indirect.scatter.add.f32 [tilespmem:s19], [sflag:$0x8], $0x80, s10, s18, $0xb8;
	[tilespmem:$0x1F080] =	vst v63  }
0xc7: {  	s2 =	simm.s32 $0x3400  }
0xc8: {  	[spmem:s3] =	stream.indirect.scatter.add.f32 [tilespmem:s19], [sflag:$0x9], $0x80, s2, s18, $0xb8;
	[tilespmem:$0x1F080] =	vst v63  }
0xc9: {  	s10 =	simm.s32 $0x3480  }
0xca: {  	[spmem:s3] =	stream.indirect.scatter.add.f32 [tilespmem:s19], [sflag:$0xA], $0x80, s10, s18, $0xb8;
	[tilespmem:$0x1F080] =	vst v63  }
0xcb: {  	_ =	swait.ge [sflag:s14], $0x1400  }
0xcc: {  	[sflag:s14] =	ssyncset.done $0x0  }
0xcd: {  	[sflag:s14] =	ssyncadd.s32 $0xFFFFEC00  }
0xce: {  	_ =	swait.ge [sflag:s14], $0x1400  }
0xcf: {  	[sflag:s14] =	ssyncset.done $0x0  }
0xd0: {  	[sflag:s14] =	ssyncadd.s32 $0xFFFFEC00  }
0xd1: {  	_ =	swait.ge [sflag:s14], $0x1400  }
0xd2: {  	[sflag:s14] =	ssyncset.done $0x0  }
0xd3: {  	[sflag:s14] =	ssyncadd.s32 $0xFFFFEC00  }
0xd4: {  	_ =	swait.ge [sflag:s14], $0x1400  }
0xd5: {  	[sflag:s14] =	ssyncset.done $0x0  }
0xd6: {  	[sflag:s14] =	ssyncadd.s32 $0xFFFFEC00  }
0xd7: {  	_ =	swait.ge [sflag:s14], $0x1400  }
0xd8: {  	[sflag:s14] =	ssyncset.done $0x0  }
0xd9: {  	[sflag:s14] =	ssyncadd.s32 $0xFFFFEC00  }
0xda: {  	_ =	swait.ge [sflag:s14], $0x1400  }
0xdb: {  	[sflag:s14] =	ssyncset.done $0x0  }
0xdc: {  	[sflag:s14] =	ssyncadd.s32 $0xFFFFEC00  }
0xdd: {  	_ =	swait.ge [sflag:s14], $0x1400  }
0xde: {  	[sflag:s14] =	ssyncset.done $0x0  }
0xdf: {  	[sflag:s14] =	ssyncadd.s32 $0xFFFFEC00  }
0xe0: {  	_ =	swait.ge [sflag:s14], $0x1400  }
0xe1: {  	[sflag:s14] =	ssyncset.done $0x0  }
0xe2: {  	[sflag:s14] =	ssyncadd.s32 $0xFFFFEC00  }
0xe3: {  	_ =	swait.ge [sflag:s14], $0x1400  }
0xe4: {  	[sflag:s14] =	ssyncset.done $0x0  }
0xe5: {  	[sflag:s14] =	ssyncadd.s32 $0xFFFFEC00  }
0xe6: {  	_ =	swait.ge [sflag:s14], $0x1400  }
0xe7: {  	[sflag:s14] =	ssyncset.done $0x0  }
0xe8: {  	[sflag:s14] =	ssyncadd.s32 $0xFFFFEC00  }
0xe9: {  	_ =	swait.ge [sflag:s8], $0x1400  }
0xea: {  	[sflag:s8] =	ssyncset.done $0x0  }
0xeb: {  	[sflag:s8] =	ssyncadd.s32 $0xFFFFEC00  }
0xec: {  	_ =	swait.ge [sflag:s8], $0x1400  }
0xed: {  	[sflag:s8] =	ssyncset.done $0x0  }
0xee: {  	[sflag:s8] =	ssyncadd.s32 $0xFFFFEC00  }
0xef: {  	_ =	swait.ge [sflag:s8], $0x1400  }
0xf0: {  	[sflag:s8] =	ssyncset.done $0x0  }
0xf1: {  	[sflag:s8] =	ssyncadd.s32 $0xFFFFEC00  }
0xf2: {  	_ =	swait.ge [sflag:s8], $0x1400  }
0xf3: {  	[sflag:s8] =	ssyncset.done $0x0  }
0xf4: {  	[sflag:s8] =	ssyncadd.s32 $0xFFFFEC00  }
0xf5: {  	_ =	swait.ge [sflag:s8], $0x1400  }
0xf6: {  	[sflag:s8] =	ssyncset.done $0x0  }
0xf7: {  	[sflag:s8] =	ssyncadd.s32 $0xFFFFEC00  }
0xf8: {  	_ =	swait.ge [sflag:s8], $0x1400  }
0xf9: {  	[sflag:s8] =	ssyncset.done $0x0  }
0xfa: {  	[sflag:s8] =	ssyncadd.s32 $0xFFFFEC00  }
0xfb: {  	_ =	swait.ge [sflag:s8], $0x1400  }
0xfc: {  	[sflag:s8] =	ssyncset.done $0x0  }
0xfd: {  	[sflag:s8] =	ssyncadd.s32 $0xFFFFEC00  }
0xfe: {  	_ =	swait.ge [sflag:s8], $0x1400  }
0xff: {  	[sflag:s8] =	ssyncset.done $0x0  }
0x100: {  	[sflag:s8] =	ssyncadd.s32 $0xFFFFEC00  }
0x101: {  	_ =	swait.ge [sflag:s8], $0x1400  }
0x102: {  	[sflag:s8] =	ssyncset.done $0x0  }
0x103: {  	[sflag:s8] =	ssyncadd.s32 $0xFFFFEC00  }
0x104: {  	_ =	swait.ge [sflag:s8], $0x1400  }
0x105: {  	[sflag:s8] =	ssyncset.done $0x0  }
0x106: {  	[sflag:s8] =	ssyncadd.s32 $0xFFFFEC00  }
0x107: {  	_ =	swait.ge [sflag:s5], $0x1400  }
0x108: {  	[sflag:s5] =	ssyncset.done $0x0  }
0x109: {  	[sflag:s5] =	ssyncadd.s32 $0xFFFFEC00  }
0x10a: {  	_ =	swait.ge [sflag:s5], $0x1400  }
0x10b: {  	[sflag:s5] =	ssyncset.done $0x0  }
0x10c: {  	[sflag:s5] =	ssyncadd.s32 $0xFFFFEC00  }
0x10d: {  	_ =	swait.ge [sflag:s5], $0x1400  }
0x10e: {  	[sflag:s5] =	ssyncset.done $0x0  }
0x10f: {  	[sflag:s5] =	ssyncadd.s32 $0xFFFFEC00  }
0x110: {  	_ =	swait.ge [sflag:s5], $0x1400  }
0x111: {  	[sflag:s5] =	ssyncset.done $0x0  }
0x112: {  	[sflag:s5] =	ssyncadd.s32 $0xFFFFEC00  }
0x113: {  	_ =	swait.ge [sflag:s5], $0x1400  }
0x114: {  	[sflag:s5] =	ssyncset.done $0x0  }
0x115: {  	[sflag:s5] =	ssyncadd.s32 $0xFFFFEC00  }
0x116: {  	_ =	swait.ge [sflag:s5], $0x1400  }
0x117: {  	[sflag:s5] =	ssyncset.done $0x0  }
0x118: {  	[sflag:s5] =	ssyncadd.s32 $0xFFFFEC00  }
0x119: {  	_ =	swait.ge [sflag:s5], $0x1400  }
0x11a: {  	[sflag:s5] =	ssyncset.done $0x0  }
0x11b: {  	[sflag:s5] =	ssyncadd.s32 $0xFFFFEC00  }
0x11c: {  	_ =	swait.ge [sflag:s5], $0x1400  }
0x11d: {  	[sflag:s5] =	ssyncset.done $0x0  }
0x11e: {  	[sflag:s5] =	ssyncadd.s32 $0xFFFFEC00  }
0x11f: {  	_ =	swait.ge [sflag:s5], $0x1400  }
0x120: {  	[sflag:s5] =	ssyncset.done $0x0  }
0x121: {  	[sflag:s5] =	ssyncadd.s32 $0xFFFFEC00  }
0x122: {  	_ =	swait.ge [sflag:s5], $0x1400  }
0x123: {  	[sflag:s5] =	ssyncset.done $0x0  }
0x124: {  	[sflag:s5] =	ssyncadd.s32 $0xFFFFEC00  }
0x125: {  	_ =	swait.ge [sflag:s6], $0x1400  }
0x126: {  	[sflag:s6] =	ssyncset.done $0x0  }
0x127: {  	[sflag:s6] =	ssyncadd.s32 $0xFFFFEC00  }
0x128: {  	_ =	swait.ge [sflag:s6], $0x1400  }
0x129: {  	[sflag:s6] =	ssyncset.done $0x0  }
0x12a: {  	[sflag:s6] =	ssyncadd.s32 $0xFFFFEC00  }
0x12b: {  	_ =	swait.ge [sflag:s6], $0x1400  }
0x12c: {  	[sflag:s6] =	ssyncset.done $0x0  }
0x12d: {  	[sflag:s6] =	ssyncadd.s32 $0xFFFFEC00  }
0x12e: {  	_ =	swait.ge [sflag:s6], $0x1400  }
0x12f: {  	[sflag:s6] =	ssyncset.done $0x0  }
0x130: {  	[sflag:s6] =	ssyncadd.s32 $0xFFFFEC00  }
0x131: {  	_ =	swait.ge [sflag:s6], $0x1400  }
0x132: {  	[sflag:s6] =	ssyncset.done $0x0  }
0x133: {  	[sflag:s6] =	ssyncadd.s32 $0xFFFFEC00  }
0x134: {  	_ =	swait.ge [sflag:s6], $0x1400  }
0x135: {  	[sflag:s6] =	ssyncset.done $0x0  }
0x136: {  	[sflag:s6] =	ssyncadd.s32 $0xFFFFEC00  }
0x137: {  	_ =	swait.ge [sflag:s6], $0x1400  }
0x138: {  	[sflag:s6] =	ssyncset.done $0x0  }
0x139: {  	[sflag:s6] =	ssyncadd.s32 $0xFFFFEC00  }
0x13a: {  	_ =	swait.ge [sflag:s6], $0x1400  }
0x13b: {  	[sflag:s6] =	ssyncset.done $0x0  }
0x13c: {  	[sflag:s6] =	ssyncadd.s32 $0xFFFFEC00  }
0x13d: {  	_ =	swait.ge [sflag:s6], $0x1400  }
0x13e: {  	[sflag:s6] =	ssyncset.done $0x0  }
0x13f: {  	[sflag:s6] =	ssyncadd.s32 $0xFFFFEC00  }
0x140: {  	_ =	swait.ge [sflag:s6], $0x1400  }
0x141: {  	[sflag:s6] =	ssyncset.done $0x0  }
0x142: {  	[sflag:s6] =	ssyncadd.s32 $0xFFFFEC00  }
0x143: {  	_ =	swait.ge [sflag:s9], $0x1400  }
0x144: {  	[sflag:s9] =	ssyncset.done $0x0  }
0x145: {  	[sflag:s9] =	ssyncadd.s32 $0xFFFFEC00  }
0x146: {  	_ =	swait.ge [sflag:s9], $0x1400  }
0x147: {  	[sflag:s9] =	ssyncset.done $0x0  }
0x148: {  	[sflag:s9] =	ssyncadd.s32 $0xFFFFEC00  }
0x149: {  	_ =	swait.ge [sflag:s9], $0x1400  }
0x14a: {  	[sflag:s9] =	ssyncset.done $0x0  }
0x14b: {  	[sflag:s9] =	ssyncadd.s32 $0xFFFFEC00  }
0x14c: {  	_ =	swait.ge [sflag:s9], $0x1400  }
0x14d: {  	[sflag:s9] =	ssyncset.done $0x0  }
0x14e: {  	[sflag:s9] =	ssyncadd.s32 $0xFFFFEC00  }
0x14f: {  	_ =	swait.ge [sflag:s9], $0x1400  }
0x150: {  	[sflag:s9] =	ssyncset.done $0x0  }
0x151: {  	[sflag:s9] =	ssyncadd.s32 $0xFFFFEC00  }
0x152: {  	_ =	swait.ge [sflag:s9], $0x1400  }
0x153: {  	[sflag:s9] =	ssyncset.done $0x0  }
0x154: {  	[sflag:s9] =	ssyncadd.s32 $0xFFFFEC00  }
0x155: {  	_ =	swait.ge [sflag:s9], $0x1400  }
0x156: {  	[sflag:s9] =	ssyncset.done $0x0  }
0x157: {  	[sflag:s9] =	ssyncadd.s32 $0xFFFFEC00  }
0x158: {  	_ =	swait.ge [sflag:s9], $0x1400  }
0x159: {  	[sflag:s9] =	ssyncset.done $0x0  }
0x15a: {  	[sflag:s9] =	ssyncadd.s32 $0xFFFFEC00  }
0x15b: {  	_ =	swait.ge [sflag:s9], $0x1400  }
0x15c: {  	[sflag:s9] =	ssyncset.done $0x0  }
0x15d: {  	[sflag:s9] =	ssyncadd.s32 $0xFFFFEC00  }
0x15e: {  	s31 =	simm.s32 $0x700;
	s30 =	simm.s32 $0x380;
	_ =	swait.ge [sflag:s9], $0x1400  }
0x15f: {  	s10 =	simm.s32 $0x0;
	s2 =	rddreg [dreg:$0x4];
	[sflag:s9] =	ssyncset.done $0x0  }
.LBB2_8:
0x160: {  	[sflag:s9] =	ssyncadd.s32 $0xFFFFEC00;
	s2 =	sadd.s32 s30, s2  }
0x161: {  	[tilespmem:s17], [sflag:$0xB] =	stream.linear.gather [hbm4b:s2+s10], $0x1900, $0x38;
	[tilespmem:$0x1F080] =	vst v63  }
0x162: {  	_ =	swait.ge [sflag:s16], $0x1900  }
0x163: {  	s0 =	smov.u32 s31;
	[sflag:s16] =	ssyncset.done $0x0  }
0x164: {  	s30 =	smov.u32 s0;
	s0 =	rddreg [dreg:$0x5];
	[sflag:s16] =	ssyncadd.s32 $0xFFFFE700  }
0x165: {  	[spmem:s3] =	stream.indirect.scatter.add.f32 [tilespmem:s19], [sflag:$0x6], $0x80, s17, s18, $0xb8;
	[tilespmem:$0x1F080] =	vst v63  }
0x166: {  	s2 =	rddreg [dreg:$0x6]  }
0x167: {  	[spmem:s3] =	stream.indirect.scatter.add.f32 [tilespmem:s19], [sflag:$0x7], $0x80, s0, s18, $0xb8;
	[tilespmem:$0x1F080] =	vst v63  }
0x168: {  	s0 =	rddreg [dreg:$0x7]  }
0x169: {  	[spmem:s3] =	stream.indirect.scatter.add.f32 [tilespmem:s19], [sflag:$0x8], $0x80, s2, s18, $0xb8;
	[tilespmem:$0x1F080] =	vst v63  }
0x16a: {  	s2 =	rddreg [dreg:$0x8]  }
0x16b: {  	[spmem:s3] =	stream.indirect.scatter.add.f32 [tilespmem:s19], [sflag:$0x9], $0x80, s0, s18, $0xb8;
	[tilespmem:$0x1F080] =	vst v63  }
0x16c: {  	s0 =	rddreg [dreg:$0x9]  }
0x16d: {  	[spmem:s3] =	stream.indirect.scatter.add.f32 [tilespmem:s19], [sflag:$0xA], $0x80, s2, s18, $0xb8;
	[tilespmem:$0x1F080] =	vst v63  }
0x16e: {  	s2 =	rddreg [dreg:$0xa]  }
0x16f: {  	[spmem:s3] =	stream.indirect.scatter.add.f32 [tilespmem:s19], [sflag:$0x6], $0x80, s0, s18, $0xb8;
	[tilespmem:$0x1F080] =	vst v63  }
0x170: {  	s0 =	rddreg [dreg:$0xb]  }
0x171: {  	[spmem:s3] =	stream.indirect.scatter.add.f32 [tilespmem:s19], [sflag:$0x7], $0x80, s2, s18, $0xb8;
	[tilespmem:$0x1F080] =	vst v63  }
0x172: {  	s2 =	rddreg [dreg:$0xc]  }
0x173: {  	[spmem:s3] =	stream.indirect.scatter.add.f32 [tilespmem:s19], [sflag:$0x8], $0x80, s0, s18, $0xb8;
	[tilespmem:$0x1F080] =	vst v63  }
0x174: {  	s0 =	rddreg [dreg:$0xd]  }
0x175: {  	[spmem:s3] =	stream.indirect.scatter.add.f32 [tilespmem:s19], [sflag:$0x9], $0x80, s2, s18, $0xb8;
	[tilespmem:$0x1F080] =	vst v63  }
0x176: {  	s2 =	rddreg [dreg:$0xe]  }
0x177: {  	[spmem:s3] =	stream.indirect.scatter.add.f32 [tilespmem:s19], [sflag:$0xA], $0x80, s0, s18, $0xb8;
	[tilespmem:$0x1F080] =	vst v63  }
0x178: {  	s0 =	rddreg [dreg:$0xf]  }
0x179: {  	[spmem:s3] =	stream.indirect.scatter.add.f32 [tilespmem:s19], [sflag:$0x6], $0x80, s2, s18, $0xb8;
	[tilespmem:$0x1F080] =	vst v63  }
0x17a: {  	s2 =	rddreg [dreg:$0x10]  }
0x17b: {  	[spmem:s3] =	stream.indirect.scatter.add.f32 [tilespmem:s19], [sflag:$0x7], $0x80, s0, s18, $0xb8;
	[tilespmem:$0x1F080] =	vst v63  }
0x17c: {  	s0 =	rddreg [dreg:$0x11]  }
0x17d: {  	[spmem:s3] =	stream.indirect.scatter.add.f32 [tilespmem:s19], [sflag:$0x8], $0x80, s2, s18, $0xb8;
	[tilespmem:$0x1F080] =	vst v63  }
0x17e: {  	s2 =	rddreg [dreg:$0x12]  }
0x17f: {  	[spmem:s3] =	stream.indirect.scatter.add.f32 [tilespmem:s19], [sflag:$0x9], $0x80, s0, s18, $0xb8;
	[tilespmem:$0x1F080] =	vst v63  }
0x180: {  	s0 =	rddreg [dreg:$0x13]  }
0x181: {  	[spmem:s3] =	stream.indirect.scatter.add.f32 [tilespmem:s19], [sflag:$0xA], $0x80, s2, s18, $0xb8;
	[tilespmem:$0x1F080] =	vst v63  }
0x182: {  	s2 =	rddreg [dreg:$0x14]  }
0x183: {  	[spmem:s3] =	stream.indirect.scatter.add.f32 [tilespmem:s19], [sflag:$0x6], $0x80, s0, s18, $0xb8;
	[tilespmem:$0x1F080] =	vst v63  }
0x184: {  	s0 =	rddreg [dreg:$0x15]  }
0x185: {  	[spmem:s3] =	stream.indirect.scatter.add.f32 [tilespmem:s19], [sflag:$0x7], $0x80, s2, s18, $0xb8;
	[tilespmem:$0x1F080] =	vst v63  }
0x186: {  	s2 =	rddreg [dreg:$0x16]  }
0x187: {  	[spmem:s3] =	stream.indirect.scatter.add.f32 [tilespmem:s19], [sflag:$0x8], $0x80, s0, s18, $0xb8;
	[tilespmem:$0x1F080] =	vst v63  }
0x188: {  	s0 =	rddreg [dreg:$0x17]  }
0x189: {  	[spmem:s3] =	stream.indirect.scatter.add.f32 [tilespmem:s19], [sflag:$0x9], $0x80, s2, s18, $0xb8;
	[tilespmem:$0x1F080] =	vst v63  }
0x18a: {  	s2 =	rddreg [dreg:$0x18]  }
0x18b: {  	[spmem:s3] =	stream.indirect.scatter.add.f32 [tilespmem:s19], [sflag:$0xA], $0x80, s0, s18, $0xb8;
	[tilespmem:$0x1F080] =	vst v63  }
0x18c: {  	s0 =	rddreg [dreg:$0x19]  }
0x18d: {  	[spmem:s3] =	stream.indirect.scatter.add.f32 [tilespmem:s19], [sflag:$0x6], $0x80, s2, s18, $0xb8;
	[tilespmem:$0x1F080] =	vst v63  }
0x18e: {  	s2 =	rddreg [dreg:$0x1a]  }
0x18f: {  	[spmem:s3] =	stream.indirect.scatter.add.f32 [tilespmem:s19], [sflag:$0x7], $0x80, s0, s18, $0xb8;
	[tilespmem:$0x1F080] =	vst v63  }
0x190: {  	s0 =	rddreg [dreg:$0x1b]  }
0x191: {  	[spmem:s3] =	stream.indirect.scatter.add.f32 [tilespmem:s19], [sflag:$0x8], $0x80, s2, s18, $0xb8;
	[tilespmem:$0x1F080] =	vst v63  }
0x192: {  	s2 =	rddreg [dreg:$0x1c]  }
0x193: {  	[spmem:s3] =	stream.indirect.scatter.add.f32 [tilespmem:s19], [sflag:$0x9], $0x80, s0, s18, $0xb8;
	[tilespmem:$0x1F080] =	vst v63  }
0x194: {  	s0 =	rddreg [dreg:$0x1d]  }
0x195: {  	[spmem:s3] =	stream.indirect.scatter.add.f32 [tilespmem:s19], [sflag:$0xA], $0x80, s2, s18, $0xb8;
	[tilespmem:$0x1F080] =	vst v63  }
0x196: {  	s2 =	rddreg [dreg:$0x1e]  }
0x197: {  	[spmem:s3] =	stream.indirect.scatter.add.f32 [tilespmem:s19], [sflag:$0x6], $0x80, s0, s18, $0xb8;
	[tilespmem:$0x1F080] =	vst v63  }
0x198: {  	s0 =	rddreg [dreg:$0x1f]  }
0x199: {  	[spmem:s3] =	stream.indirect.scatter.add.f32 [tilespmem:s19], [sflag:$0x7], $0x80, s2, s18, $0xb8;
	[tilespmem:$0x1F080] =	vst v63  }
0x19a: {  	s2 =	sld [smem:$0x7F8]  }
0x19b: {  	[spmem:s3] =	stream.indirect.scatter.add.f32 [tilespmem:s19], [sflag:$0x8], $0x80, s0, s18, $0xb8;
	[tilespmem:$0x1F080] =	vst v63  }
0x19c: {  	s0 =	sld [smem:$0x7F9]  }
0x19d: {  	[spmem:s3] =	stream.indirect.scatter.add.f32 [tilespmem:s19], [sflag:$0x9], $0x80, s2, s18, $0xb8;
	[tilespmem:$0x1F080] =	vst v63  }
0x19e: {  	s2 =	sld [smem:$0x7FA]  }
0x19f: {  	[spmem:s3] =	stream.indirect.scatter.add.f32 [tilespmem:s19], [sflag:$0xA], $0x80, s0, s18, $0xb8;
	[tilespmem:$0x1F080] =	vst v63  }
0x1a0: {  	s0 =	sld [smem:$0x7FB]  }
0x1a1: {  	[spmem:s3] =	stream.indirect.scatter.add.f32 [tilespmem:s19], [sflag:$0x6], $0x80, s2, s18, $0xb8;
	[tilespmem:$0x1F080] =	vst v63  }
0x1a2: {  	s2 =	sld [smem:$0x7FC]  }
0x1a3: {  	[spmem:s3] =	stream.indirect.scatter.add.f32 [tilespmem:s19], [sflag:$0x7], $0x80, s0, s18, $0xb8;
	[tilespmem:$0x1F080] =	vst v63  }
0x1a4: {  	_ = 	snop  }
0x1a5: {  	[spmem:s3] =	stream.indirect.scatter.add.f32 [tilespmem:s19], [sflag:$0x8], $0x80, s2, s18, $0xb8;
	[tilespmem:$0x1F080] =	vst v63  }
0x1a6: {  	_ = 	snop  }
0x1a7: {  	[spmem:s3] =	stream.indirect.scatter.add.f32 [tilespmem:s19], [sflag:$0x9], $0x80, s11, s18, $0xb8;
	[tilespmem:$0x1F080] =	vst v63  }
0x1a8: {  	_ = 	snop  }
0x1a9: {  	[spmem:s3] =	stream.indirect.scatter.add.f32 [tilespmem:s19], [sflag:$0xA], $0x80, s12, s18, $0xb8;
	[tilespmem:$0x1F080] =	vst v63  }
0x1aa: {  	_ = 	snop  }
0x1ab: {  	[spmem:s3] =	stream.indirect.scatter.add.f32 [tilespmem:s19], [sflag:$0x6], $0x80, s13, s18, $0xb8;
	[tilespmem:$0x1F080] =	vst v63  }
0x1ac: {  	s2 =	simm.s32 $0x2E00  }
0x1ad: {  	[spmem:s3] =	stream.indirect.scatter.add.f32 [tilespmem:s19], [sflag:$0x7], $0x80, s2, s18, $0xb8;
	[tilespmem:$0x1F080] =	vst v63  }
0x1ae: {  	s2 =	simm.s32 $0x2E80  }
0x1af: {  	[spmem:s3] =	stream.indirect.scatter.add.f32 [tilespmem:s19], [sflag:$0x8], $0x80, s2, s18, $0xb8;
	[tilespmem:$0x1F080] =	vst v63  }
0x1b0: {  	s2 =	simm.s32 $0x2F00  }
0x1b1: {  	[spmem:s3] =	stream.indirect.scatter.add.f32 [tilespmem:s19], [sflag:$0x9], $0x80, s2, s18, $0xb8;
	[tilespmem:$0x1F080] =	vst v63  }
0x1b2: {  	s2 =	simm.s32 $0x2F80  }
0x1b3: {  	[spmem:s3] =	stream.indirect.scatter.add.f32 [tilespmem:s19], [sflag:$0xA], $0x80, s2, s18, $0xb8;
	[tilespmem:$0x1F080] =	vst v63  }
0x1b4: {  	s2 =	simm.s32 $0x3000  }
0x1b5: {  	[spmem:s3] =	stream.indirect.scatter.add.f32 [tilespmem:s19], [sflag:$0x6], $0x80, s2, s18, $0xb8;
	[tilespmem:$0x1F080] =	vst v63  }
0x1b6: {  	s2 =	simm.s32 $0x3080  }
0x1b7: {  	[spmem:s3] =	stream.indirect.scatter.add.f32 [tilespmem:s19], [sflag:$0x7], $0x80, s2, s18, $0xb8;
	[tilespmem:$0x1F080] =	vst v63  }
0x1b8: {  	s2 =	simm.s32 $0x3100  }
0x1b9: {  	[spmem:s3] =	stream.indirect.scatter.add.f32 [tilespmem:s19], [sflag:$0x8], $0x80, s2, s18, $0xb8;
	[tilespmem:$0x1F080] =	vst v63  }
0x1ba: {  	s2 =	simm.s32 $0x3180  }
0x1bb: {  	[spmem:s3] =	stream.indirect.scatter.add.f32 [tilespmem:s19], [sflag:$0x9], $0x80, s2, s18, $0xb8;
	[tilespmem:$0x1F080] =	vst v63  }
0x1bc: {  	s2 =	simm.s32 $0x3200  }
0x1bd: {  	[spmem:s3] =	stream.indirect.scatter.add.f32 [tilespmem:s19], [sflag:$0xA], $0x80, s2, s18, $0xb8;
	[tilespmem:$0x1F080] =	vst v63  }
0x1be: {  	s2 =	simm.s32 $0x3280  }
0x1bf: {  	[spmem:s3] =	stream.indirect.scatter.add.f32 [tilespmem:s19], [sflag:$0x6], $0x80, s2, s18, $0xb8;
	[tilespmem:$0x1F080] =	vst v63  }
0x1c0: {  	s2 =	simm.s32 $0x3300  }
0x1c1: {  	[spmem:s3] =	stream.indirect.scatter.add.f32 [tilespmem:s19], [sflag:$0x7], $0x80, s2, s18, $0xb8;
	[tilespmem:$0x1F080] =	vst v63  }
0x1c2: {  	s2 =	simm.s32 $0x3380  }
0x1c3: {  	[spmem:s3] =	stream.indirect.scatter.add.f32 [tilespmem:s19], [sflag:$0x8], $0x80, s2, s18, $0xb8;
	[tilespmem:$0x1F080] =	vst v63  }
0x1c4: {  	s2 =	simm.s32 $0x3400  }
0x1c5: {  	[spmem:s3] =	stream.indirect.scatter.add.f32 [tilespmem:s19], [sflag:$0x9], $0x80, s2, s18, $0xb8;
	[tilespmem:$0x1F080] =	vst v63  }
0x1c6: {  	s2 =	simm.s32 $0x3480  }
0x1c7: {  	[spmem:s3] =	stream.indirect.scatter.add.f32 [tilespmem:s19], [sflag:$0xA], $0x80, s2, s18, $0xb8;
	[tilespmem:$0x1F080] =	vst v63  }
0x1c8: {  	_ =	swait.ge [sflag:s14], $0x1400  }
0x1c9: {  	[sflag:s14] =	ssyncset.done $0x0  }
0x1ca: {  	[sflag:s14] =	ssyncadd.s32 $0xFFFFEC00  }
0x1cb: {  	_ =	swait.ge [sflag:s14], $0x1400  }
0x1cc: {  	[sflag:s14] =	ssyncset.done $0x0  }
0x1cd: {  	[sflag:s14] =	ssyncadd.s32 $0xFFFFEC00  }
0x1ce: {  	_ =	swait.ge [sflag:s14], $0x1400  }
0x1cf: {  	[sflag:s14] =	ssyncset.done $0x0  }
0x1d0: {  	[sflag:s14] =	ssyncadd.s32 $0xFFFFEC00  }
0x1d1: {  	_ =	swait.ge [sflag:s14], $0x1400  }
0x1d2: {  	[sflag:s14] =	ssyncset.done $0x0  }
0x1d3: {  	[sflag:s14] =	ssyncadd.s32 $0xFFFFEC00  }
0x1d4: {  	_ =	swait.ge [sflag:s14], $0x1400  }
0x1d5: {  	[sflag:s14] =	ssyncset.done $0x0  }
0x1d6: {  	[sflag:s14] =	ssyncadd.s32 $0xFFFFEC00  }
0x1d7: {  	_ =	swait.ge [sflag:s14], $0x1400  }
0x1d8: {  	[sflag:s14] =	ssyncset.done $0x0  }
0x1d9: {  	[sflag:s14] =	ssyncadd.s32 $0xFFFFEC00  }
0x1da: {  	_ =	swait.ge [sflag:s14], $0x1400  }
0x1db: {  	[sflag:s14] =	ssyncset.done $0x0  }
0x1dc: {  	[sflag:s14] =	ssyncadd.s32 $0xFFFFEC00  }
0x1dd: {  	_ =	swait.ge [sflag:s14], $0x1400  }
0x1de: {  	[sflag:s14] =	ssyncset.done $0x0  }
0x1df: {  	[sflag:s14] =	ssyncadd.s32 $0xFFFFEC00  }
0x1e0: {  	_ =	swait.ge [sflag:s14], $0x1400  }
0x1e1: {  	[sflag:s14] =	ssyncset.done $0x0  }
0x1e2: {  	[sflag:s14] =	ssyncadd.s32 $0xFFFFEC00  }
0x1e3: {  	_ =	swait.ge [sflag:s14], $0x1400  }
0x1e4: {  	[sflag:s14] =	ssyncset.done $0x0  }
0x1e5: {  	[sflag:s14] =	ssyncadd.s32 $0xFFFFEC00  }
0x1e6: {  	_ =	swait.ge [sflag:s8], $0x1400  }
0x1e7: {  	[sflag:s8] =	ssyncset.done $0x0  }
0x1e8: {  	[sflag:s8] =	ssyncadd.s32 $0xFFFFEC00  }
0x1e9: {  	_ =	swait.ge [sflag:s8], $0x1400  }
0x1ea: {  	[sflag:s8] =	ssyncset.done $0x0  }
0x1eb: {  	[sflag:s8] =	ssyncadd.s32 $0xFFFFEC00  }
0x1ec: {  	_ =	swait.ge [sflag:s8], $0x1400  }
0x1ed: {  	[sflag:s8] =	ssyncset.done $0x0  }
0x1ee: {  	[sflag:s8] =	ssyncadd.s32 $0xFFFFEC00  }
0x1ef: {  	_ =	swait.ge [sflag:s8], $0x1400  }
0x1f0: {  	[sflag:s8] =	ssyncset.done $0x0  }
0x1f1: {  	[sflag:s8] =	ssyncadd.s32 $0xFFFFEC00  }
0x1f2: {  	_ =	swait.ge [sflag:s8], $0x1400  }
0x1f3: {  	[sflag:s8] =	ssyncset.done $0x0  }
0x1f4: {  	[sflag:s8] =	ssyncadd.s32 $0xFFFFEC00  }
0x1f5: {  	_ =	swait.ge [sflag:s8], $0x1400  }
0x1f6: {  	[sflag:s8] =	ssyncset.done $0x0  }
0x1f7: {  	[sflag:s8] =	ssyncadd.s32 $0xFFFFEC00  }
0x1f8: {  	_ =	swait.ge [sflag:s8], $0x1400  }
0x1f9: {  	[sflag:s8] =	ssyncset.done $0x0  }
0x1fa: {  	[sflag:s8] =	ssyncadd.s32 $0xFFFFEC00  }
0x1fb: {  	_ =	swait.ge [sflag:s8], $0x1400  }
0x1fc: {  	[sflag:s8] =	ssyncset.done $0x0  }
0x1fd: {  	[sflag:s8] =	ssyncadd.s32 $0xFFFFEC00  }
0x1fe: {  	_ =	swait.ge [sflag:s8], $0x1400  }
0x1ff: {  	[sflag:s8] =	ssyncset.done $0x0  }
0x200: {  	[sflag:s8] =	ssyncadd.s32 $0xFFFFEC00  }
0x201: {  	_ =	swait.ge [sflag:s8], $0x1400  }
0x202: {  	[sflag:s8] =	ssyncset.done $0x0  }
0x203: {  	[sflag:s8] =	ssyncadd.s32 $0xFFFFEC00  }
0x204: {  	_ =	swait.ge [sflag:s5], $0x1400  }
0x205: {  	[sflag:s5] =	ssyncset.done $0x0  }
0x206: {  	[sflag:s5] =	ssyncadd.s32 $0xFFFFEC00  }
0x207: {  	_ =	swait.ge [sflag:s5], $0x1400  }
0x208: {  	[sflag:s5] =	ssyncset.done $0x0  }
0x209: {  	[sflag:s5] =	ssyncadd.s32 $0xFFFFEC00  }
0x20a: {  	_ =	swait.ge [sflag:s5], $0x1400  }
0x20b: {  	[sflag:s5] =	ssyncset.done $0x0  }
0x20c: {  	[sflag:s5] =	ssyncadd.s32 $0xFFFFEC00  }
0x20d: {  	_ =	swait.ge [sflag:s5], $0x1400  }
0x20e: {  	[sflag:s5] =	ssyncset.done $0x0  }
0x20f: {  	[sflag:s5] =	ssyncadd.s32 $0xFFFFEC00  }
0x210: {  	_ =	swait.ge [sflag:s5], $0x1400  }
0x211: {  	[sflag:s5] =	ssyncset.done $0x0  }
0x212: {  	[sflag:s5] =	ssyncadd.s32 $0xFFFFEC00  }
0x213: {  	_ =	swait.ge [sflag:s5], $0x1400  }
0x214: {  	[sflag:s5] =	ssyncset.done $0x0  }
0x215: {  	[sflag:s5] =	ssyncadd.s32 $0xFFFFEC00  }
0x216: {  	_ =	swait.ge [sflag:s5], $0x1400  }
0x217: {  	[sflag:s5] =	ssyncset.done $0x0  }
0x218: {  	[sflag:s5] =	ssyncadd.s32 $0xFFFFEC00  }
0x219: {  	_ =	swait.ge [sflag:s5], $0x1400  }
0x21a: {  	[sflag:s5] =	ssyncset.done $0x0  }
0x21b: {  	[sflag:s5] =	ssyncadd.s32 $0xFFFFEC00  }
0x21c: {  	_ =	swait.ge [sflag:s5], $0x1400  }
0x21d: {  	[sflag:s5] =	ssyncset.done $0x0  }
0x21e: {  	[sflag:s5] =	ssyncadd.s32 $0xFFFFEC00  }
0x21f: {  	_ =	swait.ge [sflag:s5], $0x1400  }
0x220: {  	[sflag:s5] =	ssyncset.done $0x0  }
0x221: {  	[sflag:s5] =	ssyncadd.s32 $0xFFFFEC00  }
0x222: {  	_ =	swait.ge [sflag:s6], $0x1400  }
0x223: {  	[sflag:s6] =	ssyncset.done $0x0  }
0x224: {  	[sflag:s6] =	ssyncadd.s32 $0xFFFFEC00  }
0x225: {  	_ =	swait.ge [sflag:s6], $0x1400  }
0x226: {  	[sflag:s6] =	ssyncset.done $0x0  }
0x227: {  	[sflag:s6] =	ssyncadd.s32 $0xFFFFEC00  }
0x228: {  	_ =	swait.ge [sflag:s6], $0x1400  }
0x229: {  	[sflag:s6] =	ssyncset.done $0x0  }
0x22a: {  	[sflag:s6] =	ssyncadd.s32 $0xFFFFEC00  }
0x22b: {  	_ =	swait.ge [sflag:s6], $0x1400  }
0x22c: {  	[sflag:s6] =	ssyncset.done $0x0  }
0x22d: {  	[sflag:s6] =	ssyncadd.s32 $0xFFFFEC00  }
0x22e: {  	_ =	swait.ge [sflag:s6], $0x1400  }
0x22f: {  	[sflag:s6] =	ssyncset.done $0x0  }
0x230: {  	[sflag:s6] =	ssyncadd.s32 $0xFFFFEC00  }
0x231: {  	_ =	swait.ge [sflag:s6], $0x1400  }
0x232: {  	[sflag:s6] =	ssyncset.done $0x0  }
0x233: {  	[sflag:s6] =	ssyncadd.s32 $0xFFFFEC00  }
0x234: {  	_ =	swait.ge [sflag:s6], $0x1400  }
0x235: {  	[sflag:s6] =	ssyncset.done $0x0  }
0x236: {  	[sflag:s6] =	ssyncadd.s32 $0xFFFFEC00  }
0x237: {  	_ =	swait.ge [sflag:s6], $0x1400  }
0x238: {  	[sflag:s6] =	ssyncset.done $0x0  }
0x239: {  	[sflag:s6] =	ssyncadd.s32 $0xFFFFEC00  }
0x23a: {  	_ =	swait.ge [sflag:s6], $0x1400  }
0x23b: {  	[sflag:s6] =	ssyncset.done $0x0  }
0x23c: {  	[sflag:s6] =	ssyncadd.s32 $0xFFFFEC00  }
0x23d: {  	_ =	swait.ge [sflag:s6], $0x1400  }
0x23e: {  	[sflag:s6] =	ssyncset.done $0x0  }
0x23f: {  	[sflag:s6] =	ssyncadd.s32 $0xFFFFEC00  }
0x240: {  	_ =	swait.ge [sflag:s9], $0x1400  }
0x241: {  	[sflag:s9] =	ssyncset.done $0x0  }
0x242: {  	[sflag:s9] =	ssyncadd.s32 $0xFFFFEC00  }
0x243: {  	_ =	swait.ge [sflag:s9], $0x1400  }
0x244: {  	[sflag:s9] =	ssyncset.done $0x0  }
0x245: {  	[sflag:s9] =	ssyncadd.s32 $0xFFFFEC00  }
0x246: {  	_ =	swait.ge [sflag:s9], $0x1400  }
0x247: {  	[sflag:s9] =	ssyncset.done $0x0  }
0x248: {  	[sflag:s9] =	ssyncadd.s32 $0xFFFFEC00  }
0x249: {  	_ =	swait.ge [sflag:s9], $0x1400  }
0x24a: {  	[sflag:s9] =	ssyncset.done $0x0  }
0x24b: {  	[sflag:s9] =	ssyncadd.s32 $0xFFFFEC00  }
0x24c: {  	_ =	swait.ge [sflag:s9], $0x1400  }
0x24d: {  	[sflag:s9] =	ssyncset.done $0x0  }
0x24e: {  	[sflag:s9] =	ssyncadd.s32 $0xFFFFEC00  }
0x24f: {  	_ =	swait.ge [sflag:s9], $0x1400  }
0x250: {  	[sflag:s9] =	ssyncset.done $0x0  }
0x251: {  	[sflag:s9] =	ssyncadd.s32 $0xFFFFEC00  }
0x252: {  	_ =	swait.ge [sflag:s9], $0x1400  }
0x253: {  	[sflag:s9] =	ssyncset.done $0x0  }
0x254: {  	[sflag:s9] =	ssyncadd.s32 $0xFFFFEC00  }
0x255: {  	_ =	swait.ge [sflag:s9], $0x1400  }
0x256: {  	[sflag:s9] =	ssyncset.done $0x0  }
0x257: {  	p1 =	sne.s32 s31, $0xE00;
	[sflag:s9] =	ssyncadd.s32 $0xFFFFEC00  }
.Ltmp3:
0x258: {  	_ =	swait.ge [sflag:s9], $0x1400;
	(pc) =	sbr.rel @p1 .LBB2_8-.Ltmp3, $4  }
0x259: {  	[sflag:s9] =	ssyncset.done $0x0  }
0x25a: {  	[sflag:s9] =	ssyncadd.s32 $0xFFFFEC00  }
0x25b: {  	_ =	swait.ge [sflag:s9], $0x1400  }
0x25c: {  	s31 =	sadd.s32 $0x380, s31;
	s2 =	rddreg [dreg:$0x4];
	[sflag:s9] =	ssyncset.done $0x0  }
0x25d: {  	[sflag:s9] =	ssyncadd.s32 $0xFFFFEC00;
	s0 =	sadd.s32 s30, s2  }
0x25e: {  	[tilespmem:s17], [sflag:$0xB] =	stream.linear.gather [hbm4b:s0+s10], $0x1900, $0x38;
	[tilespmem:$0x1F080] =	vst v63  }
0x25f: {  	_ =	swait.ge [sflag:s16], $0x1900  }
0x260: {  	[sflag:s16] =	ssyncset.done $0x0  }
0x261: {  	s2 =	rddreg [dreg:$0x5];
	[sflag:s16] =	ssyncadd.s32 $0xFFFFE700  }
0x262: {  	[spmem:s3] =	stream.indirect.scatter.add.f32 [tilespmem:s19], [sflag:$0x6], $0x80, s17, s18, $0xb8;
	[tilespmem:$0x1F080] =	vst v63  }
0x263: {  	s10 =	rddreg [dreg:$0x6]  }
0x264: {  	[spmem:s3] =	stream.indirect.scatter.add.f32 [tilespmem:s19], [sflag:$0x7], $0x80, s2, s18, $0xb8;
	[tilespmem:$0x1F080] =	vst v63  }
0x265: {  	s30 =	rddreg [dreg:$0x7]  }
0x266: {  	[spmem:s3] =	stream.indirect.scatter.add.f32 [tilespmem:s19], [sflag:$0x8], $0x80, s10, s18, $0xb8;
	[tilespmem:$0x1F080] =	vst v63  }
0x267: {  	s31 =	rddreg [dreg:$0x8]  }
0x268: {  	[spmem:s3] =	stream.indirect.scatter.add.f32 [tilespmem:s19], [sflag:$0x9], $0x80, s30, s18, $0xb8;
	[tilespmem:$0x1F080] =	vst v63  }
0x269: {  	s10 =	rddreg [dreg:$0x9]  }
0x26a: {  	[spmem:s3] =	stream.indirect.scatter.add.f32 [tilespmem:s19], [sflag:$0xA], $0x80, s31, s18, $0xb8;
	[tilespmem:$0x1F080] =	vst v63  }
0x26b: {  	s30 =	rddreg [dreg:$0xa]  }
0x26c: {  	[spmem:s3] =	stream.indirect.scatter.add.f32 [tilespmem:s19], [sflag:$0x6], $0x80, s10, s18, $0xb8;
	[tilespmem:$0x1F080] =	vst v63  }
0x26d: {  	s31 =	rddreg [dreg:$0xb]  }
0x26e: {  	[spmem:s3] =	stream.indirect.scatter.add.f32 [tilespmem:s19], [sflag:$0x7], $0x80, s30, s18, $0xb8;
	[tilespmem:$0x1F080] =	vst v63  }
0x26f: {  	s10 =	rddreg [dreg:$0xc]  }
0x270: {  	[spmem:s3] =	stream.indirect.scatter.add.f32 [tilespmem:s19], [sflag:$0x8], $0x80, s31, s18, $0xb8;
	[tilespmem:$0x1F080] =	vst v63  }
0x271: {  	s30 =	rddreg [dreg:$0xd]  }
0x272: {  	[spmem:s3] =	stream.indirect.scatter.add.f32 [tilespmem:s19], [sflag:$0x9], $0x80, s10, s18, $0xb8;
	[tilespmem:$0x1F080] =	vst v63  }
0x273: {  	s31 =	rddreg [dreg:$0xe]  }
0x274: {  	[spmem:s3] =	stream.indirect.scatter.add.f32 [tilespmem:s19], [sflag:$0xA], $0x80, s30, s18, $0xb8;
	[tilespmem:$0x1F080] =	vst v63  }
0x275: {  	s10 =	rddreg [dreg:$0xf]  }
0x276: {  	[spmem:s3] =	stream.indirect.scatter.add.f32 [tilespmem:s19], [sflag:$0x6], $0x80, s31, s18, $0xb8;
	[tilespmem:$0x1F080] =	vst v63  }
0x277: {  	s30 =	rddreg [dreg:$0x10]  }
0x278: {  	[spmem:s3] =	stream.indirect.scatter.add.f32 [tilespmem:s19], [sflag:$0x7], $0x80, s10, s18, $0xb8;
	[tilespmem:$0x1F080] =	vst v63  }
0x279: {  	s31 =	rddreg [dreg:$0x11]  }
0x27a: {  	[spmem:s3] =	stream.indirect.scatter.add.f32 [tilespmem:s19], [sflag:$0x8], $0x80, s30, s18, $0xb8;
	[tilespmem:$0x1F080] =	vst v63  }
0x27b: {  	s10 =	rddreg [dreg:$0x12]  }
0x27c: {  	[spmem:s3] =	stream.indirect.scatter.add.f32 [tilespmem:s19], [sflag:$0x9], $0x80, s31, s18, $0xb8;
	[tilespmem:$0x1F080] =	vst v63  }
0x27d: {  	s30 =	rddreg [dreg:$0x13]  }
0x27e: {  	[spmem:s3] =	stream.indirect.scatter.add.f32 [tilespmem:s19], [sflag:$0xA], $0x80, s10, s18, $0xb8;
	[tilespmem:$0x1F080] =	vst v63  }
0x27f: {  	s31 =	rddreg [dreg:$0x14]  }
0x280: {  	[spmem:s3] =	stream.indirect.scatter.add.f32 [tilespmem:s19], [sflag:$0x6], $0x80, s30, s18, $0xb8;
	[tilespmem:$0x1F080] =	vst v63  }
0x281: {  	s10 =	rddreg [dreg:$0x15]  }
0x282: {  	[spmem:s3] =	stream.indirect.scatter.add.f32 [tilespmem:s19], [sflag:$0x7], $0x80, s31, s18, $0xb8;
	[tilespmem:$0x1F080] =	vst v63  }
0x283: {  	s30 =	rddreg [dreg:$0x16]  }
0x284: {  	[spmem:s3] =	stream.indirect.scatter.add.f32 [tilespmem:s19], [sflag:$0x8], $0x80, s10, s18, $0xb8;
	[tilespmem:$0x1F080] =	vst v63  }
0x285: {  	s31 =	rddreg [dreg:$0x17]  }
0x286: {  	[spmem:s3] =	stream.indirect.scatter.add.f32 [tilespmem:s19], [sflag:$0x9], $0x80, s30, s18, $0xb8;
	[tilespmem:$0x1F080] =	vst v63  }
0x287: {  	s10 =	rddreg [dreg:$0x18]  }
0x288: {  	[spmem:s3] =	stream.indirect.scatter.add.f32 [tilespmem:s19], [sflag:$0xA], $0x80, s31, s18, $0xb8;
	[tilespmem:$0x1F080] =	vst v63  }
0x289: {  	s30 =	rddreg [dreg:$0x19]  }
0x28a: {  	[spmem:s3] =	stream.indirect.scatter.add.f32 [tilespmem:s19], [sflag:$0x6], $0x80, s10, s18, $0xb8;
	[tilespmem:$0x1F080] =	vst v63  }
0x28b: {  	s31 =	rddreg [dreg:$0x1a]  }
0x28c: {  	[spmem:s3] =	stream.indirect.scatter.add.f32 [tilespmem:s19], [sflag:$0x7], $0x80, s30, s18, $0xb8;
	[tilespmem:$0x1F080] =	vst v63  }
0x28d: {  	s10 =	rddreg [dreg:$0x1b]  }
0x28e: {  	[spmem:s3] =	stream.indirect.scatter.add.f32 [tilespmem:s19], [sflag:$0x8], $0x80, s31, s18, $0xb8;
	[tilespmem:$0x1F080] =	vst v63  }
0x28f: {  	s30 =	rddreg [dreg:$0x1c]  }
0x290: {  	[spmem:s3] =	stream.indirect.scatter.add.f32 [tilespmem:s19], [sflag:$0x9], $0x80, s10, s18, $0xb8;
	[tilespmem:$0x1F080] =	vst v63  }
0x291: {  	s31 =	rddreg [dreg:$0x1d]  }
0x292: {  	[spmem:s3] =	stream.indirect.scatter.add.f32 [tilespmem:s19], [sflag:$0xA], $0x80, s30, s18, $0xb8;
	[tilespmem:$0x1F080] =	vst v63  }
0x293: {  	s10 =	rddreg [dreg:$0x1e]  }
0x294: {  	[spmem:s3] =	stream.indirect.scatter.add.f32 [tilespmem:s19], [sflag:$0x6], $0x80, s31, s18, $0xb8;
	[tilespmem:$0x1F080] =	vst v63  }
0x295: {  	s30 =	rddreg [dreg:$0x1f]  }
0x296: {  	[spmem:s3] =	stream.indirect.scatter.add.f32 [tilespmem:s19], [sflag:$0x7], $0x80, s10, s18, $0xb8;
	[tilespmem:$0x1F080] =	vst v63  }
0x297: {  	s31 =	sld [smem:$0x7F8]  }
0x298: {  	[spmem:s3] =	stream.indirect.scatter.add.f32 [tilespmem:s19], [sflag:$0x8], $0x80, s30, s18, $0xb8;
	[tilespmem:$0x1F080] =	vst v63  }
0x299: {  	s10 =	sld [smem:$0x7F9]  }
0x29a: {  	[spmem:s3] =	stream.indirect.scatter.add.f32 [tilespmem:s19], [sflag:$0x9], $0x80, s31, s18, $0xb8;
	[tilespmem:$0x1F080] =	vst v63  }
0x29b: {  	s30 =	sld [smem:$0x7FA]  }
0x29c: {  	[spmem:s3] =	stream.indirect.scatter.add.f32 [tilespmem:s19], [sflag:$0xA], $0x80, s10, s18, $0xb8;
	[tilespmem:$0x1F080] =	vst v63  }
0x29d: {  	s31 =	sld [smem:$0x7FB]  }
0x29e: {  	[spmem:s3] =	stream.indirect.scatter.add.f32 [tilespmem:s19], [sflag:$0x6], $0x80, s30, s18, $0xb8;
	[tilespmem:$0x1F080] =	vst v63  }
0x29f: {  	s10 =	sld [smem:$0x7FC]  }
0x2a0: {  	[spmem:s3] =	stream.indirect.scatter.add.f32 [tilespmem:s19], [sflag:$0x7], $0x80, s31, s18, $0xb8;
	[tilespmem:$0x1F080] =	vst v63  }
0x2a1: {  	_ = 	snop  }
0x2a2: {  	[spmem:s3] =	stream.indirect.scatter.add.f32 [tilespmem:s19], [sflag:$0x8], $0x80, s10, s18, $0xb8;
	[tilespmem:$0x1F080] =	vst v63  }
0x2a3: {  	_ = 	snop  }
0x2a4: {  	[spmem:s3] =	stream.indirect.scatter.add.f32 [tilespmem:s19], [sflag:$0x9], $0x80, s11, s18, $0xb8;
	[tilespmem:$0x1F080] =	vst v63  }
0x2a5: {  	_ = 	snop  }
0x2a6: {  	[spmem:s3] =	stream.indirect.scatter.add.f32 [tilespmem:s19], [sflag:$0xA], $0x80, s12, s18, $0xb8;
	[tilespmem:$0x1F080] =	vst v63  }
0x2a7: {  	_ = 	snop  }
0x2a8: {  	[spmem:s3] =	stream.indirect.scatter.add.f32 [tilespmem:s19], [sflag:$0x6], $0x80, s13, s18, $0xb8;
	[tilespmem:$0x1F080] =	vst v63  }
0x2a9: {  	s12 =	simm.s32 $0x2E00  }
0x2aa: {  	[spmem:s3] =	stream.indirect.scatter.add.f32 [tilespmem:s19], [sflag:$0x7], $0x80, s12, s18, $0xb8;
	[tilespmem:$0x1F080] =	vst v63  }
0x2ab: {  	s13 =	simm.s32 $0x2E80  }
0x2ac: {  	[spmem:s3] =	stream.indirect.scatter.add.f32 [tilespmem:s19], [sflag:$0x8], $0x80, s13, s18, $0xb8;
	[tilespmem:$0x1F080] =	vst v63  }
0x2ad: {  	s30 =	simm.s32 $0x2F00  }
0x2ae: {  	[spmem:s3] =	stream.indirect.scatter.add.f32 [tilespmem:s19], [sflag:$0x9], $0x80, s30, s18, $0xb8;
	[tilespmem:$0x1F080] =	vst v63  }
0x2af: {  	s31 =	simm.s32 $0x2F80  }
0x2b0: {  	[spmem:s3] =	stream.indirect.scatter.add.f32 [tilespmem:s19], [sflag:$0xA], $0x80, s31, s18, $0xb8;
	[tilespmem:$0x1F080] =	vst v63  }
0x2b1: {  	s2 =	simm.s32 $0x3000  }
0x2b2: {  	[spmem:s3] =	stream.indirect.scatter.add.f32 [tilespmem:s19], [sflag:$0x6], $0x80, s2, s18, $0xb8;
	[tilespmem:$0x1F080] =	vst v63  }
0x2b3: {  	s10 =	simm.s32 $0x3080  }
0x2b4: {  	[spmem:s3] =	stream.indirect.scatter.add.f32 [tilespmem:s19], [sflag:$0x7], $0x80, s10, s18, $0xb8;
	[tilespmem:$0x1F080] =	vst v63  }
0x2b5: {  	s11 =	simm.s32 $0x3100  }
0x2b6: {  	[spmem:s3] =	stream.indirect.scatter.add.f32 [tilespmem:s19], [sflag:$0x8], $0x80, s11, s18, $0xb8;
	[tilespmem:$0x1F080] =	vst v63  }
0x2b7: {  	s12 =	simm.s32 $0x3180  }
0x2b8: {  	[spmem:s3] =	stream.indirect.scatter.add.f32 [tilespmem:s19], [sflag:$0x9], $0x80, s12, s18, $0xb8;
	[tilespmem:$0x1F080] =	vst v63  }
0x2b9: {  	s13 =	simm.s32 $0x3200  }
0x2ba: {  	[spmem:s3] =	stream.indirect.scatter.add.f32 [tilespmem:s19], [sflag:$0xA], $0x80, s13, s18, $0xb8;
	[tilespmem:$0x1F080] =	vst v63  }
0x2bb: {  	s30 =	simm.s32 $0x3280  }
0x2bc: {  	[spmem:s3] =	stream.indirect.scatter.add.f32 [tilespmem:s19], [sflag:$0x6], $0x80, s30, s18, $0xb8;
	[tilespmem:$0x1F080] =	vst v63  }
0x2bd: {  	s31 =	simm.s32 $0x3300  }
0x2be: {  	[spmem:s3] =	stream.indirect.scatter.add.f32 [tilespmem:s19], [sflag:$0x7], $0x80, s31, s18, $0xb8;
	[tilespmem:$0x1F080] =	vst v63  }
0x2bf: {  	s2 =	simm.s32 $0x3380  }
0x2c0: {  	[spmem:s3] =	stream.indirect.scatter.add.f32 [tilespmem:s19], [sflag:$0x8], $0x80, s2, s18, $0xb8;
	[tilespmem:$0x1F080] =	vst v63  }
0x2c1: {  	s10 =	simm.s32 $0x3400  }
0x2c2: {  	[spmem:s3] =	stream.indirect.scatter.add.f32 [tilespmem:s19], [sflag:$0x9], $0x80, s10, s18, $0xb8;
	[tilespmem:$0x1F080] =	vst v63  }
0x2c3: {  	s11 =	simm.s32 $0x3480  }
0x2c4: {  	[spmem:s3] =	stream.indirect.scatter.add.f32 [tilespmem:s19], [sflag:$0xA], $0x80, s11, s18, $0xb8;
	[tilespmem:$0x1F080] =	vst v63  }
0x2c5: {  	_ =	swait.ge [sflag:s14], $0x1400  }
0x2c6: {  	[sflag:s14] =	ssyncset.done $0x0  }
0x2c7: {  	[sflag:s14] =	ssyncadd.s32 $0xFFFFEC00  }
0x2c8: {  	_ =	swait.ge [sflag:s14], $0x1400  }
0x2c9: {  	[sflag:s14] =	ssyncset.done $0x0  }
0x2ca: {  	[sflag:s14] =	ssyncadd.s32 $0xFFFFEC00  }
0x2cb: {  	_ =	swait.ge [sflag:s14], $0x1400  }
0x2cc: {  	[sflag:s14] =	ssyncset.done $0x0  }
0x2cd: {  	[sflag:s14] =	ssyncadd.s32 $0xFFFFEC00  }
0x2ce: {  	_ =	swait.ge [sflag:s14], $0x1400  }
0x2cf: {  	[sflag:s14] =	ssyncset.done $0x0  }
0x2d0: {  	[sflag:s14] =	ssyncadd.s32 $0xFFFFEC00  }
0x2d1: {  	_ =	swait.ge [sflag:s14], $0x1400  }
0x2d2: {  	[sflag:s14] =	ssyncset.done $0x0  }
0x2d3: {  	[sflag:s14] =	ssyncadd.s32 $0xFFFFEC00  }
0x2d4: {  	_ =	swait.ge [sflag:s14], $0x1400  }
0x2d5: {  	[sflag:s14] =	ssyncset.done $0x0  }
0x2d6: {  	[sflag:s14] =	ssyncadd.s32 $0xFFFFEC00  }
0x2d7: {  	_ =	swait.ge [sflag:s14], $0x1400  }
0x2d8: {  	[sflag:s14] =	ssyncset.done $0x0  }
0x2d9: {  	[sflag:s14] =	ssyncadd.s32 $0xFFFFEC00  }
0x2da: {  	_ =	swait.ge [sflag:s14], $0x1400  }
0x2db: {  	[sflag:s14] =	ssyncset.done $0x0  }
0x2dc: {  	[sflag:s14] =	ssyncadd.s32 $0xFFFFEC00  }
0x2dd: {  	_ =	swait.ge [sflag:s14], $0x1400  }
0x2de: {  	[sflag:s14] =	ssyncset.done $0x0  }
0x2df: {  	[sflag:s14] =	ssyncadd.s32 $0xFFFFEC00  }
0x2e0: {  	_ =	swait.ge [sflag:s14], $0x1400  }
0x2e1: {  	[sflag:s14] =	ssyncset.done $0x0  }
0x2e2: {  	[sflag:s14] =	ssyncadd.s32 $0xFFFFEC00  }
0x2e3: {  	_ =	swait.ge [sflag:s8], $0x1400  }
0x2e4: {  	[sflag:s8] =	ssyncset.done $0x0  }
0x2e5: {  	[sflag:s8] =	ssyncadd.s32 $0xFFFFEC00  }
0x2e6: {  	_ =	swait.ge [sflag:s8], $0x1400  }
0x2e7: {  	[sflag:s8] =	ssyncset.done $0x0  }
0x2e8: {  	[sflag:s8] =	ssyncadd.s32 $0xFFFFEC00  }
0x2e9: {  	_ =	swait.ge [sflag:s8], $0x1400  }
0x2ea: {  	[sflag:s8] =	ssyncset.done $0x0  }
0x2eb: {  	[sflag:s8] =	ssyncadd.s32 $0xFFFFEC00  }
0x2ec: {  	_ =	swait.ge [sflag:s8], $0x1400  }
0x2ed: {  	[sflag:s8] =	ssyncset.done $0x0  }
0x2ee: {  	[sflag:s8] =	ssyncadd.s32 $0xFFFFEC00  }
0x2ef: {  	_ =	swait.ge [sflag:s8], $0x1400  }
0x2f0: {  	[sflag:s8] =	ssyncset.done $0x0  }
0x2f1: {  	[sflag:s8] =	ssyncadd.s32 $0xFFFFEC00  }
0x2f2: {  	_ =	swait.ge [sflag:s8], $0x1400  }
0x2f3: {  	[sflag:s8] =	ssyncset.done $0x0  }
0x2f4: {  	[sflag:s8] =	ssyncadd.s32 $0xFFFFEC00  }
0x2f5: {  	_ =	swait.ge [sflag:s8], $0x1400  }
0x2f6: {  	[sflag:s8] =	ssyncset.done $0x0  }
0x2f7: {  	[sflag:s8] =	ssyncadd.s32 $0xFFFFEC00  }
0x2f8: {  	_ =	swait.ge [sflag:s8], $0x1400  }
0x2f9: {  	[sflag:s8] =	ssyncset.done $0x0  }
0x2fa: {  	[sflag:s8] =	ssyncadd.s32 $0xFFFFEC00  }
0x2fb: {  	_ =	swait.ge [sflag:s8], $0x1400  }
0x2fc: {  	[sflag:s8] =	ssyncset.done $0x0  }
0x2fd: {  	[sflag:s8] =	ssyncadd.s32 $0xFFFFEC00  }
0x2fe: {  	_ =	swait.ge [sflag:s8], $0x1400  }
0x2ff: {  	[sflag:s8] =	ssyncset.done $0x0  }
0x300: {  	[sflag:s8] =	ssyncadd.s32 $0xFFFFEC00  }
0x301: {  	_ =	swait.ge [sflag:s5], $0x1400  }
0x302: {  	[sflag:s5] =	ssyncset.done $0x0  }
0x303: {  	[sflag:s5] =	ssyncadd.s32 $0xFFFFEC00  }
0x304: {  	_ =	swait.ge [sflag:s5], $0x1400  }
0x305: {  	[sflag:s5] =	ssyncset.done $0x0  }
0x306: {  	[sflag:s5] =	ssyncadd.s32 $0xFFFFEC00  }
0x307: {  	_ =	swait.ge [sflag:s5], $0x1400  }
0x308: {  	[sflag:s5] =	ssyncset.done $0x0  }
0x309: {  	[sflag:s5] =	ssyncadd.s32 $0xFFFFEC00  }
0x30a: {  	_ =	swait.ge [sflag:s5], $0x1400  }
0x30b: {  	[sflag:s5] =	ssyncset.done $0x0  }
0x30c: {  	[sflag:s5] =	ssyncadd.s32 $0xFFFFEC00  }
0x30d: {  	_ =	swait.ge [sflag:s5], $0x1400  }
0x30e: {  	[sflag:s5] =	ssyncset.done $0x0  }
0x30f: {  	[sflag:s5] =	ssyncadd.s32 $0xFFFFEC00  }
0x310: {  	_ =	swait.ge [sflag:s5], $0x1400  }
0x311: {  	[sflag:s5] =	ssyncset.done $0x0  }
0x312: {  	[sflag:s5] =	ssyncadd.s32 $0xFFFFEC00  }
0x313: {  	_ =	swait.ge [sflag:s5], $0x1400  }
0x314: {  	[sflag:s5] =	ssyncset.done $0x0  }
0x315: {  	[sflag:s5] =	ssyncadd.s32 $0xFFFFEC00  }
0x316: {  	_ =	swait.ge [sflag:s5], $0x1400  }
0x317: {  	[sflag:s5] =	ssyncset.done $0x0  }
0x318: {  	[sflag:s5] =	ssyncadd.s32 $0xFFFFEC00  }
0x319: {  	_ =	swait.ge [sflag:s5], $0x1400  }
0x31a: {  	[sflag:s5] =	ssyncset.done $0x0  }
0x31b: {  	[sflag:s5] =	ssyncadd.s32 $0xFFFFEC00  }
0x31c: {  	_ =	swait.ge [sflag:s5], $0x1400  }
0x31d: {  	[sflag:s5] =	ssyncset.done $0x0  }
0x31e: {  	[sflag:s5] =	ssyncadd.s32 $0xFFFFEC00  }
0x31f: {  	_ =	swait.ge [sflag:s6], $0x1400  }
0x320: {  	[sflag:s6] =	ssyncset.done $0x0  }
0x321: {  	[sflag:s6] =	ssyncadd.s32 $0xFFFFEC00  }
0x322: {  	_ =	swait.ge [sflag:s6], $0x1400  }
0x323: {  	[sflag:s6] =	ssyncset.done $0x0  }
0x324: {  	[sflag:s6] =	ssyncadd.s32 $0xFFFFEC00  }
0x325: {  	_ =	swait.ge [sflag:s6], $0x1400  }
0x326: {  	[sflag:s6] =	ssyncset.done $0x0  }
0x327: {  	[sflag:s6] =	ssyncadd.s32 $0xFFFFEC00  }
0x328: {  	_ =	swait.ge [sflag:s6], $0x1400  }
0x329: {  	[sflag:s6] =	ssyncset.done $0x0  }
0x32a: {  	[sflag:s6] =	ssyncadd.s32 $0xFFFFEC00  }
0x32b: {  	_ =	swait.ge [sflag:s6], $0x1400  }
0x32c: {  	[sflag:s6] =	ssyncset.done $0x0  }
0x32d: {  	[sflag:s6] =	ssyncadd.s32 $0xFFFFEC00  }
0x32e: {  	_ =	swait.ge [sflag:s6], $0x1400  }
0x32f: {  	[sflag:s6] =	ssyncset.done $0x0  }
0x330: {  	[sflag:s6] =	ssyncadd.s32 $0xFFFFEC00  }
0x331: {  	_ =	swait.ge [sflag:s6], $0x1400  }
0x332: {  	[sflag:s6] =	ssyncset.done $0x0  }
0x333: {  	[sflag:s6] =	ssyncadd.s32 $0xFFFFEC00  }
0x334: {  	_ =	swait.ge [sflag:s6], $0x1400  }
0x335: {  	[sflag:s6] =	ssyncset.done $0x0  }
0x336: {  	[sflag:s6] =	ssyncadd.s32 $0xFFFFEC00  }
0x337: {  	_ =	swait.ge [sflag:s6], $0x1400  }
0x338: {  	[sflag:s6] =	ssyncset.done $0x0  }
0x339: {  	[sflag:s6] =	ssyncadd.s32 $0xFFFFEC00  }
0x33a: {  	_ =	swait.ge [sflag:s6], $0x1400  }
0x33b: {  	[sflag:s6] =	ssyncset.done $0x0  }
0x33c: {  	[sflag:s6] =	ssyncadd.s32 $0xFFFFEC00  }
0x33d: {  	_ =	swait.ge [sflag:s9], $0x1400  }
0x33e: {  	[sflag:s9] =	ssyncset.done $0x0  }
0x33f: {  	[sflag:s9] =	ssyncadd.s32 $0xFFFFEC00  }
0x340: {  	_ =	swait.ge [sflag:s9], $0x1400  }
0x341: {  	[sflag:s9] =	ssyncset.done $0x0  }
0x342: {  	[sflag:s9] =	ssyncadd.s32 $0xFFFFEC00  }
0x343: {  	_ =	swait.ge [sflag:s9], $0x1400  }
0x344: {  	[sflag:s9] =	ssyncset.done $0x0  }
0x345: {  	[sflag:s9] =	ssyncadd.s32 $0xFFFFEC00  }
0x346: {  	_ =	swait.ge [sflag:s9], $0x1400  }
0x347: {  	[sflag:s9] =	ssyncset.done $0x0  }
0x348: {  	[sflag:s9] =	ssyncadd.s32 $0xFFFFEC00  }
0x349: {  	_ =	swait.ge [sflag:s9], $0x1400  }
0x34a: {  	[sflag:s9] =	ssyncset.done $0x0  }
0x34b: {  	[sflag:s9] =	ssyncadd.s32 $0xFFFFEC00  }
0x34c: {  	_ =	swait.ge [sflag:s9], $0x1400  }
0x34d: {  	[sflag:s9] =	ssyncset.done $0x0  }
0x34e: {  	[sflag:s9] =	ssyncadd.s32 $0xFFFFEC00  }
0x34f: {  	_ =	swait.ge [sflag:s9], $0x1400  }
0x350: {  	[sflag:s9] =	ssyncset.done $0x0  }
0x351: {  	[sflag:s9] =	ssyncadd.s32 $0xFFFFEC00  }
0x352: {  	_ =	swait.ge [sflag:s9], $0x1400  }
0x353: {  	[sflag:s9] =	ssyncset.done $0x0  }
0x354: {  	[sflag:s9] =	ssyncadd.s32 $0xFFFFEC00  }
0x355: {  	_ =	swait.ge [sflag:s9], $0x1400  }
0x356: {  	[sflag:s9] =	ssyncset.done $0x0  }
0x357: {  	[sflag:s9] =	ssyncadd.s32 $0xFFFFEC00  }
0x358: {  	_ =	swait.ge [sflag:s9], $0x1400  }
0x359: {  	[sflag:s9] =	ssyncset.done $0x0  }
0x35a: {  	[sflag:s9] =	ssyncadd.s32 $0xFFFFEC00  }
0x35b: {  	[bflag:$0x0] =	sbarrier.arrive $0xFFFF  }
0x35c: {  	s12 =	stileid.u32;
	s30 =	sld [smem:$0x7F3]  }
0x35d: {  	s0 =	sshll.u32 s12, $0x6;
	s13 =	sshrl.u32 s7, $0x3  }
0x35e: {  	s2 =	sor.u32 $0x1C0B, s0;
	[smem:$0x7EC] =	sst s13  }
0x35f: {  	[hbm:s30], [sflag:s2] =	dma.local [spmem:s13], $0x2700  }
0x360: {  	_ =	swait.ge [sflag:s16], $0x2700  }
0x361: {  	s0 =	sld [smem:$0x7F1];
	_ =	sdelay $0x2  }
0x362: {  	s10 =	sshrl.u32 @!p0 s0, $0x3;
	s0 =	sld [smem:$0x7F4]  }
0x363: {  	[sflag:s16] =	ssyncset.done $0x0;
	[smem:$0x7ED] =	sst s2  }
0x364: {  	[sflag:s16] =	ssyncadd.s32 $0xFFFFD900;
	[smem:$0x7EE] =	sst s10  }
0x365: {  	[hbm:s0], [sflag:s2] =	dma.local @!p0 [spmem:s10], $0x100  }
0x366: {  	s0 =	simm.s32 @!p0 $0xB  }
0x367: {  	_ =	swait.ge @!p0 [sflag:s0], $0x100  }
0x368: {  	[sflag:s0] =	ssyncset.done @!p0 $0x0  }
0x369: {  	s31 =	sadd.s32 $0x0, s7;
	[sflag:s0] =	ssyncadd.s32 @!p0 $0xFFFFFF00  }
0x36a: {  	[spmem:s31] =	stream.linear.scatter [tilespmem:s15], [sflag:$0xB], $0x800, $0x38;
	[tilespmem:$0x1F080] =	vst v63  }
0x36b: {  	s13 =	simm.s32 $0x3380;
	s2 =	simm.s32 $0x2000;
	_ =	swait.ge [sflag:s16], $0x800  }
.LBB2_10:
0x36c: {  	s0 =	sshra.s32 s2, $0x2;
	[sflag:s16] =	ssyncset.done $0x0;
	p1 =	sne.s32 s2, $0x4C000  }
.Ltmp4:
0x36d: {  	s0 =	sadd.s32 s0, s7;
	[sflag:s16] =	ssyncadd.s32 $0xFFFFF800;
	(pc) =	sbr.rel @p1 .LBB2_10-.Ltmp4, $3  }
0x36e: {  	[spmem:s0] =	stream.linear.scatter [tilespmem:s15], [sflag:$0xB], $0x800, $0x38;
	[tilespmem:$0x1F080] =	vst v63  }
0x36f: {  	s2 =	sadd.s32 $0x2000, s2;
	_ =	sdelay $0x1  }
0x370: {  	_ =	swait.ge [sflag:s16], $0x800  }
0x371: {  	s2 =	sld [smem:$0x7F1]  }
0x372: {  	[sflag:s16] =	ssyncset.done $0x0  }
0x373: {  	s0 =	simm.s32 @!p0 $0x3800;
	[sflag:s16] =	ssyncadd.s32 $0xFFFFF800  }
0x374: {  	[spmem:s2] =	stream.linear.scatter @!p0 [tilespmem:s0], [sflag:$0xB], $0x800, $0x38;
	[tilespmem:$0x1F080] =	vst v63  }
0x375: {  	s0 =	simm.s32 @!p0 $0xB  }
0x376: {  	_ =	swait.ge @!p0 [sflag:s0], $0x800  }
0x377: {  	[sflag:s0] =	ssyncset.done @!p0 $0x0  }
0x378: {  	[sflag:s0] =	ssyncadd.s32 @!p0 $0xFFFFF800  }
0x379: {  	s12 =	simm.s32 $0x3480;
	[bflag:$0x0] =	sbarrier.arrive $0xFFFF  }
0x37a: {  	s11 =	simm.s32 $0x3400;
	s30 =	simm.s32 $0x0;
	s10 =	sld [smem:$0x7FD]  }
.LBB2_12:
0x37b: {  	s2 =	sld [smem:$0x7F2]  }
0x37c: {  	s0 =	smul.u32 $0x1C00, s30;
	_ =	sdelay $0x1  }
0x37d: {  	s0 =	sadd.s32 s2, s0;
	s2 =	sld [smem:$0x7F0];
	_ =	sdelay $0x1  }
0x37e: {  	s0 =	sshrl.u32 s0, $0x3  }
0x37f: {  	s31 =	simm.s32 $0x0;
	s2 =	sadd.s32 s2, s0  }
0x380: {  	[tilespmem:s31], [sflag:$0xB] =	stream.linear.gather [hbm4b:s2+s31], $0x1900, $0x38;
	[tilespmem:$0x1F080] =	vst v63  }
0x381: {  	_ =	swait.ge [sflag:s16], $0x1900  }
0x382: {  	[sflag:s16] =	ssyncset.done $0x0  }
0x383: {  	s0 =	sadd.s32 s10, s0;
	[sflag:s16] =	ssyncadd.s32 $0xFFFFE700  }
0x384: {  	[tilespmem:s17], [sflag:$0xB] =	stream.linear.gather [hbm4b:s0+s31], $0x1900, $0x38;
	[tilespmem:$0x1F080] =	vst v63  }
0x385: {  	_ =	swait.ge [sflag:s16], $0x1900  }
0x386: {  	[sflag:s16] =	ssyncset.done $0x0  }
0x387: {  	[sflag:s16] =	ssyncadd.s32 $0xFFFFE700  }
0x388: {  	[tilespmem:s4], [sflag:$0x1] =	stream.indirect.gather [hbm4b:s1+s18], $0x80, s31, s18, $0xb8;
	[tilespmem:$0x1F080] =	vst v63  }
0x389: {  	s2 =	simm.s32 $0x80  }
0x38a: {  	[tilespmem:s20], [sflag:$0x2] =	stream.indirect.gather [hbm4b:s1+s18], $0x80, s2, s18, $0xb8;
	[tilespmem:$0x1F080] =	vst v63  }
0x38b: {  	s2 =	simm.s32 $0x100  }
0x38c: {  	[tilespmem:s21], [sflag:$0x3] =	stream.indirect.gather [hbm4b:s1+s18], $0x80, s2, s18, $0xb8;
	[tilespmem:$0x1F080] =	vst v63  }
0x38d: {  	s2 =	simm.s32 $0x180  }
0x38e: {  	[tilespmem:s22], [sflag:$0x4] =	stream.indirect.gather [hbm4b:s1+s18], $0x80, s2, s18, $0xb8;
	[tilespmem:$0x1F080] =	vst v63  }
0x38f: {  	s2 =	simm.s32 $0x200  }
0x390: {  	[tilespmem:s23], [sflag:$0x5] =	stream.indirect.gather [hbm4b:s1+s18], $0x80, s2, s18, $0xb8;
	[tilespmem:$0x1F080] =	vst v63  }
0x391: {  	_ =	swait.ge [sflag:s24], $0x1400  }
0x392: {  	[sflag:s24] =	ssyncset.done $0x0  }
0x393: {  	s2 =	simm.s32 $0x1C00;
	[sflag:s24] =	ssyncadd.s32 $0xFFFFEC00  }
0x394: {  	[spmem:s3] =	stream.indirect.scatter.add.f32 [tilespmem:s4], [sflag:$0x6], $0x80, s2, s18, $0xb8;
	[tilespmem:$0x1F080] =	vst v63  }
0x395: {  	_ =	swait.ge [sflag:s25], $0x1400  }
0x396: {  	[sflag:s25] =	ssyncset.done $0x0  }
0x397: {  	s2 =	simm.s32 $0x1C80;
	[sflag:s25] =	ssyncadd.s32 $0xFFFFEC00  }
0x398: {  	[spmem:s3] =	stream.indirect.scatter.add.f32 [tilespmem:s20], [sflag:$0x7], $0x80, s2, s18, $0xb8;
	[tilespmem:$0x1F080] =	vst v63  }
0x399: {  	_ =	swait.ge [sflag:s26], $0x1400  }
0x39a: {  	[sflag:s26] =	ssyncset.done $0x0  }
0x39b: {  	s2 =	simm.s32 $0x1D00;
	[sflag:s26] =	ssyncadd.s32 $0xFFFFEC00  }
0x39c: {  	[spmem:s3] =	stream.indirect.scatter.add.f32 [tilespmem:s21], [sflag:$0x8], $0x80, s2, s18, $0xb8;
	[tilespmem:$0x1F080] =	vst v63  }
0x39d: {  	_ =	swait.ge [sflag:s28], $0x1400  }
0x39e: {  	[sflag:s28] =	ssyncset.done $0x0  }
0x39f: {  	s2 =	simm.s32 $0x1D80;
	[sflag:s28] =	ssyncadd.s32 $0xFFFFEC00  }
0x3a0: {  	[spmem:s3] =	stream.indirect.scatter.add.f32 [tilespmem:s22], [sflag:$0x9], $0x80, s2, s18, $0xb8;
	[tilespmem:$0x1F080] =	vst v63  }
0x3a1: {  	_ =	swait.ge [sflag:s29], $0x1400  }
0x3a2: {  	[sflag:s29] =	ssyncset.done $0x0  }
0x3a3: {  	s2 =	simm.s32 $0x1E00;
	[sflag:s29] =	ssyncadd.s32 $0xFFFFEC00  }
0x3a4: {  	[spmem:s3] =	stream.indirect.scatter.add.f32 [tilespmem:s23], [sflag:$0xA], $0x80, s2, s18, $0xb8;
	[tilespmem:$0x1F080] =	vst v63  }
0x3a5: {  	_ =	swait.ge [sflag:s14], $0x1400  }
0x3a6: {  	[sflag:s14] =	ssyncset.done $0x0  }
0x3a7: {  	s2 =	simm.s32 $0x280;
	[sflag:s14] =	ssyncadd.s32 $0xFFFFEC00  }
0x3a8: {  	[tilespmem:s4], [sflag:$0x1] =	stream.indirect.gather [hbm4b:s1+s18], $0x80, s2, s18, $0xb8;
	[tilespmem:$0x1F080] =	vst v63  }
0x3a9: {  	_ =	swait.ge [sflag:s8], $0x1400  }
0x3aa: {  	[sflag:s8] =	ssyncset.done $0x0  }
0x3ab: {  	s2 =	simm.s32 $0x300;
	[sflag:s8] =	ssyncadd.s32 $0xFFFFEC00  }
0x3ac: {  	[tilespmem:s20], [sflag:$0x2] =	stream.indirect.gather [hbm4b:s1+s18], $0x80, s2, s18, $0xb8;
	[tilespmem:$0x1F080] =	vst v63  }
0x3ad: {  	_ =	swait.ge [sflag:s5], $0x1400  }
0x3ae: {  	[sflag:s5] =	ssyncset.done $0x0  }
0x3af: {  	s2 =	simm.s32 $0x380;
	[sflag:s5] =	ssyncadd.s32 $0xFFFFEC00  }
0x3b0: {  	[tilespmem:s21], [sflag:$0x3] =	stream.indirect.gather [hbm4b:s1+s18], $0x80, s2, s18, $0xb8;
	[tilespmem:$0x1F080] =	vst v63  }
0x3b1: {  	_ =	swait.ge [sflag:s6], $0x1400  }
0x3b2: {  	[sflag:s6] =	ssyncset.done $0x0  }
0x3b3: {  	s2 =	simm.s32 $0x400;
	[sflag:s6] =	ssyncadd.s32 $0xFFFFEC00  }
0x3b4: {  	[tilespmem:s22], [sflag:$0x4] =	stream.indirect.gather [hbm4b:s1+s18], $0x80, s2, s18, $0xb8;
	[tilespmem:$0x1F080] =	vst v63  }
0x3b5: {  	_ =	swait.ge [sflag:s9], $0x1400  }
0x3b6: {  	[sflag:s9] =	ssyncset.done $0x0  }
0x3b7: {  	s31 =	simm.s32 $0xA00;
	s2 =	simm.s32 $0x480;
	[sflag:s9] =	ssyncadd.s32 $0xFFFFEC00  }
.LBB2_13:
0x3b8: {  	[tilespmem:s23], [sflag:$0x5] =	stream.indirect.gather [hbm4b:s1+s18], $0x80, s2, s18, $0xb8;
	[tilespmem:$0x1F080] =	vst v63  }
0x3b9: {  	s0 =	smov.u32 s31  }
0x3ba: {  	p1 =	sne.s32 s31, $0x5000;
	s31 =	sadd.s32 $0xA00, s31;
	_ =	swait.ge [sflag:s24], $0x1400  }
0x3bb: {  	s2 =	sshra.s32 s0, $0x2;
	[sflag:s24] =	ssyncset.done $0x0  }
0x3bc: {  	s0 =	sadd.s32 $0x1C00, s2;
	[sflag:s24] =	ssyncadd.s32 $0xFFFFEC00  }
0x3bd: {  	[spmem:s3] =	stream.indirect.scatter.add.f32 [tilespmem:s4], [sflag:$0x6], $0x80, s0, s18, $0xb8;
	[tilespmem:$0x1F080] =	vst v63  }
0x3be: {  	_ =	swait.ge [sflag:s25], $0x1400  }
0x3bf: {  	[sflag:s25] =	ssyncset.done $0x0  }
0x3c0: {  	s0 =	sadd.s32 $0x1C80, s2;
	[sflag:s25] =	ssyncadd.s32 $0xFFFFEC00  }
0x3c1: {  	[spmem:s3] =	stream.indirect.scatter.add.f32 [tilespmem:s20], [sflag:$0x7], $0x80, s0, s18, $0xb8;
	[tilespmem:$0x1F080] =	vst v63  }
0x3c2: {  	_ =	swait.ge [sflag:s26], $0x1400  }
0x3c3: {  	[sflag:s26] =	ssyncset.done $0x0  }
0x3c4: {  	s0 =	sadd.s32 $0x1D00, s2;
	[sflag:s26] =	ssyncadd.s32 $0xFFFFEC00  }
0x3c5: {  	[spmem:s3] =	stream.indirect.scatter.add.f32 [tilespmem:s21], [sflag:$0x8], $0x80, s0, s18, $0xb8;
	[tilespmem:$0x1F080] =	vst v63  }
0x3c6: {  	_ =	swait.ge [sflag:s28], $0x1400  }
0x3c7: {  	[sflag:s28] =	ssyncset.done $0x0  }
0x3c8: {  	s0 =	sadd.s32 $0x1D80, s2;
	[sflag:s28] =	ssyncadd.s32 $0xFFFFEC00  }
0x3c9: {  	[spmem:s3] =	stream.indirect.scatter.add.f32 [tilespmem:s22], [sflag:$0x9], $0x80, s0, s18, $0xb8;
	[tilespmem:$0x1F080] =	vst v63  }
0x3ca: {  	_ =	swait.ge [sflag:s29], $0x1400  }
0x3cb: {  	[sflag:s29] =	ssyncset.done $0x0  }
0x3cc: {  	s0 =	sadd.s32 $0x1E00, s2;
	[sflag:s29] =	ssyncadd.s32 $0xFFFFEC00  }
0x3cd: {  	[spmem:s3] =	stream.indirect.scatter.add.f32 [tilespmem:s23], [sflag:$0xA], $0x80, s0, s18, $0xb8;
	[tilespmem:$0x1F080] =	vst v63  }
0x3ce: {  	_ =	swait.ge [sflag:s14], $0x1400  }
0x3cf: {  	[sflag:s14] =	ssyncset.done $0x0  }
0x3d0: {  	s0 =	sadd.s32 $0x280, s2;
	[sflag:s14] =	ssyncadd.s32 $0xFFFFEC00  }
0x3d1: {  	[tilespmem:s4], [sflag:$0x1] =	stream.indirect.gather [hbm4b:s1+s18], $0x80, s0, s18, $0xb8;
	[tilespmem:$0x1F080] =	vst v63  }
0x3d2: {  	_ =	swait.ge [sflag:s8], $0x1400  }
0x3d3: {  	[sflag:s8] =	ssyncset.done $0x0  }
0x3d4: {  	s0 =	sadd.s32 $0x300, s2;
	[sflag:s8] =	ssyncadd.s32 $0xFFFFEC00  }
0x3d5: {  	[tilespmem:s20], [sflag:$0x2] =	stream.indirect.gather [hbm4b:s1+s18], $0x80, s0, s18, $0xb8;
	[tilespmem:$0x1F080] =	vst v63  }
0x3d6: {  	_ =	swait.ge [sflag:s5], $0x1400  }
0x3d7: {  	[sflag:s5] =	ssyncset.done $0x0  }
0x3d8: {  	s0 =	sadd.s32 $0x380, s2;
	[sflag:s5] =	ssyncadd.s32 $0xFFFFEC00  }
0x3d9: {  	[tilespmem:s21], [sflag:$0x3] =	stream.indirect.gather [hbm4b:s1+s18], $0x80, s0, s18, $0xb8;
	[tilespmem:$0x1F080] =	vst v63  }
0x3da: {  	_ =	swait.ge [sflag:s6], $0x1400  }
0x3db: {  	[sflag:s6] =	ssyncset.done $0x0  }
.Ltmp5:
0x3dc: {  	s0 =	sadd.s32 $0x400, s2;
	[sflag:s6] =	ssyncadd.s32 $0xFFFFEC00;
	(pc) =	sbr.rel @p1 .LBB2_13-.Ltmp5, $4  }
0x3dd: {  	[tilespmem:s22], [sflag:$0x4] =	stream.indirect.gather [hbm4b:s1+s18], $0x80, s0, s18, $0xb8;
	[tilespmem:$0x1F080] =	vst v63  }
0x3de: {  	_ =	swait.ge [sflag:s9], $0x1400  }
0x3df: {  	[sflag:s9] =	ssyncset.done $0x0  }
0x3e0: {  	s2 =	sadd.s32 $0x480, s2;
	[sflag:s9] =	ssyncadd.s32 $0xFFFFEC00  }
0x3e1: {  	[tilespmem:s23], [sflag:$0x5] =	stream.indirect.gather [hbm4b:s1+s18], $0x80, s2, s18, $0xb8;
	[tilespmem:$0x1F080] =	vst v63  }
0x3e2: {  	_ =	swait.ge [sflag:s24], $0x1400  }
0x3e3: {  	[sflag:s24] =	ssyncset.done $0x0  }
0x3e4: {  	s0 =	simm.s32 $0x3280;
	[sflag:s24] =	ssyncadd.s32 $0xFFFFEC00  }
0x3e5: {  	[spmem:s3] =	stream.indirect.scatter.add.f32 [tilespmem:s4], [sflag:$0x6], $0x80, s0, s18, $0xb8;
	[tilespmem:$0x1F080] =	vst v63  }
0x3e6: {  	_ =	swait.ge [sflag:s25], $0x1400  }
0x3e7: {  	[sflag:s25] =	ssyncset.done $0x0  }
0x3e8: {  	s31 =	simm.s32 $0x3300;
	[sflag:s25] =	ssyncadd.s32 $0xFFFFEC00  }
0x3e9: {  	[spmem:s3] =	stream.indirect.scatter.add.f32 [tilespmem:s20], [sflag:$0x7], $0x80, s31, s18, $0xb8;
	[tilespmem:$0x1F080] =	vst v63  }
0x3ea: {  	_ =	swait.ge [sflag:s26], $0x1400  }
0x3eb: {  	[sflag:s26] =	ssyncset.done $0x0  }
0x3ec: {  	[sflag:s26] =	ssyncadd.s32 $0xFFFFEC00  }
0x3ed: {  	[spmem:s3] =	stream.indirect.scatter.add.f32 [tilespmem:s21], [sflag:$0x8], $0x80, s13, s18, $0xb8;
	[tilespmem:$0x1F080] =	vst v63  }
0x3ee: {  	_ =	swait.ge [sflag:s28], $0x1400  }
0x3ef: {  	[sflag:s28] =	ssyncset.done $0x0  }
0x3f0: {  	[sflag:s28] =	ssyncadd.s32 $0xFFFFEC00  }
0x3f1: {  	[spmem:s3] =	stream.indirect.scatter.add.f32 [tilespmem:s22], [sflag:$0x9], $0x80, s11, s18, $0xb8;
	[tilespmem:$0x1F080] =	vst v63  }
0x3f2: {  	_ =	swait.ge [sflag:s29], $0x1400  }
0x3f3: {  	[sflag:s29] =	ssyncset.done $0x0  }
0x3f4: {  	[sflag:s29] =	ssyncadd.s32 $0xFFFFEC00  }
0x3f5: {  	[spmem:s3] =	stream.indirect.scatter.add.f32 [tilespmem:s23], [sflag:$0xA], $0x80, s12, s18, $0xb8;
	[tilespmem:$0x1F080] =	vst v63  }
0x3f6: {  	_ =	swait.ge [sflag:s14], $0x1400  }
0x3f7: {  	[sflag:s14] =	ssyncset.done $0x0  }
0x3f8: {  	[sflag:s14] =	ssyncadd.s32 $0xFFFFEC00  }
0x3f9: {  	_ =	swait.ge [sflag:s8], $0x1400  }
0x3fa: {  	[sflag:s8] =	ssyncset.done $0x0  }
0x3fb: {  	[sflag:s8] =	ssyncadd.s32 $0xFFFFEC00  }
0x3fc: {  	_ =	swait.ge [sflag:s5], $0x1400  }
0x3fd: {  	[sflag:s5] =	ssyncset.done $0x0  }
0x3fe: {  	s30 =	sadd.s32 $0x1, s30;
	[sflag:s5] =	ssyncadd.s32 $0xFFFFEC00  }
0x3ff: {  	p1 =	sne.s32 s30, $0x5;
	_ =	swait.ge [sflag:s6], $0x1400  }
.Ltmp6:
0x400: {  	[sflag:s6] =	ssyncset.done $0x0;
	(pc) =	sbr.rel @p1 .LBB2_12-.Ltmp6, $4  }
0x401: {  	[sflag:s6] =	ssyncadd.s32 $0xFFFFEC00  }
0x402: {  	_ =	swait.ge [sflag:s9], $0x1400  }
0x403: {  	[sflag:s9] =	ssyncset.done $0x0  }
0x404: {  	[sflag:s9] =	ssyncadd.s32 $0xFFFFEC00  }
0x405: {  	[bflag:$0x0] =	sbarrier.arrive $0xFFFF  }
0x406: {  	s0 =	sld [smem:$0x7F5]  }
0x407: {  	s2 =	sld [smem:$0x7ED]  }
0x408: {  	s11 =	sld [smem:$0x7EC];
	_ =	sdelay $0x2  }
0x409: {  	[hbm:s0], [sflag:s2] =	dma.local [spmem:s11], $0x2700  }
0x40a: {  	_ =	swait.ge [sflag:s16], $0x2700  }
0x40b: {  	s0 =	sld [smem:$0x7F6]  }
0x40c: {  	s11 =	sld [smem:$0x7EE]  }
0x40d: {  	[sflag:s16] =	ssyncset.done $0x0  }
0x40e: {  	[sflag:s16] =	ssyncadd.s32 $0xFFFFD900  }
0x40f: {  	[hbm:s0], [sflag:s2] =	dma.local @!p0 [spmem:s11], $0x100  }
0x410: {  	s0 =	simm.s32 @!p0 $0xB  }
0x411: {  	_ =	swait.ge @!p0 [sflag:s0], $0x100  }
0x412: {  	s13 =	sld [smem:$0x7EF]  }
0x413: {  	s30 =	sld [smem:$0x7F7];
	_ =	sdelay $0x1  }
0x414: {  	s11 =	sadd.s32 $0x1, s13  }
0x415: {  	p1 =	sne.s32 s11, s30  }
.Ltmp7:
0x416: {  	_ = 	snop;
	(pc) =	sbr.rel @p1 .LBB2_1-.Ltmp7, $3  }
0x417: {  	_ =	sdelay $0x1  }
0x418: {  	[sflag:s0] =	ssyncset.done @!p0 $0x0  }
0x419: {  	s31 =	simm.s32 $0x0;
	[sflag:s0] =	ssyncadd.s32 @!p0 $0xFFFFFF00  }
0x41a: {  	_ =	sfence.sel $0x180000  }
0x41b: {  	[bflag:$0x0] =	sbarrier.arrive $0xFFFF  }
0x41c: {  	_ =	strace $0x90000047  }
0x41d: {  	s0 =	stileid.u32;
	[bflag:$0x2] =	sbarrier.arrive $0xFFFF  }
0x41e: {  	p0 =	sne.s32 s0, $0x0;
	s0 =	rddreg [dreg:$0x3]  }
0x41f: {  	s0 =	sadd.s32 @!p0 $0x100000, s0  }
0x420: {  	[sflag:s0] =	ssyncadd.tile.s32 @!p0 $0x1;
	_ =	shalt  }
.Lfunc_end2:
_tile_overlayer_lowered:
.L_overlay_start_2:
0x421: {  	(tag) =	ssettag $0x2  }
0x422: {  	s0 =	rddreg [dreg:$0x0];
	s2 =	stileid.u32  }
0x423: {  	s1 =	rddreg [dreg:$0x1];
	p0 =	sne.s32 s2, $0x0  }
0x424: {  	s3 =	rddreg [dreg:$0x2];
	[bflag:$0x3] =	sbarrier.arrive $0xFFFF;
	s2 =	simm.s32 @!p0 $0x1C0B  }
0x425: {  	[timem:s3], [sflag:s2] =	dma.local @!p0 [hbm:s0], s1  }
0x426: {  	s0 =	simm.s32 @!p0 $0xB  }
0x427: {  	_ =	swait.ge @!p0 [sflag:s0], s1  }
0x428: {  	s1 =	ssub.s32 @!p0 $0x0, s1;
	[sflag:s0] =	ssyncset.done @!p0 $0x0  }
0x429: {  	[sflag:s0] =	ssyncadd.s32 @!p0 s1  }
0x42a: {  	[bflag:$0x3] =	sbarrier.arrive $0xFFFF  }
0x42b: {  	_ =	shalt  }

// kernel: kernel.9.cloned.1.call-start
scs
__scs_entry_jumppad:
0x0: {  	(pc) =	sbr.rel $0x88, $3  }
0x1: {  	(tag) =	ssettag $0x0;
	lr =	simm.s32 $0x1  }
0x2: {  	[smem:$0x3F99] =	sst lr;
	_ =	strace $0xD0000000  }
0x3: {  	_ = 	snop  }
0x4: {  	_ = 	snop  }
0x5: {  	_ = 	snop  }
0x6: {  	_ = 	snop  }
0x7: {  	_ = 	snop  }
__scs_overlays_trampoline_lowered:
0x8: {  	[smem:$0x3FA8] =	sst s0  }
0x9: {  	[smem:$0x3FA9] =	sst s1  }
0xa: {  	[smem:$0x3FAA] =	sst s2  }
0xb: {  	[smem:$0x3FAB] =	sst s3  }
0xc: {  	[smem:$0x3FAC] =	sst s4  }
0xd: {  	[smem:$0x3FAD] =	sst s5  }
0xe: {  	[smem:$0x3FAE] =	sst s6  }
0xf: {  	[smem:$0x3FAF] =	sst s7  }
0x10: {  	[smem:$0x3FB0] =	sst s8  }
0x11: {  	[smem:$0x3FB1] =	sst s9;
	s0 =	simm.s32 @!p0 $0x0  }
0x12: {  	s1 =	sld [smem:$0x3F97];
	s0 =	simm.s32 @p0 $0x1  }
0x13: {  	[smem:$0x3FB2] =	sst s0;
	s0 =	simm.s32 @!p1 $0x0  }
0x14: {  	s2 =	sld [smem:$0x3F96];
	s0 =	simm.s32 @p1 $0x1  }
0x15: {  	[smem:$0x3FB3] =	sst s0;
	s0 =	simm.s32 @!p2 $0x0  }
0x16: {  	s3 =	sld [smem:$0x3FDB];
	s0 =	simm.s32 @p2 $0x1  }
0x17: {  	s4 =	simm.s32 $0x1BF5;
	[smem:$0x3FB5] =	sst s0  }
0x18: {  	s0 =	sld [smem:$0x3F98];
	_ =	swait.ge [sflag:s4], $0x0  }
0x19: {  	s7 =	sld [smem:$0x3F99]  }
0x1a: {  	s8 =	sadd.s32 $0xFFFFE003, lr  }
0x1b: {  	s9 =	sadd.s32 $0xFFFFFEF7, lr;
	s5 =	simm.s32 $0xFFFFFFFF;
	p2 =	slt.u32 s8, $0xFFFFF086  }
0x1c: {  	p1 =	slt.u32 s9, $0xF7A;
	s5 =	simm.s32 @!p2 $0x0  }
0x1d: {  	s5 =	simm.s32 @p1 $0x1;
	p0 =	seq.s32 s7, s2  }
0x1e: {  	s7 =	smul.u32 @!p0 $0xF7A, s2;
	p2 =	seq.s32 @!p0 s5, $0x0  }
0x1f: {  	s9 =	smul.u32 $0xF7A, s1;
	s8 =	simm.s32 @!p0 $0x1BF5;
	p2 =	por !p2, p0  }
0x20: {  	[sflag:s8] =	ssyncset.s32 @!p0 $0xFFFFF086;
	s6 =	sadd.s32 @!p0 s3, s7;
	s7 =	simm.s32 @!p0 $0x108  }
0x21: {  	s3 =	sadd.s32 s3, s9;
	s6 =	sadd.s32 @!p0 $0x88, s6;
	s7 =	simm.s32 @p2 $0x1082  }
0x22: {  	[simem:s7], [sflag:s8] =	dma.local @!p0 [hbm:s6], $0xF7A  }
0x23: {  	s9 =	sor.u32 $0xD0000000, s2;
	s6 =	simm.s32 $0x108;
	_ =	swait.ge @!p0 [sflag:s8], $0x0  }
0x24: {  	s3 =	sadd.s32 $0x88, s3;
	s6 =	simm.s32 @!p1 $0x1082;
	[sflag:s4] =	ssyncset.s32 $0xFFFFF086  }
0x25: {  	[simem:s6], [sflag:s4] =	dma.local [hbm:s3], $0xF7A  }
0x26: {  	[smem:$0x3F99] =	sst s1;
	(tag) =	ssettag s2;
	_ =	strace s9  }
0x27: {  	s1 =	sld [smem:$0x3FA9]  }
0x28: {  	s2 =	sld [smem:$0x3FAA]  }
0x29: {  	s4 =	sld [smem:$0x3FAC]  }
0x2a: {  	p0 =	seq.s32 s5, $0x0;
	s5 =	sld [smem:$0x3FAD]  }
0x2b: {  	s6 =	sld [smem:$0x3FAE]  }
0x2c: {  	s7 =	sld [smem:$0x3FAF]  }
0x2d: {  	s3 =	simm.s32 $0x108;
	s8 =	sld [smem:$0x3FB0]  }
0x2e: {  	s3 =	simm.s32 @!p0 $0x1082;
	s9 =	sld [smem:$0x3FB1]  }
0x2f: {  	lr =	sadd.s32 s0, s3;
	s0 =	sld [smem:$0x3FA8]  }
0x30: {  	s3 =	sld [smem:$0x3FAB]  }
0x31: {  	[smem:$0x3FB4] =	sst s10  }
0x32: {  	s10 =	sld [smem:$0x3FB2];
	_ =	sdelay $0x3  }
0x33: {  	p0 =	seq.s32 s10, $0x1;
	s10 =	sld [smem:$0x3FB4];
	_ =	sdelay $0x3  }
0x34: {  	[smem:$0x3FB4] =	sst s10  }
0x35: {  	s10 =	sld [smem:$0x3FB3];
	_ =	sdelay $0x3  }
0x36: {  	p1 =	seq.s32 s10, $0x1;
	s10 =	sld [smem:$0x3FB4];
	_ =	sdelay $0x3  }
0x37: {  	[smem:$0x3FB4] =	sst s10  }
0x38: {  	s10 =	sld [smem:$0x3FB5]  }
0x39: {  	_ = 	snop;
	(pc) =	sbr.ind lr, $3  }
0x3a: {  	_ = 	snop  }
0x3b: {  	_ = 	snop  }
0x3c: {  	p2 =	seq.s32 s10, $0x1;
	s10 =	sld [smem:$0x3FB4]  }
0x3d: {  	_ =	shalt  }
0x3e: {  	_ =	shalt  }
0x3f: {  	_ =	shalt  }
0x40: {  	_ =	shalt  }
0x41: {  	_ =	shalt  }
0x42: {  	_ =	shalt  }
0x43: {  	_ =	shalt  }
0x44: {  	_ =	shalt  }
0x45: {  	_ =	shalt  }
0x46: {  	_ =	shalt  }
0x47: {  	_ =	shalt  }
0x48: {  	_ =	shalt  }
0x49: {  	_ =	shalt  }
0x4a: {  	_ =	shalt  }
0x4b: {  	_ =	shalt  }
0x4c: {  	_ =	shalt  }
0x4d: {  	_ =	shalt  }
0x4e: {  	_ =	shalt  }
0x4f: {  	_ =	shalt  }
0x50: {  	_ =	shalt  }
0x51: {  	_ =	shalt  }
0x52: {  	_ =	shalt  }
0x53: {  	_ =	shalt  }
0x54: {  	_ =	shalt  }
0x55: {  	_ =	shalt  }
0x56: {  	_ =	shalt  }
0x57: {  	_ =	shalt  }
0x58: {  	_ =	shalt  }
0x59: {  	_ =	shalt  }
0x5a: {  	_ =	shalt  }
0x5b: {  	_ =	shalt  }
0x5c: {  	_ =	shalt  }
0x5d: {  	_ =	shalt  }
0x5e: {  	_ =	shalt  }
0x5f: {  	_ =	shalt  }
0x60: {  	_ =	shalt  }
0x61: {  	_ =	shalt  }
0x62: {  	_ =	shalt  }
0x63: {  	_ =	shalt  }
0x64: {  	_ =	shalt  }
0x65: {  	_ =	shalt  }
0x66: {  	_ =	shalt  }
0x67: {  	_ =	shalt  }
0x68: {  	_ =	shalt  }
0x69: {  	_ =	shalt  }
0x6a: {  	_ =	shalt  }
0x6b: {  	_ =	shalt  }
0x6c: {  	_ =	shalt  }
0x6d: {  	_ =	shalt  }
0x6e: {  	_ =	shalt  }
0x6f: {  	_ =	shalt  }
0x70: {  	_ =	shalt  }
0x71: {  	_ =	shalt  }
0x72: {  	_ =	shalt  }
0x73: {  	_ =	shalt  }
0x74: {  	_ =	shalt  }
0x75: {  	_ =	shalt  }
0x76: {  	_ =	shalt  }
0x77: {  	_ =	shalt  }
0x78: {  	_ =	shalt  }
0x79: {  	_ =	shalt  }
0x7a: {  	_ =	shalt  }
0x7b: {  	_ =	shalt  }
0x7c: {  	_ =	shalt  }
0x7d: {  	_ =	shalt  }
0x7e: {  	_ =	shalt  }
0x7f: {  	_ =	shalt  }
0x80: {  	_ =	shalt  }
0x81: {  	_ =	shalt  }
0x82: {  	_ =	shalt  }
0x83: {  	_ =	shalt  }
0x84: {  	_ =	shalt  }
0x85: {  	_ =	shalt  }
0x86: {  	_ =	shalt  }
0x87: {  	_ =	shalt  }
.Lfunc_end0:
.L_simem_size_0:
called_computation.1_lowered:
.L_overlay_start_0:
0x88: {  	s2 =	sld [smem:$0x3FD9]  }
0x89: {  	s3 =	sld [smem:$0x3FFE];
	_ =	sdelay $0x1  }
0x8a: {  	s1 =	srdreg.scid  }
0x8b: {  	s0 =	sand.u32 $0x1, s1  }
0x8c: {  	s17 =	sshll.u32 s0, $0xA;
	s2 =	sadd.s32 s3, s2  }
0x8d: {  	s2 =	sadd.s32 s2, s17  }
0x8e: {  	[smem:$0x3FC0] =	sst s2  }
0x8f: {  	_ = 	snop  }
0x90: {  	s2 =	sld [smem:$0x3FD0];
	(tm) =	ssettm $0x1  }
0x91: {  	s18 =	sld [smem:$0x3FFB];
	_ =	sdelay $0x3  }
0x92: {  	_ =	strace s18  }
0x93: {  	s3 =	sld [smem:$0x3FFC];
	_ =	sdelay $0x3  }
0x94: {  	_ =	strace s3  }
0x95: {  	s3 =	sld [smem:$0x3FFD];
	_ =	sdelay $0x3  }
0x96: {  	_ =	strace s3  }
0x97: {  	_ =	strace $0x8FFFFFFF  }
0x98: {  	s19 =	sld [smem:$0x3FDB];
	_ =	sdelay $0x1  }
0x99: {  	s4 =	simm.s32 $_scs_section_size  }
0x9a: {  	s5 =	simm.s32 $_size__tile_overlayer_lowered;
	s6 =	simm.s32 $_tile_overlayer_lowered  }
0x9b: {  	s22 =	simm.s32 $0x1BFF;
	s21 =	sshll.u32 s6, $0x1;
	s3 =	sadd.s32 s4, s19  }
0x9c: {  	s7 =	simm.s32 $0x0;
	s20 =	sshll.u32 s5, $0x1;
	s5 =	sadd.s32 s21, s3  }
0x9d: {  	[timem:s7], [sflag:s22] =	dma.local [hbm:s5], s20  }
0x9e: {  	_ =	swait.ge [sflag:s22], s20  }
0x9f: {  	s4 =	ssub.s32 $0x0, s20;
	[sflag:s22] =	ssyncset.done $0x0  }
0xa0: {  	[sflag:s22] =	ssyncadd.s32 s4;
	_ =	sdelay $0x1  }
0xa1: {  	s23 =	simm.s32 $0x1B8B  }
0xa2: {  	_ =	swait.ge [sflag:s23], $0x1  }
0xa3: {  	[sflag:s23] =	ssyncset.done $0x0  }
0xa4: {  	s25 =	simm.s32 $0x1B8E;
	s24 =	sld [smem:$0x3FFE];
	[sflag:s23] =	ssyncadd.s32 $0xFFFFFFFF  }
0xa5: {  	s26 =	simm.s32 $execute0_lowered;
	[smem:$0x3FD2] =	sst s25  }
0xa6: {  	s5 =	sshll.u32 s26, $0x1;
	_ =	strace $0x80000049;
	[dreg:$0x1] =	wrdreg $0xFFFFFFFF  }
0xa7: {  	s28 =	simm.s32 $_size_execute0_lowered;
	s3 =	sadd.s32 s3, s5;
	[dreg:$0x0] =	wrdreg $0x0  }
0xa8: {  	s5 =	sshll.u32 s28, $0x1;
	[dreg:$0x2] =	wrdreg s3  }
0xa9: {  	[dreg:$0x3] =	wrdreg s5  }
0xaa: {  	[dreg:$0x4] =	wrdreg $0xC0  }
0xab: {  	_ =	task [dreg:s7], $0x5FFFF  }
0xac: {  	[dreg:$0x1] =	wrdreg $0xFFFFFFFF  }
0xad: {  	[dreg:$0x0] =	wrdreg $0x60  }
0xae: {  	[dreg:$0x2] =	wrdreg s2  }
0xaf: {  	[dreg:$0x3] =	wrdreg s24  }
0xb0: {  	[dreg:$0x4] =	wrdreg $0x40000  }
0xb1: {  	[dreg:$0x5] =	wrdreg $0x9  }
0xb2: {  	_ =	task.clear_ibuf [dreg:s7], $0x6FFFF;
	_ =	strace $0x90000049  }
0xb3: {  	s29 =	simm.s32 $0x9;
	_ =	strace $0x8000004B  }
0xb4: {  	_ =	swait.ge [sflag:s29], $0x1  }
0xb5: {  	[sflag:s29] =	ssyncadd.s32 $0xFFFFFFFF  }
0xb6: {  	_ =	strace $0x9000004B  }
0xb7: {  	_ =	sfence  }
0xb8: {  	s30 =	sld [smem:$0x0];
	_ =	sdelay $0x2  }
0xb9: {  	s31 =	sshll.u32 s1, $0xD;
	s1 =	sshrl.u32 s1, $0x2  }
0xba: {  	s3 =	sand.u32 $0x4000, s31;
	s1 =	sadd.s32 s1, s30  }
0xbb: {  	s0 =	sor.u32 s3, s0;
	s1 =	sshll.u32 s1, $0x11  }
0xbc: {  	s0 =	sor.u32 s1, s0  }
0xbd: {  	s0 =	sadd.s32 $0x8F2B, s0  }
0xbe: {  	[sflag:s0] =	ssyncadd.remote.s32 $0x1  }
0xbf: {  	_ =	sfence.sel $0xFFFF  }
0xc0: {  	[dreg:$0x0] =	wrdreg $0xFFFFFFFF;
	(pc) =	sbr.abs _section_cstart, $3  }
0xc1: {  	[dreg:$0x1] =	wrdreg $0xFFFFFFFF  }
0xc2: {  	_ =	task.clear_ibuf [dreg:s7], $0x2FFFF;
	_ =	strace $0x9FFFFFFF  }
0xc3: {  	(tm) =	ssettm $0x7FFFFFFF  }
tec
execute0_lowered:
.L_overlay_start_1:
0x0: {  	(tag) =	ssettag $0x1  }
0x1: {  	s1 =	rddreg [dreg:$0x0]  }
0x2: {  	s0 =	rddreg [dreg:$0x1]  }
0x3: {  	s2 =	rddreg [dreg:$0x2];
	s15 =	simm.s32 $0x0;
	s3 =	srdreg.scid  }
0x4: {  	s12 =	stileid.u32;
	s13 =	simm.s32 $0x3800;
	s14 =	simm.s32 $0xB  }
0x5: {  	s16 =	simm.s32 $0x28;
	s17 =	simm.s32 $0x17880;
	s19 =	simm.s32 $0x18C80  }
0x6: {  	s21 =	simm.s32 $0x1A080;
	s23 =	simm.s32 $0x1B480;
	s28 =	simm.s32 $0x2  }
0x7: {  	s29 =	simm.s32 $0x3;
	s30 =	simm.s32 $0x4;
	s31 =	simm.s32 $0x5  }
0x8: {  	s18 =	simm.s32 $0x3400;
	s20 =	simm.s32 $0x3480;
	[smem:$0x7FF] =	sst s15  }
0x9: {  	s5 =	sadd.s32 $0x2000, s0;
	s6 =	sadd.s32 $0x25000, s0;
	s4 =	smul.u32 $0x4E000, s12  }
0xa: {  	s3 =	sand.u32 $0x1, s3;
	s0 =	sadd.s32 $0x48000, s0;
	s10 =	smul.u32 $0x13800, s12  }
0xb: {  	s22 =	sadd.s32 $0x138000, s2;
	p0 =	sne.s32 s12, $0xF;
	_ =	strace $0x8000004A  }
0xc: {  	s7 =	ssub.s32 $0x2, s3;
	s8 =	smul.u32 $0x138800, s3;
	s3 =	sshll.u32 s3, $0x4  }
0xd: {  	[dreg:$0x5] =	wrdreg s22;
	s9 =	sshrl.u32 s7, $0x1;
	s3 =	sor.u32 s12, s3  }
0xe: {  	s4 =	sshrl.u32 s4, $0x2;
	s12 =	simm.s32 $0xA;
	s11 =	ssub.s32 s7, s9  }
0xf: {  	s7 =	sadd.s32 s4, s2;
	s24 =	sadd.s32 s10, s8;
	s8 =	sshrl.u32 s8, $0x3  }
0x10: {  	s9 =	smul.u32 $0x8C00, s3;
	s10 =	simm.s32 $0x8;
	s4 =	sshrl.u32 s24, $0x3  }
0x11: {  	s8 =	sadd.s32 s0, s8;
	s26 =	smax.u32 s11, $0x1;
	s11 =	simm.s32 $0x9  }
0x12: {  	s0 =	sadd.s32 s0, s4;
	s25 =	sadd.s32 $0x27000, s8;
	[dreg:$0x8] =	wrdreg s26  }
0x13: {  	s26 =	simm.s32 $0x1;
	s4 =	simm.s32 $0x7;
	[dreg:$0x6] =	wrdreg s0  }
0x14: {  	v0 =	vimm.f32 $0.0e+00;
	[dreg:$0x7] =	wrdreg s25;
	s25 =	simm.s32 $0x1C880;
	s0 =	simm.s32 $0x6  }
.LBB2_1:
0x15: {  	s3 =	simm.s32 $0x0;
	s8 =	simm.s32 $0x200  }
.LBB2_2:
0x16: {  	p1 =	sne.s32 s8, $0x1E00;
	[tilespmem:s3+$0x3870] =	vst v0  }
0x17: {  	[tilespmem:s3+$0x3800] =	vst v0  }
0x18: {  	[tilespmem:s3+$0x3810] =	vst v0  }
.Ltmp0:
0x19: {  	[tilespmem:s3+$0x3820] =	vst v0;
	(pc) =	sbr.rel @p1 .LBB2_2-.Ltmp0, $4  }
0x1a: {  	[tilespmem:s3+$0x3830] =	vst v0  }
0x1b: {  	[tilespmem:s3+$0x3840] =	vst v0  }
0x1c: {  	[tilespmem:s3+$0x3850] =	vst v0  }
0x1d: {  	[tilespmem:s3+$0x3860] =	vst v0;
	s3 =	sshra.s32 s8, $0x2;
	s8 =	sadd.s32 $0x200, s8  }
0x1e: {  	[tilespmem:s3+$0x3870] =	vst v0  }
0x1f: {  	[tilespmem:s3+$0x3800] =	vst v0  }
0x20: {  	[tilespmem:s3+$0x3810] =	vst v0  }
0x21: {  	[tilespmem:s3+$0x3820] =	vst v0  }
0x22: {  	[tilespmem:s3+$0x3830] =	vst v0  }
0x23: {  	[tilespmem:s3+$0x3840] =	vst v0  }
0x24: {  	[tilespmem:s3+$0x3850] =	vst v0  }
0x25: {  	[dreg:$0x4] =	wrdreg s15;
	[tilespmem:s3+$0x3860] =	vst v0;
	s24 =	sadd.s32 $0x0, s7  }
0x26: {  	[spmem:s24] =	stream.linear.scatter [tilespmem:s13], [sflag:$0xB], $0x800, $0x38;
	[tilespmem:$0x1DC80] =	vst v63  }
0x27: {  	s3 =	simm.s32 $0x2000;
	_ =	swait.ge [sflag:s14], $0x800  }
.LBB2_4:
0x28: {  	s8 =	sshra.s32 s3, $0x2;
	[sflag:s14] =	ssyncset.done $0x0;
	p1 =	sne.s32 s3, $0x4C000  }
.Ltmp1:
0x29: {  	s8 =	sadd.s32 s8, s7;
	[sflag:s14] =	ssyncadd.s32 $0xFFFFF800;
	(pc) =	sbr.rel @p1 .LBB2_4-.Ltmp1, $3  }
0x2a: {  	[spmem:s8] =	stream.linear.scatter [tilespmem:s13], [sflag:$0xB], $0x800, $0x38;
	[tilespmem:$0x1DC80] =	vst v63  }
0x2b: {  	s3 =	sadd.s32 $0x2000, s3;
	_ =	sdelay $0x1  }
0x2c: {  	_ =	swait.ge [sflag:s14], $0x800  }
0x2d: {  	[sflag:s14] =	ssyncset.done $0x0  }
0x2e: {  	s3 =	simm.s32 @!p0 $0x3800;
	[sflag:s14] =	ssyncadd.s32 $0xFFFFF800  }
0x2f: {  	[spmem:s22] =	stream.linear.scatter @!p0 [tilespmem:s3], [sflag:$0xB], $0x800, $0x38;
	[tilespmem:$0x1DC80] =	vst v63  }
0x30: {  	s3 =	simm.s32 @!p0 $0xB  }
0x31: {  	_ =	swait.ge @!p0 [sflag:s3], $0x800  }
0x32: {  	[sflag:s3] =	ssyncset.done @!p0 $0x0  }
0x33: {  	[sflag:s3] =	ssyncadd.s32 @!p0 $0xFFFFF800  }
0x34: {  	s24 =	simm.s32 $0x0;
	s22 =	simm.s32 $0x0;
	[bflag:$0x0] =	sbarrier.arrive $0xFFFF  }
.LBB2_6:
0x35: {  	s3 =	smul.u32 $0x1C00, s24;
	_ =	sdelay $0x1  }
0x36: {  	s3 =	sadd.s32 s9, s3  }
0x37: {  	s3 =	sshrl.u32 s3, $0x3  }
0x38: {  	s8 =	sadd.s32 s5, s3  }
0x39: {  	[tilespmem:s22], [sflag:$0xB] =	stream.linear.gather [hbm4b:s8+s22], $0x1900, $0x38;
	[tilespmem:$0x1DC80] =	vst v63  }
0x3a: {  	_ =	swait.ge [sflag:s14], $0x1900  }
0x3b: {  	[sflag:s14] =	ssyncset.done $0x0  }
0x3c: {  	s15 =	simm.s32 $0x1C00;
	s3 =	sadd.s32 s6, s3;
	[sflag:s14] =	ssyncadd.s32 $0xFFFFE700  }
0x3d: {  	[tilespmem:s15], [sflag:$0xB] =	stream.linear.gather [hbm4b:s3+s22], $0x1900, $0x38;
	[tilespmem:$0x1DC80] =	vst v63  }
0x3e: {  	_ =	swait.ge [sflag:s14], $0x1900  }
0x3f: {  	[sflag:s14] =	ssyncset.done $0x0  }
0x40: {  	[sflag:s14] =	ssyncadd.s32 $0xFFFFE700  }
0x41: {  	[tilespmem:s17], [sflag:$0x1] =	stream.indirect.gather [hbm4b:s1+s16], $0x80, s22, s16, $0xb8;
	[tilespmem:$0x1DC80] =	vst v63  }
0x42: {  	s15 =	simm.s32 $0x80  }
0x43: {  	[tilespmem:s19], [sflag:$0x2] =	stream.indirect.gather [hbm4b:s1+s16], $0x80, s15, s16, $0xb8;
	[tilespmem:$0x1DC80] =	vst v63  }
0x44: {  	s8 =	simm.s32 $0x100  }
0x45: {  	[tilespmem:s21], [sflag:$0x3] =	stream.indirect.gather [hbm4b:s1+s16], $0x80, s8, s16, $0xb8;
	[tilespmem:$0x1DC80] =	vst v63  }
0x46: {  	s15 =	simm.s32 $0x180  }
0x47: {  	[tilespmem:s23], [sflag:$0x4] =	stream.indirect.gather [hbm4b:s1+s16], $0x80, s15, s16, $0xb8;
	[tilespmem:$0x1DC80] =	vst v63  }
0x48: {  	s8 =	simm.s32 $0x200  }
0x49: {  	[tilespmem:s25], [sflag:$0x5] =	stream.indirect.gather [hbm4b:s1+s16], $0x80, s8, s16, $0xb8;
	[tilespmem:$0x1DC80] =	vst v63  }
0x4a: {  	_ =	swait.ge [sflag:s26], $0x1400  }
0x4b: {  	[sflag:s26] =	ssyncset.done $0x0  }
0x4c: {  	s15 =	simm.s32 $0x1C00;
	[sflag:s26] =	ssyncadd.s32 $0xFFFFEC00  }
0x4d: {  	[spmem:s2] =	stream.indirect.scatter.add.f32 [tilespmem:s17], [sflag:$0x6], $0x80, s15, s16, $0xb8;
	[tilespmem:$0x1DC80] =	vst v63  }
0x4e: {  	_ =	swait.ge [sflag:s28], $0x1400  }
0x4f: {  	[sflag:s28] =	ssyncset.done $0x0  }
0x50: {  	s8 =	simm.s32 $0x1C80;
	[sflag:s28] =	ssyncadd.s32 $0xFFFFEC00  }
0x51: {  	[spmem:s2] =	stream.indirect.scatter.add.f32 [tilespmem:s19], [sflag:$0x7], $0x80, s8, s16, $0xb8;
	[tilespmem:$0x1DC80] =	vst v63  }
0x52: {  	_ =	swait.ge [sflag:s29], $0x1400  }
0x53: {  	[sflag:s29] =	ssyncset.done $0x0  }
0x54: {  	s15 =	simm.s32 $0x1D00;
	[sflag:s29] =	ssyncadd.s32 $0xFFFFEC00  }
0x55: {  	[spmem:s2] =	stream.indirect.scatter.add.f32 [tilespmem:s21], [sflag:$0x8], $0x80, s15, s16, $0xb8;
	[tilespmem:$0x1DC80] =	vst v63  }
0x56: {  	_ =	swait.ge [sflag:s30], $0x1400  }
0x57: {  	[sflag:s30] =	ssyncset.done $0x0  }
0x58: {  	s8 =	simm.s32 $0x1D80;
	[sflag:s30] =	ssyncadd.s32 $0xFFFFEC00  }
0x59: {  	[spmem:s2] =	stream.indirect.scatter.add.f32 [tilespmem:s23], [sflag:$0x9], $0x80, s8, s16, $0xb8;
	[tilespmem:$0x1DC80] =	vst v63  }
0x5a: {  	_ =	swait.ge [sflag:s31], $0x1400  }
0x5b: {  	[sflag:s31] =	ssyncset.done $0x0  }
0x5c: {  	s15 =	simm.s32 $0x1E00;
	[sflag:s31] =	ssyncadd.s32 $0xFFFFEC00  }
0x5d: {  	[spmem:s2] =	stream.indirect.scatter.add.f32 [tilespmem:s25], [sflag:$0xA], $0x80, s15, s16, $0xb8;
	[tilespmem:$0x1DC80] =	vst v63  }
0x5e: {  	_ =	swait.ge [sflag:s0], $0x1400  }
0x5f: {  	[sflag:s0] =	ssyncset.done $0x0  }
0x60: {  	s8 =	simm.s32 $0x280;
	[sflag:s0] =	ssyncadd.s32 $0xFFFFEC00  }
0x61: {  	[tilespmem:s17], [sflag:$0x1] =	stream.indirect.gather [hbm4b:s1+s16], $0x80, s8, s16, $0xb8;
	[tilespmem:$0x1DC80] =	vst v63  }
0x62: {  	_ =	swait.ge [sflag:s4], $0x1400  }
0x63: {  	[sflag:s4] =	ssyncset.done $0x0  }
0x64: {  	s15 =	simm.s32 $0x300;
	[sflag:s4] =	ssyncadd.s32 $0xFFFFEC00  }
0x65: {  	[tilespmem:s19], [sflag:$0x2] =	stream.indirect.gather [hbm4b:s1+s16], $0x80, s15, s16, $0xb8;
	[tilespmem:$0x1DC80] =	vst v63  }
0x66: {  	_ =	swait.ge [sflag:s10], $0x1400  }
0x67: {  	[sflag:s10] =	ssyncset.done $0x0  }
0x68: {  	s8 =	simm.s32 $0x380;
	[sflag:s10] =	ssyncadd.s32 $0xFFFFEC00  }
0x69: {  	[tilespmem:s21], [sflag:$0x3] =	stream.indirect.gather [hbm4b:s1+s16], $0x80, s8, s16, $0xb8;
	[tilespmem:$0x1DC80] =	vst v63  }
0x6a: {  	_ =	swait.ge [sflag:s11], $0x1400  }
0x6b: {  	[sflag:s11] =	ssyncset.done $0x0  }
0x6c: {  	s15 =	simm.s32 $0x400;
	[sflag:s11] =	ssyncadd.s32 $0xFFFFEC00  }
0x6d: {  	[tilespmem:s23], [sflag:$0x4] =	stream.indirect.gather [hbm4b:s1+s16], $0x80, s15, s16, $0xb8;
	[tilespmem:$0x1DC80] =	vst v63  }
0x6e: {  	_ =	swait.ge [sflag:s12], $0x1400  }
0x6f: {  	[sflag:s12] =	ssyncset.done $0x0  }
0x70: {  	s3 =	simm.s32 $0x480;
	s8 =	simm.s32 $0xA00;
	[sflag:s12] =	ssyncadd.s32 $0xFFFFEC00  }
.LBB2_7:
0x71: {  	[tilespmem:s25], [sflag:$0x5] =	stream.indirect.gather [hbm4b:s1+s16], $0x80, s3, s16, $0xb8;
	[tilespmem:$0x1DC80] =	vst v63  }
0x72: {  	s3 =	smov.u32 s8  }
0x73: {  	p1 =	sne.s32 s8, $0x5000;
	s8 =	sadd.s32 $0xA00, s8;
	_ =	swait.ge [sflag:s26], $0x1400  }
0x74: {  	s3 =	sshra.s32 s3, $0x2;
	[sflag:s26] =	ssyncset.done $0x0  }
0x75: {  	s15 =	sadd.s32 $0x1C00, s3;
	[sflag:s26] =	ssyncadd.s32 $0xFFFFEC00  }
0x76: {  	[spmem:s2] =	stream.indirect.scatter.add.f32 [tilespmem:s17], [sflag:$0x6], $0x80, s15, s16, $0xb8;
	[tilespmem:$0x1DC80] =	vst v63  }
0x77: {  	_ =	swait.ge [sflag:s28], $0x1400  }
0x78: {  	[sflag:s28] =	ssyncset.done $0x0  }
0x79: {  	s15 =	sadd.s32 $0x1C80, s3;
	[sflag:s28] =	ssyncadd.s32 $0xFFFFEC00  }
0x7a: {  	[spmem:s2] =	stream.indirect.scatter.add.f32 [tilespmem:s19], [sflag:$0x7], $0x80, s15, s16, $0xb8;
	[tilespmem:$0x1DC80] =	vst v63  }
0x7b: {  	_ =	swait.ge [sflag:s29], $0x1400  }
0x7c: {  	[sflag:s29] =	ssyncset.done $0x0  }
0x7d: {  	s15 =	sadd.s32 $0x1D00, s3;
	[sflag:s29] =	ssyncadd.s32 $0xFFFFEC00  }
0x7e: {  	[spmem:s2] =	stream.indirect.scatter.add.f32 [tilespmem:s21], [sflag:$0x8], $0x80, s15, s16, $0xb8;
	[tilespmem:$0x1DC80] =	vst v63  }
0x7f: {  	_ =	swait.ge [sflag:s30], $0x1400  }
0x80: {  	[sflag:s30] =	ssyncset.done $0x0  }
0x81: {  	s15 =	sadd.s32 $0x1D80, s3;
	[sflag:s30] =	ssyncadd.s32 $0xFFFFEC00  }
0x82: {  	[spmem:s2] =	stream.indirect.scatter.add.f32 [tilespmem:s23], [sflag:$0x9], $0x80, s15, s16, $0xb8;
	[tilespmem:$0x1DC80] =	vst v63  }
0x83: {  	_ =	swait.ge [sflag:s31], $0x1400  }
0x84: {  	[sflag:s31] =	ssyncset.done $0x0  }
0x85: {  	s15 =	sadd.s32 $0x1E00, s3;
	[sflag:s31] =	ssyncadd.s32 $0xFFFFEC00  }
0x86: {  	[spmem:s2] =	stream.indirect.scatter.add.f32 [tilespmem:s25], [sflag:$0xA], $0x80, s15, s16, $0xb8;
	[tilespmem:$0x1DC80] =	vst v63  }
0x87: {  	_ =	swait.ge [sflag:s0], $0x1400  }
0x88: {  	[sflag:s0] =	ssyncset.done $0x0  }
0x89: {  	s15 =	sadd.s32 $0x280, s3;
	[sflag:s0] =	ssyncadd.s32 $0xFFFFEC00  }
0x8a: {  	[tilespmem:s17], [sflag:$0x1] =	stream.indirect.gather [hbm4b:s1+s16], $0x80, s15, s16, $0xb8;
	[tilespmem:$0x1DC80] =	vst v63  }
0x8b: {  	_ =	swait.ge [sflag:s4], $0x1400  }
0x8c: {  	[sflag:s4] =	ssyncset.done $0x0  }
0x8d: {  	s15 =	sadd.s32 $0x300, s3;
	[sflag:s4] =	ssyncadd.s32 $0xFFFFEC00  }
0x8e: {  	[tilespmem:s19], [sflag:$0x2] =	stream.indirect.gather [hbm4b:s1+s16], $0x80, s15, s16, $0xb8;
	[tilespmem:$0x1DC80] =	vst v63  }
0x8f: {  	_ =	swait.ge [sflag:s10], $0x1400  }
0x90: {  	[sflag:s10] =	ssyncset.done $0x0  }
0x91: {  	s15 =	sadd.s32 $0x380, s3;
	[sflag:s10] =	ssyncadd.s32 $0xFFFFEC00  }
0x92: {  	[tilespmem:s21], [sflag:$0x3] =	stream.indirect.gather [hbm4b:s1+s16], $0x80, s15, s16, $0xb8;
	[tilespmem:$0x1DC80] =	vst v63  }
0x93: {  	_ =	swait.ge [sflag:s11], $0x1400  }
0x94: {  	[sflag:s11] =	ssyncset.done $0x0  }
.Ltmp2:
0x95: {  	s15 =	sadd.s32 $0x400, s3;
	[sflag:s11] =	ssyncadd.s32 $0xFFFFEC00;
	(pc) =	sbr.rel @p1 .LBB2_7-.Ltmp2, $4  }
0x96: {  	[tilespmem:s23], [sflag:$0x4] =	stream.indirect.gather [hbm4b:s1+s16], $0x80, s15, s16, $0xb8;
	[tilespmem:$0x1DC80] =	vst v63  }
0x97: {  	_ =	swait.ge [sflag:s12], $0x1400  }
0x98: {  	[sflag:s12] =	ssyncset.done $0x0  }
0x99: {  	s3 =	sadd.s32 $0x480, s3;
	[sflag:s12] =	ssyncadd.s32 $0xFFFFEC00  }
0x9a: {  	[tilespmem:s25], [sflag:$0x5] =	stream.indirect.gather [hbm4b:s1+s16], $0x80, s3, s16, $0xb8;
	[tilespmem:$0x1DC80] =	vst v63  }
0x9b: {  	_ =	swait.ge [sflag:s26], $0x1400  }
0x9c: {  	[sflag:s26] =	ssyncset.done $0x0  }
0x9d: {  	s15 =	simm.s32 $0x3280;
	[sflag:s26] =	ssyncadd.s32 $0xFFFFEC00  }
0x9e: {  	[spmem:s2] =	stream.indirect.scatter.add.f32 [tilespmem:s17], [sflag:$0x6], $0x80, s15, s16, $0xb8;
	[tilespmem:$0x1DC80] =	vst v63  }
0x9f: {  	_ =	swait.ge [sflag:s28], $0x1400  }
0xa0: {  	[sflag:s28] =	ssyncset.done $0x0  }
0xa1: {  	s8 =	simm.s32 $0x3300;
	[sflag:s28] =	ssyncadd.s32 $0xFFFFEC00  }
0xa2: {  	[spmem:s2] =	stream.indirect.scatter.add.f32 [tilespmem:s19], [sflag:$0x7], $0x80, s8, s16, $0xb8;
	[tilespmem:$0x1DC80] =	vst v63  }
0xa3: {  	_ =	swait.ge [sflag:s29], $0x1400  }
0xa4: {  	[sflag:s29] =	ssyncset.done $0x0  }
0xa5: {  	s15 =	simm.s32 $0x3380;
	[sflag:s29] =	ssyncadd.s32 $0xFFFFEC00  }
0xa6: {  	[spmem:s2] =	stream.indirect.scatter.add.f32 [tilespmem:s21], [sflag:$0x8], $0x80, s15, s16, $0xb8;
	[tilespmem:$0x1DC80] =	vst v63  }
0xa7: {  	_ =	swait.ge [sflag:s30], $0x1400  }
0xa8: {  	[sflag:s30] =	ssyncset.done $0x0  }
0xa9: {  	[sflag:s30] =	ssyncadd.s32 $0xFFFFEC00  }
0xaa: {  	[spmem:s2] =	stream.indirect.scatter.add.f32 [tilespmem:s23], [sflag:$0x9], $0x80, s18, s16, $0xb8;
	[tilespmem:$0x1DC80] =	vst v63  }
0xab: {  	_ =	swait.ge [sflag:s31], $0x1400  }
0xac: {  	[sflag:s31] =	ssyncset.done $0x0  }
0xad: {  	[sflag:s31] =	ssyncadd.s32 $0xFFFFEC00  }
0xae: {  	[spmem:s2] =	stream.indirect.scatter.add.f32 [tilespmem:s25], [sflag:$0xA], $0x80, s20, s16, $0xb8;
	[tilespmem:$0x1DC80] =	vst v63  }
0xaf: {  	_ =	swait.ge [sflag:s0], $0x1400  }
0xb0: {  	[sflag:s0] =	ssyncset.done $0x0  }
0xb1: {  	[sflag:s0] =	ssyncadd.s32 $0xFFFFEC00  }
0xb2: {  	_ =	swait.ge [sflag:s4], $0x1400  }
0xb3: {  	[sflag:s4] =	ssyncset.done $0x0  }
0xb4: {  	[sflag:s4] =	ssyncadd.s32 $0xFFFFEC00  }
0xb5: {  	_ =	swait.ge [sflag:s10], $0x1400  }
0xb6: {  	[sflag:s10] =	ssyncset.done $0x0  }
0xb7: {  	s24 =	sadd.s32 $0x1, s24;
	[sflag:s10] =	ssyncadd.s32 $0xFFFFEC00  }
0xb8: {  	p1 =	sne.s32 s24, $0x5;
	_ =	swait.ge [sflag:s11], $0x1400  }
.Ltmp3:
0xb9: {  	[sflag:s11] =	ssyncset.done $0x0;
	(pc) =	sbr.rel @p1 .LBB2_6-.Ltmp3, $4  }
0xba: {  	[sflag:s11] =	ssyncadd.s32 $0xFFFFEC00  }
0xbb: {  	_ =	swait.ge [sflag:s12], $0x1400  }
0xbc: {  	[sflag:s12] =	ssyncset.done $0x0  }
0xbd: {  	[sflag:s12] =	ssyncadd.s32 $0xFFFFEC00  }
0xbe: {  	s3 =	stileid.u32  }
0xbf: {  	[bflag:$0x0] =	sbarrier.arrive $0xFFFF;
	s3 =	sshll.u32 s3, $0x6  }
0xc0: {  	s8 =	sshrl.u32 s7, $0x3;
	s15 =	rddreg [dreg:$0x6];
	s3 =	sor.u32 $0x1C0B, s3  }
0xc1: {  	[hbm:s15], [sflag:s3] =	dma.local [spmem:s8], $0x2700  }
0xc2: {  	_ =	swait.ge [sflag:s14], $0x2700  }
0xc3: {  	[sflag:s14] =	ssyncset.done $0x0;
	s22 =	rddreg [dreg:$0x5]  }
0xc4: {  	s15 =	rddreg [dreg:$0x7];
	[sflag:s14] =	ssyncadd.s32 $0xFFFFD900;
	s8 =	sshrl.u32 @!p0 s22, $0x3  }
0xc5: {  	[hbm:s15], [sflag:s3] =	dma.local @!p0 [spmem:s8], $0x100  }
0xc6: {  	s3 =	simm.s32 @!p0 $0xB  }
0xc7: {  	_ =	swait.ge @!p0 [sflag:s3], $0x100  }
0xc8: {  	s8 =	rddreg [dreg:$0x4]  }
0xc9: {  	s24 =	rddreg [dreg:$0x8];
	s15 =	sadd.s32 $0x1, s8  }
0xca: {  	p1 =	sne.s32 s15, s24  }
.Ltmp4:
0xcb: {  	_ = 	snop;
	(pc) =	sbr.rel @p1 .LBB2_1-.Ltmp4, $3  }
0xcc: {  	_ =	sdelay $0x1  }
0xcd: {  	[sflag:s3] =	ssyncset.done @!p0 $0x0  }
0xce: {  	[sflag:s3] =	ssyncadd.s32 @!p0 $0xFFFFFF00  }
0xcf: {  	_ =	sfence.sel $0x180000  }
0xd0: {  	[bflag:$0x0] =	sbarrier.arrive $0xFFFF  }
0xd1: {  	_ =	strace $0x9000004A  }
0xd2: {  	s0 =	stileid.u32;
	[bflag:$0x2] =	sbarrier.arrive $0xFFFF  }
0xd3: {  	p0 =	sne.s32 s0, $0x0;
	s0 =	rddreg [dreg:$0x3]  }
0xd4: {  	s0 =	sadd.s32 @!p0 $0x100000, s0  }
0xd5: {  	[sflag:s0] =	ssyncadd.tile.s32 @!p0 $0x1;
	_ =	shalt  }
.Lfunc_end2:
_tile_overlayer_lowered:
.L_overlay_start_2:
0xd6: {  	(tag) =	ssettag $0x2  }
0xd7: {  	s0 =	rddreg [dreg:$0x0];
	s2 =	stileid.u32  }
0xd8: {  	s1 =	rddreg [dreg:$0x1];
	p0 =	sne.s32 s2, $0x0  }
0xd9: {  	s3 =	rddreg [dreg:$0x2];
	[bflag:$0x3] =	sbarrier.arrive $0xFFFF;
	s2 =	simm.s32 @!p0 $0x1C0B  }
0xda: {  	[timem:s3], [sflag:s2] =	dma.local @!p0 [hbm:s0], s1  }
0xdb: {  	s0 =	simm.s32 @!p0 $0xB  }
0xdc: {  	_ =	swait.ge @!p0 [sflag:s0], s1  }
0xdd: {  	s1 =	ssub.s32 @!p0 $0x0, s1;
	[sflag:s0] =	ssyncset.done @!p0 $0x0  }
0xde: {  	[sflag:s0] =	ssyncadd.s32 @!p0 s1  }
0xdf: {  	[bflag:$0x3] =	sbarrier.arrive $0xFFFF  }
0xe0: {  	_ =	shalt  }

</sc_bundles>
